<compile_context>
chip_gen: v7x
topology: tpu7x:2x2x1
jax: 0.10.2.dev20260603
libtpu: 0.0.44.dev20260713+nightly
codegen_flags: <defaults>
</compile_context>

<pallas_src>
import functools

import jax
import jax.numpy as jnp
from jax import lax
from jax.experimental import pallas as pl
from jax.experimental.pallas import tpu as pltpu
from jax.experimental.pallas import tpu_sc as plsc

B = 8
N = 16384
S = 512
C = 64
W = 256
NCHUNK = N // W


def _fps_body(xyzt_ref, idx_ref, xo_ref, yo_ref, zo_ref,
              dist_ref, jgf_ref):
    x_ref = xyzt_ref.at[0]
    y_ref = xyzt_ref.at[1]
    z_ref = xyzt_ref.at[2]
    iota_s = lax.broadcasted_iota(jnp.int32, (B, S), 1)
    neg_inf = jnp.full((B, W), -jnp.inf, jnp.float32)
    zero_f = jnp.zeros((B, W), jnp.float32)
    dist_ref[:] = jnp.full((B, N), jnp.inf, jnp.float32)
    jgf_ref[:] = lax.broadcasted_iota(
        jnp.int32, (B, N), 1).astype(jnp.float32)
    def step(i, carry):
        li, qx, qy, qz = carry
        sel_s = iota_s == i
        idx_ref[:] = jnp.where(sel_s, li, idx_ref[:])
        xo_ref[:] = jnp.where(sel_s, qx, xo_ref[:])
        yo_ref[:] = jnp.where(sel_s, qy, yo_ref[:])
        zo_ref[:] = jnp.where(sel_s, qz, zo_ref[:])

        acc_m = neg_inf
        acc_j = zero_f
        acc_x = zero_f
        acc_y = zero_f
        acc_z = zero_f
        for c in range(NCHUNK):
            sl = pl.ds(c * W, W)
            xc = x_ref[:, sl]
            yc = y_ref[:, sl]
            zc = z_ref[:, sl]
            dx = xc - qx
            dy = yc - qy
            dz = zc - qz
            d = dx * dx + dy * dy + dz * dz
            dm = jnp.minimum(dist_ref[:, sl], d)
            dist_ref[:, sl] = dm
            win = dm > acc_m
            acc_m = jnp.where(win, dm, acc_m)
            acc_j = jnp.where(win, jgf_ref[:, sl], acc_j)
            acc_x = jnp.where(win, xc, acc_x)
            acc_y = jnp.where(win, yc, acc_y)
            acc_z = jnp.where(win, zc, acc_z)

        m1 = jnp.max(acc_m, axis=1, keepdims=True)
        cand = jnp.where(acc_m == m1, acc_j, jnp.float32(N))
        ni1 = jnp.min(cand, axis=1, keepdims=True)
        sel2 = cand == ni1
        nqx = jnp.sum(jnp.where(sel2, acc_x, 0.0), axis=1, keepdims=True)
        nqy = jnp.sum(jnp.where(sel2, acc_y, 0.0), axis=1, keepdims=True)
        nqz = jnp.sum(jnp.where(sel2, acc_z, 0.0), axis=1, keepdims=True)
        return ni1.astype(jnp.int32), nqx, nqy, nqz

    li0 = jnp.zeros((B, 1), jnp.int32)
    init = (li0, x_ref[:, 0:1], y_ref[:, 0:1], z_ref[:, 0:1])
    lax.fori_loop(0, S, step, init)


def _fps(xyzt):
    return pl.pallas_call(
        _fps_body,
        out_shape=[
            jax.ShapeDtypeStruct((B, S), jnp.int32),
            jax.ShapeDtypeStruct((B, S), jnp.float32),
            jax.ShapeDtypeStruct((B, S), jnp.float32),
            jax.ShapeDtypeStruct((B, S), jnp.float32),
        ],
        scratch_shapes=[pltpu.VMEM((B, N), jnp.float32),
                        pltpu.VMEM((B, N), jnp.float32)],
    )(xyzt)


_NC = 2
_NS = 16
_L = 16
_NW = _NC * _NS
_BPW = (B * S) // _NW


@functools.cache
def _make_gather():
    mesh = plsc.VectorSubcoreMesh(core_axis_name="c", subcore_axis_name="s")

    @functools.partial(
        pl.kernel,
        mesh=mesh,
        out_type=jax.ShapeDtypeStruct((B * S, C), jnp.float32),
        scratch_types=[
            pltpu.VMEM((_BPW,), jnp.int32),
            pltpu.VMEM((_BPW, C), jnp.float32),
            pltpu.SemaphoreType.DMA,
        ],
        compiler_params=pltpu.CompilerParams(use_tc_tiling_on_sc=False),
    )
    def gather_f(f_hbm, idx_hbm, out_hbm, idx_v, rows_v, sem):
        wid = lax.axis_index("s") * _NC + lax.axis_index("c")
        base = wid * _BPW
        pltpu.sync_copy(idx_hbm.at[pl.ds(base, _BPW)], idx_v)
        off = (base // S) * N
        for j in range(_BPW // _L):
            sl = pl.ds(j * _L, _L)
            idx_v[sl] = idx_v[sl] + off
        pltpu.async_copy(f_hbm.at[idx_v], rows_v, sem).wait()
        pltpu.sync_copy(rows_v, out_hbm.at[pl.ds(base, _BPW)])

    return gather_f


def kernel(xyz, f):
    idx, xo, yo, zo = _fps(jnp.transpose(xyz, (2, 0, 1)))
    xyz_sampled = jnp.stack([xo, yo, zo], axis=-1)
    f_sampled = _make_gather()(f.reshape(B * N, C), idx.reshape(B * S))
    return (xyz_sampled, f_sampled.reshape(B, S, C))

# --- scband reference (transcript-rebuilt; emitter-appended) ---
"""Pipeline reference for scband-sampling-74208444940507 (READ-ONLY COPY).

The authoritative reference and input builder live on the scoring server;
editing this copy changes nothing except your own understanding.
"""

import jax, jax.numpy as jnp
import numpy as np

S = 512

def farthest_point_sample(xyz, s):
    # xyz: [B, N, 3] -> idx: [B, s] (iterative FPS, first index = 0)
    def per_batch(pts):
        N = pts.shape[0]
        init_dists = jnp.full((N,), jnp.inf, dtype=pts.dtype)
        def body(carry, _):
            dists, last_idx = carry
            last_pt = pts[last_idx]
            d = jnp.sum((pts - last_pt[None, :]) ** 2, axis=-1)
            dists = jnp.minimum(dists, d)
            next_idx = jnp.argmax(dists).astype(jnp.int32)
            return (dists, next_idx), last_idx
        (_, _), idxs = jax.lax.scan(body, (init_dists, jnp.int32(0)), None, length=s)
        return idxs
    return jax.vmap(per_batch)(xyz)

def index_points(points, idx):
    # points: [B, N, C], idx: [B, S] -> [B, S, C]
    return jnp.take_along_axis(points, idx[:, :, None].astype(jnp.int32), axis=1)

def setup_inputs(seed: int = 0) -> dict:
    key = jax.random.key(seed)
    k1, k2 = jax.random.split(key)
    xyz = jax.random.normal(k1, (8, 16384, 3), dtype=jnp.float32)
    f = jax.random.normal(k2, (8, 16384, 64), dtype=jnp.float32)
    return {"xyz": xyz, "f": f}

def reference(xyz, f):
    idx = jax.lax.stop_gradient(farthest_point_sample(xyz, S))
    xyz_sampled = index_points(xyz, idx)
    f_sampled = index_points(f, idx)
    return (xyz_sampled, f_sampled)

if __name__ == "__main__":
    import jax
    _d = setup_inputs()
    print(jax.jit(kernel)(*tuple(_d.values())))

</pallas_src>

<mosaic_0001>
#map = affine_map<(d0, d1) -> (0, 0)>
#map1 = affine_map<(d0, d1) -> (0)>
module attributes {stable_mosaic.version = 14 : i64} {
  func.func @gather_f(%arg0: i32, %arg1: i32, %arg2: memref<131072x64xf32, #tpu.memory_space<hbm>>, %arg3: memref<4096xi32, #tpu.memory_space<hbm>>, %arg4: memref<4096x64xf32, #tpu.memory_space<hbm>>, %arg5: memref<128xi32, #tpu.memory_space<vmem>>, %arg6: memref<128x64xf32, #tpu.memory_space<vmem>>, %arg7: memref<!tpu.dma_semaphore, #tpu.memory_space<semaphore_mem>>) attributes {dimension_semantics = [#tpu.dimension_semantics<core_parallel>, #tpu.dimension_semantics<subcore_parallel>], iteration_bounds = array<i64: 2, 16>, scalar_prefetch = 0 : i64, scratch_operands = 3 : i64, tpu.core_type = #tpu.core_type<sc_vector_subcore>, window_params = [{transform_indices = #map}, {transform_indices = #map1}, {transform_indices = #map}]} {
    %mul3A = arith.constant 2 : i32
    %mul3A_0 = arith.muli %arg1, %mul3A : i32
    %add3A = arith.addi %mul3A_0, %arg0 : i32
    %mul3A_1 = arith.constant 128 : i32
    %mul3A_2 = arith.muli %add3A, %mul3A_1 : i32
    "tpu.region"() ({
      %run_scoped3A = tpu.sem_alloc : memref<!tpu.dma_semaphore, #tpu.memory_space<semaphore_mem>>
      %dma_start3A_95 = tpu.memref_slice %arg3[%mul3A_2] : memref<4096xi32, #tpu.memory_space<hbm>> -> memref<128xi32, #tpu.memory_space<hbm>>
      %dma_start3A_96 = tpu.memref_slice %arg3[%mul3A_2] : memref<4096xi32, #tpu.memory_space<hbm>> -> memref<128xi32, #tpu.memory_space<hbm>>
      tpu.enqueue_dma source(%dma_start3A_96 : memref<128xi32, #tpu.memory_space<hbm>>) target(%arg5 : memref<128xi32, #tpu.memory_space<vmem>>) target_semaphore(%run_scoped3A : memref<!tpu.dma_semaphore, #tpu.memory_space<semaphore_mem>>)
      %dma_wait3A_97 = tpu.memref_slice %arg3[%mul3A_2] : memref<4096xi32, #tpu.memory_space<hbm>> -> memref<128xi32, #tpu.memory_space<hbm>>
      %dma_wait3A_98 = tpu.memref_slice %arg3[%mul3A_2] : memref<4096xi32, #tpu.memory_space<hbm>> -> memref<128xi32, #tpu.memory_space<hbm>>
      tpu.wait_dma2 semaphore(%run_scoped3A : memref<!tpu.dma_semaphore, #tpu.memory_space<semaphore_mem>>) src(%dma_wait3A_98 : memref<128xi32, #tpu.memory_space<hbm>>) dst(%arg5 : memref<128xi32, #tpu.memory_space<vmem>>)
      tpu.yield
    }) : () -> ()
    %jit3A = arith.constant 512 : i32
    %div3A = arith.divsi %mul3A_2, %jit3A : i32
    %sign3A = arith.constant 0 : i32
    %sign3A_3 = arith.cmpi sgt, %mul3A_2, %sign3A : i32
    %sign3A_4 = arith.extui %sign3A_3 : i1 to i32
    %sign3A_5 = arith.constant 0 : i32
    %sign3A_6 = arith.cmpi slt, %mul3A_2, %sign3A_5 : i32
    %sign3A_7 = arith.extui %sign3A_6 : i1 to i32
    %sign3A_8 = arith.subi %sign3A_4, %sign3A_7 : i32
    %sign3A_9 = arith.constant 0 : i32
    %sign3A_10 = arith.cmpi sgt, %jit3A, %sign3A_9 : i32
    %sign3A_11 = arith.extui %sign3A_10 : i1 to i32
    %sign3A_12 = arith.constant 0 : i32
    %sign3A_13 = arith.cmpi slt, %jit3A, %sign3A_12 : i32
    %sign3A_14 = arith.extui %sign3A_13 : i1 to i32
    %sign3A_15 = arith.subi %sign3A_11, %sign3A_14 : i32
    %ne3A = arith.cmpi ne, %sign3A_8, %sign3A_15 : i32
    %rem3A = arith.remsi %mul3A_2, %jit3A : i32
    %ne3A_16 = arith.constant 0 : i32
    %ne3A_17 = arith.cmpi ne, %rem3A, %ne3A_16 : i32
    %and3A = arith.andi %ne3A, %ne3A_17 : i1
    %sub3A = arith.constant 1 : i32
    %sub3A_18 = arith.subi %div3A, %sub3A : i32
    %select_n3A = arith.select %and3A, %sub3A_18, %div3A : i32
    %mul3A_19 = arith.constant 16384 : i32
    %mul3A_20 = arith.muli %select_n3A, %mul3A_19 : i32
    %get3A = arith.constant 0 : index
    %get3A_21 = tpu.vector_load %arg5[%get3A] {strides = array<i32>} : memref<128xi32, #tpu.memory_space<vmem>>, vector<16xi32>,
    %get3A_22 = vector.shape_cast %get3A_21 : vector<16xi32> to vector<16xi32>
    %add3A_23 = vector.broadcast %mul3A_20 : i32 to vector<16xi32>
    %add3A_24 = arith.addi %get3A_22, %add3A_23 : vector<16xi32>
    %swap3A = arith.constant 0 : index
    %swap3A_25 = tpu.vector_load %arg5[%swap3A] {strides = array<i32>} : memref<128xi32, #tpu.memory_space<vmem>>, vector<16xi32>,
    %swap3A_26 = vector.shape_cast %swap3A_25 : vector<16xi32> to vector<16xi32>
    %swap3A_27 = vector.shape_cast %add3A_24 : vector<16xi32> to vector<16xi32>
    tpu.vector_store %arg5[%swap3A], %swap3A_27 {strides = array<i32>} : memref<128xi32, #tpu.memory_space<vmem>>, vector<16xi32>,
    %get3A_28 = arith.constant 16 : index
    %get3A_29 = tpu.vector_load %arg5[%get3A_28] {strides = array<i32>} : memref<128xi32, #tpu.memory_space<vmem>>, vector<16xi32>,
    %get3A_30 = vector.shape_cast %get3A_29 : vector<16xi32> to vector<16xi32>
    %add3A_31 = vector.broadcast %mul3A_20 : i32 to vector<16xi32>
    %add3A_32 = arith.addi %get3A_30, %add3A_31 : vector<16xi32>
    %swap3A_33 = arith.constant 16 : index
    %swap3A_34 = tpu.vector_load %arg5[%swap3A_33] {strides = array<i32>} : memref<128xi32, #tpu.memory_space<vmem>>, vector<16xi32>,
    %swap3A_35 = vector.shape_cast %swap3A_34 : vector<16xi32> to vector<16xi32>
    %swap3A_36 = vector.shape_cast %add3A_32 : vector<16xi32> to vector<16xi32>
    tpu.vector_store %arg5[%swap3A_33], %swap3A_36 {strides = array<i32>} : memref<128xi32, #tpu.memory_space<vmem>>, vector<16xi32>,
    %get3A_37 = arith.constant 32 : index
    %get3A_38 = tpu.vector_load %arg5[%get3A_37] {strides = array<i32>} : memref<128xi32, #tpu.memory_space<vmem>>, vector<16xi32>,
    %get3A_39 = vector.shape_cast %get3A_38 : vector<16xi32> to vector<16xi32>
    %add3A_40 = vector.broadcast %mul3A_20 : i32 to vector<16xi32>
    %add3A_41 = arith.addi %get3A_39, %add3A_40 : vector<16xi32>
    %swap3A_42 = arith.constant 32 : index
    %swap3A_43 = tpu.vector_load %arg5[%swap3A_42] {strides = array<i32>} : memref<128xi32, #tpu.memory_space<vmem>>, vector<16xi32>,
    %swap3A_44 = vector.shape_cast %swap3A_43 : vector<16xi32> to vector<16xi32>
    %swap3A_45 = vector.shape_cast %add3A_41 : vector<16xi32> to vector<16xi32>
    tpu.vector_store %arg5[%swap3A_42], %swap3A_45 {strides = array<i32>} : memref<128xi32, #tpu.memory_space<vmem>>, vector<16xi32>,
    %get3A_46 = arith.constant 48 : index
    %get3A_47 = tpu.vector_load %arg5[%get3A_46] {strides = array<i32>} : memref<128xi32, #tpu.memory_space<vmem>>, vector<16xi32>,
    %get3A_48 = vector.shape_cast %get3A_47 : vector<16xi32> to vector<16xi32>
    %add3A_49 = vector.broadcast %mul3A_20 : i32 to vector<16xi32>
    %add3A_50 = arith.addi %get3A_48, %add3A_49 : vector<16xi32>
    %swap3A_51 = arith.constant 48 : index
    %swap3A_52 = tpu.vector_load %arg5[%swap3A_51] {strides = array<i32>} : memref<128xi32, #tpu.memory_space<vmem>>, vector<16xi32>,
    %swap3A_53 = vector.shape_cast %swap3A_52 : vector<16xi32> to vector<16xi32>
    %swap3A_54 = vector.shape_cast %add3A_50 : vector<16xi32> to vector<16xi32>
    tpu.vector_store %arg5[%swap3A_51], %swap3A_54 {strides = array<i32>} : memref<128xi32, #tpu.memory_space<vmem>>, vector<16xi32>,
    %get3A_55 = arith.constant 64 : index
    %get3A_56 = tpu.vector_load %arg5[%get3A_55] {strides = array<i32>} : memref<128xi32, #tpu.memory_space<vmem>>, vector<16xi32>,
    %get3A_57 = vector.shape_cast %get3A_56 : vector<16xi32> to vector<16xi32>
    %add3A_58 = vector.broadcast %mul3A_20 : i32 to vector<16xi32>
    %add3A_59 = arith.addi %get3A_57, %add3A_58 : vector<16xi32>
    %swap3A_60 = arith.constant 64 : index
    %swap3A_61 = tpu.vector_load %arg5[%swap3A_60] {strides = array<i32>} : memref<128xi32, #tpu.memory_space<vmem>>, vector<16xi32>,
    %swap3A_62 = vector.shape_cast %swap3A_61 : vector<16xi32> to vector<16xi32>
    %swap3A_63 = vector.shape_cast %add3A_59 : vector<16xi32> to vector<16xi32>
    tpu.vector_store %arg5[%swap3A_60], %swap3A_63 {strides = array<i32>} : memref<128xi32, #tpu.memory_space<vmem>>, vector<16xi32>,
    %get3A_64 = arith.constant 80 : index
    %get3A_65 = tpu.vector_load %arg5[%get3A_64] {strides = array<i32>} : memref<128xi32, #tpu.memory_space<vmem>>, vector<16xi32>,
    %get3A_66 = vector.shape_cast %get3A_65 : vector<16xi32> to vector<16xi32>
    %add3A_67 = vector.broadcast %mul3A_20 : i32 to vector<16xi32>
    %add3A_68 = arith.addi %get3A_66, %add3A_67 : vector<16xi32>
    %swap3A_69 = arith.constant 80 : index
    %swap3A_70 = tpu.vector_load %arg5[%swap3A_69] {strides = array<i32>} : memref<128xi32, #tpu.memory_space<vmem>>, vector<16xi32>,
    %swap3A_71 = vector.shape_cast %swap3A_70 : vector<16xi32> to vector<16xi32>
    %swap3A_72 = vector.shape_cast %add3A_68 : vector<16xi32> to vector<16xi32>
    tpu.vector_store %arg5[%swap3A_69], %swap3A_72 {strides = array<i32>} : memref<128xi32, #tpu.memory_space<vmem>>, vector<16xi32>,
    %get3A_73 = arith.constant 96 : index
    %get3A_74 = tpu.vector_load %arg5[%get3A_73] {strides = array<i32>} : memref<128xi32, #tpu.memory_space<vmem>>, vector<16xi32>,
    %get3A_75 = vector.shape_cast %get3A_74 : vector<16xi32> to vector<16xi32>
    %add3A_76 = vector.broadcast %mul3A_20 : i32 to vector<16xi32>
    %add3A_77 = arith.addi %get3A_75, %add3A_76 : vector<16xi32>
    %swap3A_78 = arith.constant 96 : index
    %swap3A_79 = tpu.vector_load %arg5[%swap3A_78] {strides = array<i32>} : memref<128xi32, #tpu.memory_space<vmem>>, vector<16xi32>,
    %swap3A_80 = vector.shape_cast %swap3A_79 : vector<16xi32> to vector<16xi32>
    %swap3A_81 = vector.shape_cast %add3A_77 : vector<16xi32> to vector<16xi32>
    tpu.vector_store %arg5[%swap3A_78], %swap3A_81 {strides = array<i32>} : memref<128xi32, #tpu.memory_space<vmem>>, vector<16xi32>,
    %get3A_82 = arith.constant 112 : index
    %get3A_83 = tpu.vector_load %arg5[%get3A_82] {strides = array<i32>} : memref<128xi32, #tpu.memory_space<vmem>>, vector<16xi32>,
    %get3A_84 = vector.shape_cast %get3A_83 : vector<16xi32> to vector<16xi32>
    %add3A_85 = vector.broadcast %mul3A_20 : i32 to vector<16xi32>
    %add3A_86 = arith.addi %get3A_84, %add3A_85 : vector<16xi32>
    %swap3A_87 = arith.constant 112 : index
    %swap3A_88 = tpu.vector_load %arg5[%swap3A_87] {strides = array<i32>} : memref<128xi32, #tpu.memory_space<vmem>>, vector<16xi32>,
    %swap3A_89 = vector.shape_cast %swap3A_88 : vector<16xi32> to vector<16xi32>
    %swap3A_90 = vector.shape_cast %add3A_86 : vector<16xi32> to vector<16xi32>
    tpu.vector_store %arg5[%swap3A_87], %swap3A_90 {strides = array<i32>} : memref<128xi32, #tpu.memory_space<vmem>>, vector<16xi32>,
    %dma_start3A = arith.constant 0 : i32
    %dma_start3A_91 = arith.constant 0 : i32
    %dma_start3A_92 = tpu.memref_slice %arg2[%dma_start3A, %dma_start3A_91] : memref<131072x64xf32, #tpu.memory_space<hbm>> -> memref<131072x64xf32, #tpu.memory_space<hbm>>
    tpu.enqueue_indirect_dma source(%dma_start3A_92 : memref<131072x64xf32, #tpu.memory_space<hbm>>) target(%arg6 : memref<128x64xf32, #tpu.memory_space<vmem>>) offsets(%arg5 : memref<128xi32, #tpu.memory_space<vmem>>) semaphore(%arg7 : memref<!tpu.dma_semaphore, #tpu.memory_space<semaphore_mem>>)
    %dma_wait3A = arith.constant 0 : i32
    %dma_wait3A_93 = arith.constant 0 : i32
    %dma_wait3A_94 = tpu.memref_slice %arg2[%dma_wait3A, %dma_wait3A_93] : memref<131072x64xf32, #tpu.memory_space<hbm>> -> memref<131072x64xf32, #tpu.memory_space<hbm>>
    tpu.wait_indirect_dma semaphore(%arg7 : memref<!tpu.dma_semaphore, #tpu.memory_space<semaphore_mem>>) src(%dma_wait3A_94 : memref<131072x64xf32, #tpu.memory_space<hbm>>) dst(%arg6 : memref<128x64xf32, #tpu.memory_space<vmem>>)
    "tpu.region"() ({
      %run_scoped3A = tpu.sem_alloc : memref<!tpu.dma_semaphore, #tpu.memory_space<semaphore_mem>>
      %dma_start3A_95 = arith.constant 0 : i32
      %dma_start3A_96 = tpu.memref_slice %arg4[%mul3A_2, %dma_start3A_95] : memref<4096x64xf32, #tpu.memory_space<hbm>> -> memref<128x64xf32, #tpu.memory_space<hbm>>
      %dma_start3A_97 = arith.constant 0 : i32
      %dma_start3A_98 = tpu.memref_slice %arg4[%mul3A_2, %dma_start3A_97] : memref<4096x64xf32, #tpu.memory_space<hbm>> -> memref<128x64xf32, #tpu.memory_space<hbm>>
      tpu.enqueue_dma source(%arg6 : memref<128x64xf32, #tpu.memory_space<vmem>>) target(%dma_start3A_98 : memref<128x64xf32, #tpu.memory_space<hbm>>) target_semaphore(%run_scoped3A : memref<!tpu.dma_semaphore, #tpu.memory_space<semaphore_mem>>)
      %dma_wait3A_99 = arith.constant 0 : i32
      %dma_wait3A_100 = tpu.memref_slice %arg4[%mul3A_2, %dma_wait3A_99] : memref<4096x64xf32, #tpu.memory_space<hbm>> -> memref<128x64xf32, #tpu.memory_space<hbm>>
      %dma_wait3A_101 = arith.constant 0 : i32
      %dma_wait3A_102 = tpu.memref_slice %arg4[%mul3A_2, %dma_wait3A_101] : memref<4096x64xf32, #tpu.memory_space<hbm>> -> memref<128x64xf32, #tpu.memory_space<hbm>>
      tpu.wait_dma2 semaphore(%run_scoped3A : memref<!tpu.dma_semaphore, #tpu.memory_space<semaphore_mem>>) src(%arg6 : memref<128x64xf32, #tpu.memory_space<vmem>>) dst(%dma_wait3A_102 : memref<128x64xf32, #tpu.memory_space<hbm>>)
      tpu.yield
    }) : () -> ()
    return
  }
}

module attributes {stable_mosaic.version = 14 : i64} {
  func.func @_fps_body(%arg0: memref<3x8x16384xf32, #tpu.memory_space<vmem>>, %arg1: memref<8x512xi32, #tpu.memory_space<vmem>>, %arg2: memref<8x512xf32, #tpu.memory_space<vmem>>, %arg3: memref<8x512xf32, #tpu.memory_space<vmem>>, %arg4: memref<8x512xf32, #tpu.memory_space<vmem>>, %arg5: memref<8x16384xf32, #tpu.memory_space<vmem>>, %arg6: memref<8x16384xf32, #tpu.memory_space<vmem>>) attributes {dimension_semantics = [], scalar_prefetch = 0 : i64, scratch_operands = 2 : i64, tpu.core_type = #tpu.core_type<tc>} {
    %iota3A = tpu.iota {dimensions = array<i32: 1>} : vector<8x512xi32>
    %broadcast_in_dim3A = arith.constant 0xFF800000 : f32
    %broadcast_in_dim3A_0 = vector.broadcast %broadcast_in_dim3A : f32 to vector<8x256xf32>
    %broadcast_in_dim3A_1 = arith.constant 0.000000e+00 : f32
    %broadcast_in_dim3A_2 = vector.broadcast %broadcast_in_dim3A_1 : f32 to vector<8x256xf32>
    %broadcast_in_dim3A_3 = arith.constant 0x7F800000 : f32
    %broadcast_in_dim3A_4 = vector.broadcast %broadcast_in_dim3A_3 : f32 to vector<8x16384xf32>
    %swap3A = arith.constant 0 : index
    %swap3A_5 = arith.constant 0 : index
    %swap3A_6 = vector.load %arg5[%swap3A, %swap3A_5] : memref<8x16384xf32, #tpu.memory_space<vmem>>, vector<8x16384xf32>
    tpu.vector_store %arg5[%swap3A, %swap3A_5], %broadcast_in_dim3A_4 {strides = array<i32>} : memref<8x16384xf32, #tpu.memory_space<vmem>>, vector<8x16384xf32>,
    %iota3A_7 = tpu.iota {dimensions = array<i32: 1>} : vector<8x16384xi32>
    %convert_element_type3A = arith.sitofp %iota3A_7 : vector<8x16384xi32> to vector<8x16384xf32>
    %swap3A_8 = arith.constant 0 : index
    %swap3A_9 = arith.constant 0 : index
    %swap3A_10 = vector.load %arg6[%swap3A_8, %swap3A_9] : memref<8x16384xf32, #tpu.memory_space<vmem>>, vector<8x16384xf32>
    tpu.vector_store %arg6[%swap3A_8, %swap3A_9], %convert_element_type3A {strides = array<i32>} : memref<8x16384xf32, #tpu.memory_space<vmem>>, vector<8x16384xf32>,
    %broadcast_in_dim3A_11 = arith.constant 0 : i32
    %broadcast_in_dim3A_12 = vector.broadcast %broadcast_in_dim3A_11 : i32 to vector<8x1xi32>
    %get3A = arith.constant 0 : i32
    %get3A_13 = arith.constant 0 : i32
    %get3A_14 = arith.constant 0 : i32
    %get3A_15 = tpu.memref_slice %arg0[%get3A, %get3A_13, %get3A_14] : memref<3x8x16384xf32, #tpu.memory_space<vmem>> -> memref<1x8x16384xf32, #tpu.memory_space<vmem>>
    %get3A_16 = tpu.memref_squeeze %get3A_15 : memref<1x8x16384xf32, #tpu.memory_space<vmem>> -> memref<8x16384xf32, #tpu.memory_space<vmem>>
    %get3A_17 = arith.constant 0 : index
    %get3A_18 = arith.constant 0 : index
    %get3A_19 = vector.load %get3A_16[%get3A_17, %get3A_18] : memref<8x16384xf32, #tpu.memory_space<vmem>>, vector<8x1xf32>
    %get3A_20 = arith.constant 1 : i32
    %get3A_21 = arith.constant 0 : i32
    %get3A_22 = arith.constant 0 : i32
    %get3A_23 = tpu.memref_slice %arg0[%get3A_20, %get3A_21, %get3A_22] : memref<3x8x16384xf32, #tpu.memory_space<vmem>> -> memref<1x8x16384xf32, #tpu.memory_space<vmem>>
    %get3A_24 = tpu.memref_squeeze %get3A_23 : memref<1x8x16384xf32, #tpu.memory_space<vmem>> -> memref<8x16384xf32, #tpu.memory_space<vmem>>
    %get3A_25 = arith.constant 0 : index
    %get3A_26 = arith.constant 0 : index
    %get3A_27 = vector.load %get3A_24[%get3A_25, %get3A_26] : memref<8x16384xf32, #tpu.memory_space<vmem>>, vector<8x1xf32>
    %get3A_28 = arith.constant 2 : i32
    %get3A_29 = arith.constant 0 : i32
    %get3A_30 = arith.constant 0 : i32
    %get3A_31 = tpu.memref_slice %arg0[%get3A_28, %get3A_29, %get3A_30] : memref<3x8x16384xf32, #tpu.memory_space<vmem>> -> memref<1x8x16384xf32, #tpu.memory_space<vmem>>
    %get3A_32 = tpu.memref_squeeze %get3A_31 : memref<1x8x16384xf32, #tpu.memory_space<vmem>> -> memref<8x16384xf32, #tpu.memory_space<vmem>>
    %get3A_33 = arith.constant 0 : index
    %get3A_34 = arith.constant 0 : index
    %get3A_35 = vector.load %get3A_32[%get3A_33, %get3A_34] : memref<8x16384xf32, #tpu.memory_space<vmem>>, vector<8x1xf32>
    %scan3A = arith.constant 0 : i32
    %scan3A_36 = arith.constant 1 : i32
    %scan3A_37 = arith.constant 2 : i32
    %scan3A_38 = arith.constant 0 : i32
    %scan3A_39 = arith.constant 512 : i32
    %scan3A_40 = arith.addi %scan3A_38, %scan3A_39 : i32
    %scan3A_41 = arith.constant 1 : i32
    %scan3A_42:4 = scf.for %scan3A_44 = %scan3A_38 to %scan3A_40 step %scan3A_41 iter_args(%scan3A_45 = %broadcast_in_dim3A_12, %scan3A_46 = %get3A_19, %scan3A_47 = %get3A_27, %scan3A_48 = %get3A_35) -> (vector<8x1xi32>, vector<8x1xf32>, vector<8x1xf32>, vector<8x1xf32>)  : i32 {
      %eq3A = vector.broadcast %scan3A_44 : i32 to vector<8x512xi32>
      %eq3A_49 = arith.cmpi eq, %iota3A, %eq3A : vector<8x512xi32>
      %get3A_50 = arith.constant 0 : index
      %get3A_51 = arith.constant 0 : index
      %get3A_52 = vector.load %arg1[%get3A_50, %get3A_51] : memref<8x512xi32, #tpu.memory_space<vmem>>, vector<8x512xi32>
      %broadcast_in_dim3A_53 = vector.shape_cast %scan3A_45 : vector<8x1xi32> to vector<8x1xi32>
      %broadcast_in_dim3A_54 = vector.broadcast %broadcast_in_dim3A_53 : vector<8x1xi32> to vector<8x512xi32>
      %select_n3A = arith.select %eq3A_49, %broadcast_in_dim3A_54, %get3A_52 : vector<8x512xi1>, vector<8x512xi32>
      %swap3A_55 = arith.constant 0 : index
      %swap3A_56 = arith.constant 0 : index
      %swap3A_57 = vector.load %arg1[%swap3A_55, %swap3A_56] : memref<8x512xi32, #tpu.memory_space<vmem>>, vector<8x512xi32>
      tpu.vector_store %arg1[%swap3A_55, %swap3A_56], %select_n3A {strides = array<i32>} : memref<8x512xi32, #tpu.memory_space<vmem>>, vector<8x512xi32>,
      %get3A_58 = arith.constant 0 : index
      %get3A_59 = arith.constant 0 : index
      %get3A_60 = vector.load %arg2[%get3A_58, %get3A_59] : memref<8x512xf32, #tpu.memory_space<vmem>>, vector<8x512xf32>
      %broadcast_in_dim3A_61 = vector.shape_cast %scan3A_46 : vector<8x1xf32> to vector<8x1xf32>
      %broadcast_in_dim3A_62 = vector.broadcast %broadcast_in_dim3A_61 : vector<8x1xf32> to vector<8x512xf32>
      %select_n3A_63 = arith.select %eq3A_49, %broadcast_in_dim3A_62, %get3A_60 : vector<8x512xi1>, vector<8x512xf32>
      %swap3A_64 = arith.constant 0 : index
      %swap3A_65 = arith.constant 0 : index
      %swap3A_66 = vector.load %arg2[%swap3A_64, %swap3A_65] : memref<8x512xf32, #tpu.memory_space<vmem>>, vector<8x512xf32>
      tpu.vector_store %arg2[%swap3A_64, %swap3A_65], %select_n3A_63 {strides = array<i32>} : memref<8x512xf32, #tpu.memory_space<vmem>>, vector<8x512xf32>,
      %get3A_67 = arith.constant 0 : index
      %get3A_68 = arith.constant 0 : index
      %get3A_69 = vector.load %arg3[%get3A_67, %get3A_68] : memref<8x512xf32, #tpu.memory_space<vmem>>, vector<8x512xf32>
      %broadcast_in_dim3A_70 = vector.shape_cast %scan3A_47 : vector<8x1xf32> to vector<8x1xf32>
      %broadcast_in_dim3A_71 = vector.broadcast %broadcast_in_dim3A_70 : vector<8x1xf32> to vector<8x512xf32>
      %select_n3A_72 = arith.select %eq3A_49, %broadcast_in_dim3A_71, %get3A_69 : vector<8x512xi1>, vector<8x512xf32>
      %swap3A_73 = arith.constant 0 : index
      %swap3A_74 = arith.constant 0 : index
      %swap3A_75 = vector.load %arg3[%swap3A_73, %swap3A_74] : memref<8x512xf32, #tpu.memory_space<vmem>>, vector<8x512xf32>
      tpu.vector_store %arg3[%swap3A_73, %swap3A_74], %select_n3A_72 {strides = array<i32>} : memref<8x512xf32, #tpu.memory_space<vmem>>, vector<8x512xf32>,
      %get3A_76 = arith.constant 0 : index
      %get3A_77 = arith.constant 0 : index
      %get3A_78 = vector.load %arg4[%get3A_76, %get3A_77] : memref<8x512xf32, #tpu.memory_space<vmem>>, vector<8x512xf32>
      %broadcast_in_dim3A_79 = vector.shape_cast %scan3A_48 : vector<8x1xf32> to vector<8x1xf32>
      %broadcast_in_dim3A_80 = vector.broadcast %broadcast_in_dim3A_79 : vector<8x1xf32> to vector<8x512xf32>
      %select_n3A_81 = arith.select %eq3A_49, %broadcast_in_dim3A_80, %get3A_78 : vector<8x512xi1>, vector<8x512xf32>
      %swap3A_82 = arith.constant 0 : index
      %swap3A_83 = arith.constant 0 : index
      %swap3A_84 = vector.load %arg4[%swap3A_82, %swap3A_83] : memref<8x512xf32, #tpu.memory_space<vmem>>, vector<8x512xf32>
      tpu.vector_store %arg4[%swap3A_82, %swap3A_83], %select_n3A_81 {strides = array<i32>} : memref<8x512xf32, #tpu.memory_space<vmem>>, vector<8x512xf32>,
      %get3A_85 = arith.constant 0 : i32
      %get3A_86 = arith.constant 0 : i32
      %get3A_87 = tpu.memref_slice %arg0[%scan3A, %get3A_85, %get3A_86] : memref<3x8x16384xf32, #tpu.memory_space<vmem>> -> memref<1x8x16384xf32, #tpu.memory_space<vmem>>
      %get3A_88 = tpu.memref_squeeze %get3A_87 : memref<1x8x16384xf32, #tpu.memory_space<vmem>> -> memref<8x16384xf32, #tpu.memory_space<vmem>>
      %get3A_89 = arith.constant 0 : index
      %get3A_90 = arith.constant 0 : index
      %get3A_91 = vector.load %get3A_88[%get3A_89, %get3A_90] : memref<8x16384xf32, #tpu.memory_space<vmem>>, vector<8x256xf32>
      %get3A_92 = arith.constant 0 : i32
      %get3A_93 = arith.constant 0 : i32
      %get3A_94 = tpu.memref_slice %arg0[%scan3A_36, %get3A_92, %get3A_93] : memref<3x8x16384xf32, #tpu.memory_space<vmem>> -> memref<1x8x16384xf32, #tpu.memory_space<vmem>>
      %get3A_95 = tpu.memref_squeeze %get3A_94 : memref<1x8x16384xf32, #tpu.memory_space<vmem>> -> memref<8x16384xf32, #tpu.memory_space<vmem>>
      %get3A_96 = arith.constant 0 : index
      %get3A_97 = arith.constant 0 : index
      %get3A_98 = vector.load %get3A_95[%get3A_96, %get3A_97] : memref<8x16384xf32, #tpu.memory_space<vmem>>, vector<8x256xf32>
      %get3A_99 = arith.constant 0 : i32
      %get3A_100 = arith.constant 0 : i32
      %get3A_101 = tpu.memref_slice %arg0[%scan3A_37, %get3A_99, %get3A_100] : memref<3x8x16384xf32, #tpu.memory_space<vmem>> -> memref<1x8x16384xf32, #tpu.memory_space<vmem>>
      %get3A_102 = tpu.memref_squeeze %get3A_101 : memref<1x8x16384xf32, #tpu.memory_space<vmem>> -> memref<8x16384xf32, #tpu.memory_space<vmem>>
      %get3A_103 = arith.constant 0 : index
      %get3A_104 = arith.constant 0 : index
      %get3A_105 = vector.load %get3A_102[%get3A_103, %get3A_104] : memref<8x16384xf32, #tpu.memory_space<vmem>>, vector<8x256xf32>
      %sub3A = vector.broadcast %scan3A_46 : vector<8x1xf32> to vector<8x256xf32>
      %sub3A_106 = arith.subf %get3A_91, %sub3A : vector<8x256xf32>
      %sub3A_107 = vector.broadcast %scan3A_47 : vector<8x1xf32> to vector<8x256xf32>
      %sub3A_108 = arith.subf %get3A_98, %sub3A_107 : vector<8x256xf32>
      %sub3A_109 = vector.broadcast %scan3A_48 : vector<8x1xf32> to vector<8x256xf32>
      %sub3A_110 = arith.subf %get3A_105, %sub3A_109 : vector<8x256xf32>
      %mul3A = arith.mulf %sub3A_106, %sub3A_106 : vector<8x256xf32>
      %mul3A_111 = arith.mulf %sub3A_108, %sub3A_108 : vector<8x256xf32>
      %add3A = arith.addf %mul3A, %mul3A_111 : vector<8x256xf32>
      %mul3A_112 = arith.mulf %sub3A_110, %sub3A_110 : vector<8x256xf32>
      %add3A_113 = arith.addf %add3A, %mul3A_112 : vector<8x256xf32>
      %get3A_114 = arith.constant 0 : index
      %get3A_115 = arith.constant 0 : index
      %get3A_116 = vector.load %arg5[%get3A_114, %get3A_115] : memref<8x16384xf32, #tpu.memory_space<vmem>>, vector<8x256xf32>
      %min3A = arith.minimumf %get3A_116, %add3A_113 : vector<8x256xf32>
      %swap3A_117 = arith.constant 0 : index
      %swap3A_118 = arith.constant 0 : index
      %swap3A_119 = vector.load %arg5[%swap3A_117, %swap3A_118] : memref<8x16384xf32, #tpu.memory_space<vmem>>, vector<8x256xf32>
      tpu.vector_store %arg5[%swap3A_117, %swap3A_118], %min3A {strides = array<i32>} : memref<8x16384xf32, #tpu.memory_space<vmem>>, vector<8x256xf32>,
      %gt3A = arith.cmpf ogt, %min3A, %broadcast_in_dim3A_0 : vector<8x256xf32>
      %select_n3A_120 = arith.select %gt3A, %min3A, %broadcast_in_dim3A_0 : vector<8x256xi1>, vector<8x256xf32>
      %get3A_121 = arith.constant 0 : index
      %get3A_122 = arith.constant 0 : index
      %get3A_123 = vector.load %arg6[%get3A_121, %get3A_122] : memref<8x16384xf32, #tpu.memory_space<vmem>>, vector<8x256xf32>
      %select_n3A_124 = arith.select %gt3A, %get3A_123, %broadcast_in_dim3A_2 : vector<8x256xi1>, vector<8x256xf32>
      %select_n3A_125 = arith.select %gt3A, %get3A_91, %broadcast_in_dim3A_2 : vector<8x256xi1>, vector<8x256xf32>
      %select_n3A_126 = arith.select %gt3A, %get3A_98, %broadcast_in_dim3A_2 : vector<8x256xi1>, vector<8x256xf32>
      %select_n3A_127 = arith.select %gt3A, %get3A_105, %broadcast_in_dim3A_2 : vector<8x256xi1>, vector<8x256xf32>
      %get3A_128 = arith.constant 0 : i32
      %get3A_129 = arith.constant 0 : i32
      %get3A_130 = tpu.memref_slice %arg0[%scan3A, %get3A_128, %get3A_129] : memref<3x8x16384xf32, #tpu.memory_space<vmem>> -> memref<1x8x16384xf32, #tpu.memory_space<vmem>>
      %get3A_131 = tpu.memref_squeeze %get3A_130 : memref<1x8x16384xf32, #tpu.memory_space<vmem>> -> memref<8x16384xf32, #tpu.memory_space<vmem>>
      %get3A_132 = arith.constant 0 : index
      %get3A_133 = arith.constant 256 : index
      %get3A_134 = vector.load %get3A_131[%get3A_132, %get3A_133] : memref<8x16384xf32, #tpu.memory_space<vmem>>, vector<8x256xf32>
      %get3A_135 = arith.constant 0 : i32
      %get3A_136 = arith.constant 0 : i32
      %get3A_137 = tpu.memref_slice %arg0[%scan3A_36, %get3A_135, %get3A_136] : memref<3x8x16384xf32, #tpu.memory_space<vmem>> -> memref<1x8x16384xf32, #tpu.memory_space<vmem>>
      %get3A_138 = tpu.memref_squeeze %get3A_137 : memref<1x8x16384xf32, #tpu.memory_space<vmem>> -> memref<8x16384xf32, #tpu.memory_space<vmem>>
      %get3A_139 = arith.constant 0 : index
      %get3A_140 = arith.constant 256 : index
      %get3A_141 = vector.load %get3A_138[%get3A_139, %get3A_140] : memref<8x16384xf32, #tpu.memory_space<vmem>>, vector<8x256xf32>
      %get3A_142 = arith.constant 0 : i32
      %get3A_143 = arith.constant 0 : i32
      %get3A_144 = tpu.memref_slice %arg0[%scan3A_37, %get3A_142, %get3A_143] : memref<3x8x16384xf32, #tpu.memory_space<vmem>> -> memref<1x8x16384xf32, #tpu.memory_space<vmem>>
      %get3A_145 = tpu.memref_squeeze %get3A_144 : memref<1x8x16384xf32, #tpu.memory_space<vmem>> -> memref<8x16384xf32, #tpu.memory_space<vmem>>
      %get3A_146 = arith.constant 0 : index
      %get3A_147 = arith.constant 256 : index
      %get3A_148 = vector.load %get3A_145[%get3A_146, %get3A_147] : memref<8x16384xf32, #tpu.memory_space<vmem>>, vector<8x256xf32>
      %sub3A_149 = vector.broadcast %scan3A_46 : vector<8x1xf32> to vector<8x256xf32>
      %sub3A_150 = arith.subf %get3A_134, %sub3A_149 : vector<8x256xf32>
      %sub3A_151 = vector.broadcast %scan3A_47 : vector<8x1xf32> to vector<8x256xf32>
      %sub3A_152 = arith.subf %get3A_141, %sub3A_151 : vector<8x256xf32>
      %sub3A_153 = vector.broadcast %scan3A_48 : vector<8x1xf32> to vector<8x256xf32>
      %sub3A_154 = arith.subf %get3A_148, %sub3A_153 : vector<8x256xf32>
      %mul3A_155 = arith.mulf %sub3A_150, %sub3A_150 : vector<8x256xf32>
      %mul3A_156 = arith.mulf %sub3A_152, %sub3A_152 : vector<8x256xf32>
      %add3A_157 = arith.addf %mul3A_155, %mul3A_156 : vector<8x256xf32>
      %mul3A_158 = arith.mulf %sub3A_154, %sub3A_154 : vector<8x256xf32>
      %add3A_159 = arith.addf %add3A_157, %mul3A_158 : vector<8x256xf32>
      %get3A_160 = arith.constant 0 : index
      %get3A_161 = arith.constant 256 : index
      %get3A_162 = vector.load %arg5[%get3A_160, %get3A_161] : memref<8x16384xf32, #tpu.memory_space<vmem>>, vector<8x256xf32>
      %min3A_163 = arith.minimumf %get3A_162, %add3A_159 : vector<8x256xf32>
      %swap3A_164 = arith.constant 0 : index
      %swap3A_165 = arith.constant 256 : index
      %swap3A_166 = vector.load %arg5[%swap3A_164, %swap3A_165] : memref<8x16384xf32, #tpu.memory_space<vmem>>, vector<8x256xf32>
      tpu.vector_store %arg5[%swap3A_164, %swap3A_165], %min3A_163 {strides = array<i32>} : memref<8x16384xf32, #tpu.memory_space<vmem>>, vector<8x256xf32>,
      %gt3A_167 = arith.cmpf ogt, %min3A_163, %select_n3A_120 : vector<8x256xf32>
      %select_n3A_168 = arith.select %gt3A_167, %min3A_163, %select_n3A_120 : vector<8x256xi1>, vector<8x256xf32>
      %get3A_169 = arith.constant 0 : index
      %get3A_170 = arith.constant 256 : index
      %get3A_171 = vector.load %arg6[%get3A_169, %get3A_170] : memref<8x16384xf32, #tpu.memory_space<vmem>>, vector<8x256xf32>
      %select_n3A_172 = arith.select %gt3A_167, %get3A_171, %select_n3A_124 : vector<8x256xi1>, vector<8x256xf32>
      %select_n3A_173 = arith.select %gt3A_167, %get3A_134, %select_n3A_125 : vector<8x256xi1>, vector<8x256xf32>
      %select_n3A_174 = arith.select %gt3A_167, %get3A_141, %select_n3A_126 : vector<8x256xi1>, vector<8x256xf32>
      %select_n3A_175 = arith.select %gt3A_167, %get3A_148, %select_n3A_127 : vector<8x256xi1>, vector<8x256xf32>
      %get3A_176 = arith.constant 0 : i32
      %get3A_177 = arith.constant 0 : i32
      %get3A_178 = tpu.memref_slice %arg0[%scan3A, %get3A_176, %get3A_177] : memref<3x8x16384xf32, #tpu.memory_space<vmem>> -> memref<1x8x16384xf32, #tpu.memory_space<vmem>>
      %get3A_179 = tpu.memref_squeeze %get3A_178 : memref<1x8x16384xf32, #tpu.memory_space<vmem>> -> memref<8x16384xf32, #tpu.memory_space<vmem>>
      %get3A_180 = arith.constant 0 : index
      %get3A_181 = arith.constant 512 : index
      %get3A_182 = vector.load %get3A_179[%get3A_180, %get3A_181] : memref<8x16384xf32, #tpu.memory_space<vmem>>, vector<8x256xf32>
      %get3A_183 = arith.constant 0 : i32
      %get3A_184 = arith.constant 0 : i32
      %get3A_185 = tpu.memref_slice %arg0[%scan3A_36, %get3A_183, %get3A_184] : memref<3x8x16384xf32, #tpu.memory_space<vmem>> -> memref<1x8x16384xf32, #tpu.memory_space<vmem>>
      %get3A_186 = tpu.memref_squeeze %get3A_185 : memref<1x8x16384xf32, #tpu.memory_space<vmem>> -> memref<8x16384xf32, #tpu.memory_space<vmem>>
      %get3A_187 = arith.constant 0 : index
      %get3A_188 = arith.constant 512 : index
      %get3A_189 = vector.load %get3A_186[%get3A_187, %get3A_188] : memref<8x16384xf32, #tpu.memory_space<vmem>>, vector<8x256xf32>
      %get3A_190 = arith.constant 0 : i32
      %get3A_191 = arith.constant 0 : i32
      %get3A_192 = tpu.memref_slice %arg0[%scan3A_37, %get3A_190, %get3A_191] : memref<3x8x16384xf32, #tpu.memory_space<vmem>> -> memref<1x8x16384xf32, #tpu.memory_space<vmem>>
      %get3A_193 = tpu.memref_squeeze %get3A_192 : memref<1x8x16384xf32, #tpu.memory_space<vmem>> -> memref<8x16384xf32, #tpu.memory_space<vmem>>
      %get3A_194 = arith.constant 0 : index
      %get3A_195 = arith.constant 512 : index
      %get3A_196 = vector.load %get3A_193[%get3A_194, %get3A_195] : memref<8x16384xf32, #tpu.memory_space<vmem>>, vector<8x256xf32>
      %sub3A_197 = vector.broadcast %scan3A_46 : vector<8x1xf32> to vector<8x256xf32>
      %sub3A_198 = arith.subf %get3A_182, %sub3A_197 : vector<8x256xf32>
      %sub3A_199 = vector.broadcast %scan3A_47 : vector<8x1xf32> to vector<8x256xf32>
      %sub3A_200 = arith.subf %get3A_189, %sub3A_199 : vector<8x256xf32>
      %sub3A_201 = vector.broadcast %scan3A_48 : vector<8x1xf32> to vector<8x256xf32>
      %sub3A_202 = arith.subf %get3A_196, %sub3A_201 : vector<8x256xf32>
      %mul3A_203 = arith.mulf %sub3A_198, %sub3A_198 : vector<8x256xf32>
      %mul3A_204 = arith.mulf %sub3A_200, %sub3A_200 : vector<8x256xf32>
      %add3A_205 = arith.addf %mul3A_203, %mul3A_204 : vector<8x256xf32>
      %mul3A_206 = arith.mulf %sub3A_202, %sub3A_202 : vector<8x256xf32>
      %add3A_207 = arith.addf %add3A_205, %mul3A_206 : vector<8x256xf32>
      %get3A_208 = arith.constant 0 : index
      %get3A_209 = arith.constant 512 : index
      %get3A_210 = vector.load %arg5[%get3A_208, %get3A_209] : memref<8x16384xf32, #tpu.memory_space<vmem>>, vector<8x256xf32>
      %min3A_211 = arith.minimumf %get3A_210, %add3A_207 : vector<8x256xf32>
      %swap3A_212 = arith.constant 0 : index
      %swap3A_213 = arith.constant 512 : index
      %swap3A_214 = vector.load %arg5[%swap3A_212, %swap3A_213] : memref<8x16384xf32, #tpu.memory_space<vmem>>, vector<8x256xf32>
      tpu.vector_store %arg5[%swap3A_212, %swap3A_213], %min3A_211 {strides = array<i32>} : memref<8x16384xf32, #tpu.memory_space<vmem>>, vector<8x256xf32>,
      %gt3A_215 = arith.cmpf ogt, %min3A_211, %select_n3A_168 : vector<8x256xf32>
      %select_n3A_216 = arith.select %gt3A_215, %min3A_211, %select_n3A_168 : vector<8x256xi1>, vector<8x256xf32>
      %get3A_217 = arith.constant 0 : index
      %get3A_218 = arith.constant 512 : index
      %get3A_219 = vector.load %arg6[%get3A_217, %get3A_218] : memref<8x16384xf32, #tpu.memory_space<vmem>>, vector<8x256xf32>
      %select_n3A_220 = arith.select %gt3A_215, %get3A_219, %select_n3A_172 : vector<8x256xi1>, vector<8x256xf32>
      %select_n3A_221 = arith.select %gt3A_215, %get3A_182, %select_n3A_173 : vector<8x256xi1>, vector<8x256xf32>
      %select_n3A_222 = arith.select %gt3A_215, %get3A_189, %select_n3A_174 : vector<8x256xi1>, vector<8x256xf32>
      %select_n3A_223 = arith.select %gt3A_215, %get3A_196, %select_n3A_175 : vector<8x256xi1>, vector<8x256xf32>
      %get3A_224 = arith.constant 0 : i32
      %get3A_225 = arith.constant 0 : i32
      %get3A_226 = tpu.memref_slice %arg0[%scan3A, %get3A_224, %get3A_225] : memref<3x8x16384xf32, #tpu.memory_space<vmem>> -> memref<1x8x16384xf32, #tpu.memory_space<vmem>>
      %get3A_227 = tpu.memref_squeeze %get3A_226 : memref<1x8x16384xf32, #tpu.memory_space<vmem>> -> memref<8x16384xf32, #tpu.memory_space<vmem>>
      %get3A_228 = arith.constant 0 : index
      %get3A_229 = arith.constant 768 : index
      %get3A_230 = vector.load %get3A_227[%get3A_228, %get3A_229] : memref<8x16384xf32, #tpu.memory_space<vmem>>, vector<8x256xf32>
      %get3A_231 = arith.constant 0 : i32
      %get3A_232 = arith.constant 0 : i32
      %get3A_233 = tpu.memref_slice %arg0[%scan3A_36, %get3A_231, %get3A_232] : memref<3x8x16384xf32, #tpu.memory_space<vmem>> -> memref<1x8x16384xf32, #tpu.memory_space<vmem>>
      %get3A_234 = tpu.memref_squeeze %get3A_233 : memref<1x8x16384xf32, #tpu.memory_space<vmem>> -> memref<8x16384xf32, #tpu.memory_space<vmem>>
      %get3A_235 = arith.constant 0 : index
      %get3A_236 = arith.constant 768 : index
      %get3A_237 = vector.load %get3A_234[%get3A_235, %get3A_236] : memref<8x16384xf32, #tpu.memory_space<vmem>>, vector<8x256xf32>
      %get3A_238 = arith.constant 0 : i32
      %get3A_239 = arith.constant 0 : i32
      %get3A_240 = tpu.memref_slice %arg0[%scan3A_37, %get3A_238, %get3A_239] : memref<3x8x16384xf32, #tpu.memory_space<vmem>> -> memref<1x8x16384xf32, #tpu.memory_space<vmem>>
      %get3A_241 = tpu.memref_squeeze %get3A_240 : memref<1x8x16384xf32, #tpu.memory_space<vmem>> -> memref<8x16384xf32, #tpu.memory_space<vmem>>
      %get3A_242 = arith.constant 0 : index
      %get3A_243 = arith.constant 768 : index
      %get3A_244 = vector.load %get3A_241[%get3A_242, %get3A_243] : memref<8x16384xf32, #tpu.memory_space<vmem>>, vector<8x256xf32>
      %sub3A_245 = vector.broadcast %scan3A_46 : vector<8x1xf32> to vector<8x256xf32>
      %sub3A_246 = arith.subf %get3A_230, %sub3A_245 : vector<8x256xf32>
      %sub3A_247 = vector.broadcast %scan3A_47 : vector<8x1xf32> to vector<8x256xf32>
      %sub3A_248 = arith.subf %get3A_237, %sub3A_247 : vector<8x256xf32>
      %sub3A_249 = vector.broadcast %scan3A_48 : vector<8x1xf32> to vector<8x256xf32>
      %sub3A_250 = arith.subf %get3A_244, %sub3A_249 : vector<8x256xf32>
      %mul3A_251 = arith.mulf %sub3A_246, %sub3A_246 : vector<8x256xf32>
      %mul3A_252 = arith.mulf %sub3A_248, %sub3A_248 : vector<8x256xf32>
      %add3A_253 = arith.addf %mul3A_251, %mul3A_252 : vector<8x256xf32>
      %mul3A_254 = arith.mulf %sub3A_250, %sub3A_250 : vector<8x256xf32>
      %add3A_255 = arith.addf %add3A_253, %mul3A_254 : vector<8x256xf32>
      %get3A_256 = arith.constant 0 : index
      %get3A_257 = arith.constant 768 : index
      %get3A_258 = vector.load %arg5[%get3A_256, %get3A_257] : memref<8x16384xf32, #tpu.memory_space<vmem>>, vector<8x256xf32>
      %min3A_259 = arith.minimumf %get3A_258, %add3A_255 : vector<8x256xf32>
      %swap3A_260 = arith.constant 0 : index
      %swap3A_261 = arith.constant 768 : index
      %swap3A_262 = vector.load %arg5[%swap3A_260, %swap3A_261] : memref<8x16384xf32, #tpu.memory_space<vmem>>, vector<8x256xf32>
      tpu.vector_store %arg5[%swap3A_260, %swap3A_261], %min3A_259 {strides = array<i32>} : memref<8x16384xf32, #tpu.memory_space<vmem>>, vector<8x256xf32>,
      %gt3A_263 = arith.cmpf ogt, %min3A_259, %select_n3A_216 : vector<8x256xf32>
      %select_n3A_264 = arith.select %gt3A_263, %min3A_259, %select_n3A_216 : vector<8x256xi1>, vector<8x256xf32>
      %get3A_265 = arith.constant 0 : index
      %get3A_266 = arith.constant 768 : index
      %get3A_267 = vector.load %arg6[%get3A_265, %get3A_266] : memref<8x16384xf32, #tpu.memory_space<vmem>>, vector<8x256xf32>
      %select_n3A_268 = arith.select %gt3A_263, %get3A_267, %select_n3A_220 : vector<8x256xi1>, vector<8x256xf32>
      %select_n3A_269 = arith.select %gt3A_263, %get3A_230, %select_n3A_221 : vector<8x256xi1>, vector<8x256xf32>
      %select_n3A_270 = arith.select %gt3A_263, %get3A_237, %select_n3A_222 : vector<8x256xi1>, vector<8x256xf32>
      %select_n3A_271 = arith.select %gt3A_263, %get3A_244, %select_n3A_223 : vector<8x256xi1>, vector<8x256xf32>
      %get3A_272 = arith.constant 0 : i32
      %get3A_273 = arith.constant 0 : i32
      %get3A_274 = tpu.memref_slice %arg0[%scan3A, %get3A_272, %get3A_273] : memref<3x8x16384xf32, #tpu.memory_space<vmem>> -> memref<1x8x16384xf32, #tpu.memory_space<vmem>>
      %get3A_275 = tpu.memref_squeeze %get3A_274 : memref<1x8x16384xf32, #tpu.memory_space<vmem>> -> memref<8x16384xf32, #tpu.memory_space<vmem>>
      %get3A_276 = arith.constant 0 : index
      %get3A_277 = arith.constant 1024 : index
      %get3A_278 = vector.load %get3A_275[%get3A_276, %get3A_277] : memref<8x16384xf32, #tpu.memory_space<vmem>>, vector<8x256xf32>
      %get3A_279 = arith.constant 0 : i32
      %get3A_280 = arith.constant 0 : i32
      %get3A_281 = tpu.memref_slice %arg0[%scan3A_36, %get3A_279, %get3A_280] : memref<3x8x16384xf32, #tpu.memory_space<vmem>> -> memref<1x8x16384xf32, #tpu.memory_space<vmem>>
      %get3A_282 = tpu.memref_squeeze %get3A_281 : memref<1x8x16384xf32, #tpu.memory_space<vmem>> -> memref<8x16384xf32, #tpu.memory_space<vmem>>
      %get3A_283 = arith.constant 0 : index
      %get3A_284 = arith.constant 1024 : index
      %get3A_285 = vector.load %get3A_282[%get3A_283, %get3A_284] : memref<8x16384xf32, #tpu.memory_space<vmem>>, vector<8x256xf32>
      %get3A_286 = arith.constant 0 : i32
      %get3A_287 = arith.constant 0 : i32
      %get3A_288 = tpu.memref_slice %arg0[%scan3A_37, %get3A_286, %get3A_287] : memref<3x8x16384xf32, #tpu.memory_space<vmem>> -> memref<1x8x16384xf32, #tpu.memory_space<vmem>>
      %get3A_289 = tpu.memref_squeeze %get3A_288 : memref<1x8x16384xf32, #tpu.memory_space<vmem>> -> memref<8x16384xf32, #tpu.memory_space<vmem>>
      %get3A_290 = arith.constant 0 : index
      %get3A_291 = arith.constant 1024 : index
      %get3A_292 = vector.load %get3A_289[%get3A_290, %get3A_291] : memref<8x16384xf32, #tpu.memory_space<vmem>>, vector<8x256xf32>
      %sub3A_293 = vector.broadcast %scan3A_46 : vector<8x1xf32> to vector<8x256xf32>
      %sub3A_294 = arith.subf %get3A_278, %sub3A_293 : vector<8x256xf32>
      %sub3A_295 = vector.broadcast %scan3A_47 : vector<8x1xf32> to vector<8x256xf32>
      %sub3A_296 = arith.subf %get3A_285, %sub3A_295 : vector<8x256xf32>
      %sub3A_297 = vector.broadcast %scan3A_48 : vector<8x1xf32> to vector<8x256xf32>
      %sub3A_298 = arith.subf %get3A_292, %sub3A_297 : vector<8x256xf32>
      %mul3A_299 = arith.mulf %sub3A_294, %sub3A_294 : vector<8x256xf32>
      %mul3A_300 = arith.mulf %sub3A_296, %sub3A_296 : vector<8x256xf32>
      %add3A_301 = arith.addf %mul3A_299, %mul3A_300 : vector<8x256xf32>
      %mul3A_302 = arith.mulf %sub3A_298, %sub3A_298 : vector<8x256xf32>
      %add3A_303 = arith.addf %add3A_301, %mul3A_302 : vector<8x256xf32>
      %get3A_304 = arith.constant 0 : index
      %get3A_305 = arith.constant 1024 : index
      %get3A_306 = vector.load %arg5[%get3A_304, %get3A_305] : memref<8x16384xf32, #tpu.memory_space<vmem>>, vector<8x256xf32>
      %min3A_307 = arith.minimumf %get3A_306, %add3A_303 : vector<8x256xf32>
      %swap3A_308 = arith.constant 0 : index
      %swap3A_309 = arith.constant 1024 : index
      %swap3A_310 = vector.load %arg5[%swap3A_308, %swap3A_309] : memref<8x16384xf32, #tpu.memory_space<vmem>>, vector<8x256xf32>
      tpu.vector_store %arg5[%swap3A_308, %swap3A_309], %min3A_307 {strides = array<i32>} : memref<8x16384xf32, #tpu.memory_space<vmem>>, vector<8x256xf32>,
      %gt3A_311 = arith.cmpf ogt, %min3A_307, %select_n3A_264 : vector<8x256xf32>
      %select_n3A_312 = arith.select %gt3A_311, %min3A_307, %select_n3A_264 : vector<8x256xi1>, vector<8x256xf32>
      %get3A_313 = arith.constant 0 : index
      %get3A_314 = arith.constant 1024 : index
      %get3A_315 = vector.load %arg6[%get3A_313, %get3A_314] : memref<8x16384xf32, #tpu.memory_space<vmem>>, vector<8x256xf32>
      %select_n3A_316 = arith.select %gt3A_311, %get3A_315, %select_n3A_268 : vector<8x256xi1>, vector<8x256xf32>
      %select_n3A_317 = arith.select %gt3A_311, %get3A_278, %select_n3A_269 : vector<8x256xi1>, vector<8x256xf32>
      %select_n3A_318 = arith.select %gt3A_311, %get3A_285, %select_n3A_270 : vector<8x256xi1>, vector<8x256xf32>
      %select_n3A_319 = arith.select %gt3A_311, %get3A_292, %select_n3A_271 : vector<8x256xi1>, vector<8x256xf32>
      %get3A_320 = arith.constant 0 : i32
      %get3A_321 = arith.constant 0 : i32
      %get3A_322 = tpu.memref_slice %arg0[%scan3A, %get3A_320, %get3A_321] : memref<3x8x16384xf32, #tpu.memory_space<vmem>> -> memref<1x8x16384xf32, #tpu.memory_space<vmem>>
      %get3A_323 = tpu.memref_squeeze %get3A_322 : memref<1x8x16384xf32, #tpu.memory_space<vmem>> -> memref<8x16384xf32, #tpu.memory_space<vmem>>
      %get3A_324 = arith.constant 0 : index
      %get3A_325 = arith.constant 1280 : index
      %get3A_326 = vector.load %get3A_323[%get3A_324, %get3A_325] : memref<8x16384xf32, #tpu.memory_space<vmem>>, vector<8x256xf32>
      %get3A_327 = arith.constant 0 : i32
      %get3A_328 = arith.constant 0 : i32
      %get3A_329 = tpu.memref_slice %arg0[%scan3A_36, %get3A_327, %get3A_328] : memref<3x8x16384xf32, #tpu.memory_space<vmem>> -> memref<1x8x16384xf32, #tpu.memory_space<vmem>>
      %get3A_330 = tpu.memref_squeeze %get3A_329 : memref<1x8x16384xf32, #tpu.memory_space<vmem>> -> memref<8x16384xf32, #tpu.memory_space<vmem>>
      %get3A_331 = arith.constant 0 : index
      %get3A_332 = arith.constant 1280 : index
      %get3A_333 = vector.load %get3A_330[%get3A_331, %get3A_332] : memref<8x16384xf32, #tpu.memory_space<vmem>>, vector<8x256xf32>
      %get3A_334 = arith.constant 0 : i32
      %get3A_335 = arith.constant 0 : i32
      %get3A_336 = tpu.memref_slice %arg0[%scan3A_37, %get3A_334, %get3A_335] : memref<3x8x16384xf32, #tpu.memory_space<vmem>> -> memref<1x8x16384xf32, #tpu.memory_space<vmem>>
      %get3A_337 = tpu.memref_squeeze %get3A_336 : memref<1x8x16384xf32, #tpu.memory_space<vmem>> -> memref<8x16384xf32, #tpu.memory_space<vmem>>
      %get3A_338 = arith.constant 0 : index
      %get3A_339 = arith.constant 1280 : index
      %get3A_340 = vector.load %get3A_337[%get3A_338, %get3A_339] : memref<8x16384xf32, #tpu.memory_space<vmem>>, vector<8x256xf32>
      %sub3A_341 = vector.broadcast %scan3A_46 : vector<8x1xf32> to vector<8x256xf32>
      %sub3A_342 = arith.subf %get3A_326, %sub3A_341 : vector<8x256xf32>
      %sub3A_343 = vector.broadcast %scan3A_47 : vector<8x1xf32> to vector<8x256xf32>
      %sub3A_344 = arith.subf %get3A_333, %sub3A_343 : vector<8x256xf32>
      %sub3A_345 = vector.broadcast %scan3A_48 : vector<8x1xf32> to vector<8x256xf32>
      %sub3A_346 = arith.subf %get3A_340, %sub3A_345 : vector<8x256xf32>
      %mul3A_347 = arith.mulf %sub3A_342, %sub3A_342 : vector<8x256xf32>
      %mul3A_348 = arith.mulf %sub3A_344, %sub3A_344 : vector<8x256xf32>
      %add3A_349 = arith.addf %mul3A_347, %mul3A_348 : vector<8x256xf32>
      %mul3A_350 = arith.mulf %sub3A_346, %sub3A_346 : vector<8x256xf32>
      %add3A_351 = arith.addf %add3A_349, %mul3A_350 : vector<8x256xf32>
      %get3A_352 = arith.constant 0 : index
      %get3A_353 = arith.constant 1280 : index
      %get3A_354 = vector.load %arg5[%get3A_352, %get3A_353] : memref<8x16384xf32, #tpu.memory_space<vmem>>, vector<8x256xf32>
      %min3A_355 = arith.minimumf %get3A_354, %add3A_351 : vector<8x256xf32>
      %swap3A_356 = arith.constant 0 : index
      %swap3A_357 = arith.constant 1280 : index
      %swap3A_358 = vector.load %arg5[%swap3A_356, %swap3A_357] : memref<8x16384xf32, #tpu.memory_space<vmem>>, vector<8x256xf32>
      tpu.vector_store %arg5[%swap3A_356, %swap3A_357], %min3A_355 {strides = array<i32>} : memref<8x16384xf32, #tpu.memory_space<vmem>>, vector<8x256xf32>,
      %gt3A_359 = arith.cmpf ogt, %min3A_355, %select_n3A_312 : vector<8x256xf32>
      %select_n3A_360 = arith.select %gt3A_359, %min3A_355, %select_n3A_312 : vector<8x256xi1>, vector<8x256xf32>
      %get3A_361 = arith.constant 0 : index
      %get3A_362 = arith.constant 1280 : index
      %get3A_363 = vector.load %arg6[%get3A_361, %get3A_362] : memref<8x16384xf32, #tpu.memory_space<vmem>>, vector<8x256xf32>
      %select_n3A_364 = arith.select %gt3A_359, %get3A_363, %select_n3A_316 : vector<8x256xi1>, vector<8x256xf32>
      %select_n3A_365 = arith.select %gt3A_359, %get3A_326, %select_n3A_317 : vector<8x256xi1>, vector<8x256xf32>
      %select_n3A_366 = arith.select %gt3A_359, %get3A_333, %select_n3A_318 : vector<8x256xi1>, vector<8x256xf32>
      %select_n3A_367 = arith.select %gt3A_359, %get3A_340, %select_n3A_319 : vector<8x256xi1>, vector<8x256xf32>
      %get3A_368 = arith.constant 0 : i32
      %get3A_369 = arith.constant 0 : i32
      %get3A_370 = tpu.memref_slice %arg0[%scan3A, %get3A_368, %get3A_369] : memref<3x8x16384xf32, #tpu.memory_space<vmem>> -> memref<1x8x16384xf32, #tpu.memory_space<vmem>>
      %get3A_371 = tpu.memref_squeeze %get3A_370 : memref<1x8x16384xf32, #tpu.memory_space<vmem>> -> memref<8x16384xf32, #tpu.memory_space<vmem>>
      %get3A_372 = arith.constant 0 : index
      %get3A_373 = arith.constant 1536 : index
      %get3A_374 = vector.load %get3A_371[%get3A_372, %get3A_373] : memref<8x16384xf32, #tpu.memory_space<vmem>>, vector<8x256xf32>
      %get3A_375 = arith.constant 0 : i32
      %get3A_376 = arith.constant 0 : i32
      %get3A_377 = tpu.memref_slice %arg0[%scan3A_36, %get3A_375, %get3A_376] : memref<3x8x16384xf32, #tpu.memory_space<vmem>> -> memref<1x8x16384xf32, #tpu.memory_space<vmem>>
      %get3A_378 = tpu.memref_squeeze %get3A_377 : memref<1x8x16384xf32, #tpu.memory_space<vmem>> -> memref<8x16384xf32, #tpu.memory_space<vmem>>
      %get3A_379 = arith.constant 0 : index
      %get3A_380 = arith.constant 1536 : index
      %get3A_381 = vector.load %get3A_378[%get3A_379, %get3A_380] : memref<8x16384xf32, #tpu.memory_space<vmem>>, vector<8x256xf32>
      %get3A_382 = arith.constant 0 : i32
      %get3A_383 = arith.constant 0 : i32
      %get3A_384 = tpu.memref_slice %arg0[%scan3A_37, %get3A_382, %get3A_383] : memref<3x8x16384xf32, #tpu.memory_space<vmem>> -> memref<1x8x16384xf32, #tpu.memory_space<vmem>>
      %get3A_385 = tpu.memref_squeeze %get3A_384 : memref<1x8x16384xf32, #tpu.memory_space<vmem>> -> memref<8x16384xf32, #tpu.memory_space<vmem>>
      %get3A_386 = arith.constant 0 : index
      %get3A_387 = arith.constant 1536 : index
      %get3A_388 = vector.load %get3A_385[%get3A_386, %get3A_387] : memref<8x16384xf32, #tpu.memory_space<vmem>>, vector<8x256xf32>
      %sub3A_389 = vector.broadcast %scan3A_46 : vector<8x1xf32> to vector<8x256xf32>
      %sub3A_390 = arith.subf %get3A_374, %sub3A_389 : vector<8x256xf32>
      %sub3A_391 = vector.broadcast %scan3A_47 : vector<8x1xf32> to vector<8x256xf32>
      %sub3A_392 = arith.subf %get3A_381, %sub3A_391 : vector<8x256xf32>
      %sub3A_393 = vector.broadcast %scan3A_48 : vector<8x1xf32> to vector<8x256xf32>
      %sub3A_394 = arith.subf %get3A_388, %sub3A_393 : vector<8x256xf32>
      %mul3A_395 = arith.mulf %sub3A_390, %sub3A_390 : vector<8x256xf32>
      %mul3A_396 = arith.mulf %sub3A_392, %sub3A_392 : vector<8x256xf32>
      %add3A_397 = arith.addf %mul3A_395, %mul3A_396 : vector<8x256xf32>
      %mul3A_398 = arith.mulf %sub3A_394, %sub3A_394 : vector<8x256xf32>
      %add3A_399 = arith.addf %add3A_397, %mul3A_398 : vector<8x256xf32>
      %get3A_400 = arith.constant 0 : index
      %get3A_401 = arith.constant 1536 : index
      %get3A_402 = vector.load %arg5[%get3A_400, %get3A_401] : memref<8x16384xf32, #tpu.memory_space<vmem>>, vector<8x256xf32>
      %min3A_403 = arith.minimumf %get3A_402, %add3A_399 : vector<8x256xf32>
      %swap3A_404 = arith.constant 0 : index
      %swap3A_405 = arith.constant 1536 : index
      %swap3A_406 = vector.load %arg5[%swap3A_404, %swap3A_405] : memref<8x16384xf32, #tpu.memory_space<vmem>>, vector<8x256xf32>
      tpu.vector_store %arg5[%swap3A_404, %swap3A_405], %min3A_403 {strides = array<i32>} : memref<8x16384xf32, #tpu.memory_space<vmem>>, vector<8x256xf32>,
      %gt3A_407 = arith.cmpf ogt, %min3A_403, %select_n3A_360 : vector<8x256xf32>
      %select_n3A_408 = arith.select %gt3A_407, %min3A_403, %select_n3A_360 : vector<8x256xi1>, vector<8x256xf32>
      %get3A_409 = arith.constant 0 : index
      %get3A_410 = arith.constant 1536 : index
      %get3A_411 = vector.load %arg6[%get3A_409, %get3A_410] : memref<8x16384xf32, #tpu.memory_space<vmem>>, vector<8x256xf32>
      %select_n3A_412 = arith.select %gt3A_407, %get3A_411, %select_n3A_364 : vector<8x256xi1>, vector<8x256xf32>
      %select_n3A_413 = arith.select %gt3A_407, %get3A_374, %select_n3A_365 : vector<8x256xi1>, vector<8x256xf32>
      %select_n3A_414 = arith.select %gt3A_407, %get3A_381, %select_n3A_366 : vector<8x256xi1>, vector<8x256xf32>
      %select_n3A_415 = arith.select %gt3A_407, %get3A_388, %select_n3A_367 : vector<8x256xi1>, vector<8x256xf32>
      %get3A_416 = arith.constant 0 : i32
      %get3A_417 = arith.constant 0 : i32
      %get3A_418 = tpu.memref_slice %arg0[%scan3A, %get3A_416, %get3A_417] : memref<3x8x16384xf32, #tpu.memory_space<vmem>> -> memref<1x8x16384xf32, #tpu.memory_space<vmem>>
      %get3A_419 = tpu.memref_squeeze %get3A_418 : memref<1x8x16384xf32, #tpu.memory_space<vmem>> -> memref<8x16384xf32, #tpu.memory_space<vmem>>
      %get3A_420 = arith.constant 0 : index
      %get3A_421 = arith.constant 1792 : index
      %get3A_422 = vector.load %get3A_419[%get3A_420, %get3A_421] : memref<8x16384xf32, #tpu.memory_space<vmem>>, vector<8x256xf32>
      %get3A_423 = arith.constant 0 : i32
      %get3A_424 = arith.constant 0 : i32
      %get3A_425 = tpu.memref_slice %arg0[%scan3A_36, %get3A_423, %get3A_424] : memref<3x8x16384xf32, #tpu.memory_space<vmem>> -> memref<1x8x16384xf32, #tpu.memory_space<vmem>>
      %get3A_426 = tpu.memref_squeeze %get3A_425 : memref<1x8x16384xf32, #tpu.memory_space<vmem>> -> memref<8x16384xf32, #tpu.memory_space<vmem>>
      %get3A_427 = arith.constant 0 : index
      %get3A_428 = arith.constant 1792 : index
      %get3A_429 = vector.load %get3A_426[%get3A_427, %get3A_428] : memref<8x16384xf32, #tpu.memory_space<vmem>>, vector<8x256xf32>
      %get3A_430 = arith.constant 0 : i32
      %get3A_431 = arith.constant 0 : i32
      %get3A_432 = tpu.memref_slice %arg0[%scan3A_37, %get3A_430, %get3A_431] : memref<3x8x16384xf32, #tpu.memory_space<vmem>> -> memref<1x8x16384xf32, #tpu.memory_space<vmem>>
      %get3A_433 = tpu.memref_squeeze %get3A_432 : memref<1x8x16384xf32, #tpu.memory_space<vmem>> -> memref<8x16384xf32, #tpu.memory_space<vmem>>
      %get3A_434 = arith.constant 0 : index
      %get3A_435 = arith.constant 1792 : index
      %get3A_436 = vector.load %get3A_433[%get3A_434, %get3A_435] : memref<8x16384xf32, #tpu.memory_space<vmem>>, vector<8x256xf32>
      %sub3A_437 = vector.broadcast %scan3A_46 : vector<8x1xf32> to vector<8x256xf32>
      %sub3A_438 = arith.subf %get3A_422, %sub3A_437 : vector<8x256xf32>
      %sub3A_439 = vector.broadcast %scan3A_47 : vector<8x1xf32> to vector<8x256xf32>
      %sub3A_440 = arith.subf %get3A_429, %sub3A_439 : vector<8x256xf32>
      %sub3A_441 = vector.broadcast %scan3A_48 : vector<8x1xf32> to vector<8x256xf32>
      %sub3A_442 = arith.subf %get3A_436, %sub3A_441 : vector<8x256xf32>
      %mul3A_443 = arith.mulf %sub3A_438, %sub3A_438 : vector<8x256xf32>
      %mul3A_444 = arith.mulf %sub3A_440, %sub3A_440 : vector<8x256xf32>
      %add3A_445 = arith.addf %mul3A_443, %mul3A_444 : vector<8x256xf32>
      %mul3A_446 = arith.mulf %sub3A_442, %sub3A_442 : vector<8x256xf32>
      %add3A_447 = arith.addf %add3A_445, %mul3A_446 : vector<8x256xf32>
      %get3A_448 = arith.constant 0 : index
      %get3A_449 = arith.constant 1792 : index
      %get3A_450 = vector.load %arg5[%get3A_448, %get3A_449] : memref<8x16384xf32, #tpu.memory_space<vmem>>, vector<8x256xf32>
      %min3A_451 = arith.minimumf %get3A_450, %add3A_447 : vector<8x256xf32>
      %swap3A_452 = arith.constant 0 : index
      %swap3A_453 = arith.constant 1792 : index
      %swap3A_454 = vector.load %arg5[%swap3A_452, %swap3A_453] : memref<8x16384xf32, #tpu.memory_space<vmem>>, vector<8x256xf32>
      tpu.vector_store %arg5[%swap3A_452, %swap3A_453], %min3A_451 {strides = array<i32>} : memref<8x16384xf32, #tpu.memory_space<vmem>>, vector<8x256xf32>,
      %gt3A_455 = arith.cmpf ogt, %min3A_451, %select_n3A_408 : vector<8x256xf32>
      %select_n3A_456 = arith.select %gt3A_455, %min3A_451, %select_n3A_408 : vector<8x256xi1>, vector<8x256xf32>
      %get3A_457 = arith.constant 0 : index
      %get3A_458 = arith.constant 1792 : index
      %get3A_459 = vector.load %arg6[%get3A_457, %get3A_458] : memref<8x16384xf32, #tpu.memory_space<vmem>>, vector<8x256xf32>
      %select_n3A_460 = arith.select %gt3A_455, %get3A_459, %select_n3A_412 : vector<8x256xi1>, vector<8x256xf32>
      %select_n3A_461 = arith.select %gt3A_455, %get3A_422, %select_n3A_413 : vector<8x256xi1>, vector<8x256xf32>
      %select_n3A_462 = arith.select %gt3A_455, %get3A_429, %select_n3A_414 : vector<8x256xi1>, vector<8x256xf32>
      %select_n3A_463 = arith.select %gt3A_455, %get3A_436, %select_n3A_415 : vector<8x256xi1>, vector<8x256xf32>
      %get3A_464 = arith.constant 0 : i32
      %get3A_465 = arith.constant 0 : i32
      %get3A_466 = tpu.memref_slice %arg0[%scan3A, %get3A_464, %get3A_465] : memref<3x8x16384xf32, #tpu.memory_space<vmem>> -> memref<1x8x16384xf32, #tpu.memory_space<vmem>>
      %get3A_467 = tpu.memref_squeeze %get3A_466 : memref<1x8x16384xf32, #tpu.memory_space<vmem>> -> memref<8x16384xf32, #tpu.memory_space<vmem>>
      %get3A_468 = arith.constant 0 : index
      %get3A_469 = arith.constant 2048 : index
      %get3A_470 = vector.load %get3A_467[%get3A_468, %get3A_469] : memref<8x16384xf32, #tpu.memory_space<vmem>>, vector<8x256xf32>
      %get3A_471 = arith.constant 0 : i32
      %get3A_472 = arith.constant 0 : i32
      %get3A_473 = tpu.memref_slice %arg0[%scan3A_36, %get3A_471, %get3A_472] : memref<3x8x16384xf32, #tpu.memory_space<vmem>> -> memref<1x8x16384xf32, #tpu.memory_space<vmem>>
      %get3A_474 = tpu.memref_squeeze %get3A_473 : memref<1x8x16384xf32, #tpu.memory_space<vmem>> -> memref<8x16384xf32, #tpu.memory_space<vmem>>
      %get3A_475 = arith.constant 0 : index
      %get3A_476 = arith.constant 2048 : index
      %get3A_477 = vector.load %get3A_474[%get3A_475, %get3A_476] : memref<8x16384xf32, #tpu.memory_space<vmem>>, vector<8x256xf32>
      %get3A_478 = arith.constant 0 : i32
      %get3A_479 = arith.constant 0 : i32
      %get3A_480 = tpu.memref_slice %arg0[%scan3A_37, %get3A_478, %get3A_479] : memref<3x8x16384xf32, #tpu.memory_space<vmem>> -> memref<1x8x16384xf32, #tpu.memory_space<vmem>>
      %get3A_481 = tpu.memref_squeeze %get3A_480 : memref<1x8x16384xf32, #tpu.memory_space<vmem>> -> memref<8x16384xf32, #tpu.memory_space<vmem>>
      %get3A_482 = arith.constant 0 : index
      %get3A_483 = arith.constant 2048 : index
      %get3A_484 = vector.load %get3A_481[%get3A_482, %get3A_483] : memref<8x16384xf32, #tpu.memory_space<vmem>>, vector<8x256xf32>
      %sub3A_485 = vector.broadcast %scan3A_46 : vector<8x1xf32> to vector<8x256xf32>
      %sub3A_486 = arith.subf %get3A_470, %sub3A_485 : vector<8x256xf32>
      %sub3A_487 = vector.broadcast %scan3A_47 : vector<8x1xf32> to vector<8x256xf32>
      %sub3A_488 = arith.subf %get3A_477, %sub3A_487 : vector<8x256xf32>
      %sub3A_489 = vector.broadcast %scan3A_48 : vector<8x1xf32> to vector<8x256xf32>
      %sub3A_490 = arith.subf %get3A_484, %sub3A_489 : vector<8x256xf32>
      %mul3A_491 = arith.mulf %sub3A_486, %sub3A_486 : vector<8x256xf32>
      %mul3A_492 = arith.mulf %sub3A_488, %sub3A_488 : vector<8x256xf32>
      %add3A_493 = arith.addf %mul3A_491, %mul3A_492 : vector<8x256xf32>
      %mul3A_494 = arith.mulf %sub3A_490, %sub3A_490 : vector<8x256xf32>
      %add3A_495 = arith.addf %add3A_493, %mul3A_494 : vector<8x256xf32>
      %get3A_496 = arith.constant 0 : index
      %get3A_497 = arith.constant 2048 : index
      %get3A_498 = vector.load %arg5[%get3A_496, %get3A_497] : memref<8x16384xf32, #tpu.memory_space<vmem>>, vector<8x256xf32>
      %min3A_499 = arith.minimumf %get3A_498, %add3A_495 : vector<8x256xf32>
      %swap3A_500 = arith.constant 0 : index
      %swap3A_501 = arith.constant 2048 : index
      %swap3A_502 = vector.load %arg5[%swap3A_500, %swap3A_501] : memref<8x16384xf32, #tpu.memory_space<vmem>>, vector<8x256xf32>
      tpu.vector_store %arg5[%swap3A_500, %swap3A_501], %min3A_499 {strides = array<i32>} : memref<8x16384xf32, #tpu.memory_space<vmem>>, vector<8x256xf32>,
      %gt3A_503 = arith.cmpf ogt, %min3A_499, %select_n3A_456 : vector<8x256xf32>
      %select_n3A_504 = arith.select %gt3A_503, %min3A_499, %select_n3A_456 : vector<8x256xi1>, vector<8x256xf32>
      %get3A_505 = arith.constant 0 : index
      %get3A_506 = arith.constant 2048 : index
      %get3A_507 = vector.load %arg6[%get3A_505, %get3A_506] : memref<8x16384xf32, #tpu.memory_space<vmem>>, vector<8x256xf32>
      %select_n3A_508 = arith.select %gt3A_503, %get3A_507, %select_n3A_460 : vector<8x256xi1>, vector<8x256xf32>
      %select_n3A_509 = arith.select %gt3A_503, %get3A_470, %select_n3A_461 : vector<8x256xi1>, vector<8x256xf32>
      %select_n3A_510 = arith.select %gt3A_503, %get3A_477, %select_n3A_462 : vector<8x256xi1>, vector<8x256xf32>
      %select_n3A_511 = arith.select %gt3A_503, %get3A_484, %select_n3A_463 : vector<8x256xi1>, vector<8x256xf32>
      %get3A_512 = arith.constant 0 : i32
      %get3A_513 = arith.constant 0 : i32
      %get3A_514 = tpu.memref_slice %arg0[%scan3A, %get3A_512, %get3A_513] : memref<3x8x16384xf32, #tpu.memory_space<vmem>> -> memref<1x8x16384xf32, #tpu.memory_space<vmem>>
      %get3A_515 = tpu.memref_squeeze %get3A_514 : memref<1x8x16384xf32, #tpu.memory_space<vmem>> -> memref<8x16384xf32, #tpu.memory_space<vmem>>
      %get3A_516 = arith.constant 0 : index
      %get3A_517 = arith.constant 2304 : index
      %get3A_518 = vector.load %get3A_515[%get3A_516, %get3A_517] : memref<8x16384xf32, #tpu.memory_space<vmem>>, vector<8x256xf32>
      %get3A_519 = arith.constant 0 : i32
      %get3A_520 = arith.constant 0 : i32
      %get3A_521 = tpu.memref_slice %arg0[%scan3A_36, %get3A_519, %get3A_520] : memref<3x8x16384xf32, #tpu.memory_space<vmem>> -> memref<1x8x16384xf32, #tpu.memory_space<vmem>>
      %get3A_522 = tpu.memref_squeeze %get3A_521 : memref<1x8x16384xf32, #tpu.memory_space<vmem>> -> memref<8x16384xf32, #tpu.memory_space<vmem>>
      %get3A_523 = arith.constant 0 : index
      %get3A_524 = arith.constant 2304 : index
      %get3A_525 = vector.load %get3A_522[%get3A_523, %get3A_524] : memref<8x16384xf32, #tpu.memory_space<vmem>>, vector<8x256xf32>
      %get3A_526 = arith.constant 0 : i32
      %get3A_527 = arith.constant 0 : i32
      %get3A_528 = tpu.memref_slice %arg0[%scan3A_37, %get3A_526, %get3A_527] : memref<3x8x16384xf32, #tpu.memory_space<vmem>> -> memref<1x8x16384xf32, #tpu.memory_space<vmem>>
      %get3A_529 = tpu.memref_squeeze %get3A_528 : memref<1x8x16384xf32, #tpu.memory_space<vmem>> -> memref<8x16384xf32, #tpu.memory_space<vmem>>
      %get3A_530 = arith.constant 0 : index
      %get3A_531 = arith.constant 2304 : index
      %get3A_532 = vector.load %get3A_529[%get3A_530, %get3A_531] : memref<8x16384xf32, #tpu.memory_space<vmem>>, vector<8x256xf32>
      %sub3A_533 = vector.broadcast %scan3A_46 : vector<8x1xf32> to vector<8x256xf32>
      %sub3A_534 = arith.subf %get3A_518, %sub3A_533 : vector<8x256xf32>
      %sub3A_535 = vector.broadcast %scan3A_47 : vector<8x1xf32> to vector<8x256xf32>
      %sub3A_536 = arith.subf %get3A_525, %sub3A_535 : vector<8x256xf32>
      %sub3A_537 = vector.broadcast %scan3A_48 : vector<8x1xf32> to vector<8x256xf32>
      %sub3A_538 = arith.subf %get3A_532, %sub3A_537 : vector<8x256xf32>
      %mul3A_539 = arith.mulf %sub3A_534, %sub3A_534 : vector<8x256xf32>
      %mul3A_540 = arith.mulf %sub3A_536, %sub3A_536 : vector<8x256xf32>
      %add3A_541 = arith.addf %mul3A_539, %mul3A_540 : vector<8x256xf32>
      %mul3A_542 = arith.mulf %sub3A_538, %sub3A_538 : vector<8x256xf32>
      %add3A_543 = arith.addf %add3A_541, %mul3A_542 : vector<8x256xf32>
      %get3A_544 = arith.constant 0 : index
      %get3A_545 = arith.constant 2304 : index
      %get3A_546 = vector.load %arg5[%get3A_544, %get3A_545] : memref<8x16384xf32, #tpu.memory_space<vmem>>, vector<8x256xf32>
      %min3A_547 = arith.minimumf %get3A_546, %add3A_543 : vector<8x256xf32>
      %swap3A_548 = arith.constant 0 : index
      %swap3A_549 = arith.constant 2304 : index
      %swap3A_550 = vector.load %arg5[%swap3A_548, %swap3A_549] : memref<8x16384xf32, #tpu.memory_space<vmem>>, vector<8x256xf32>
      tpu.vector_store %arg5[%swap3A_548, %swap3A_549], %min3A_547 {strides = array<i32>} : memref<8x16384xf32, #tpu.memory_space<vmem>>, vector<8x256xf32>,
      %gt3A_551 = arith.cmpf ogt, %min3A_547, %select_n3A_504 : vector<8x256xf32>
      %select_n3A_552 = arith.select %gt3A_551, %min3A_547, %select_n3A_504 : vector<8x256xi1>, vector<8x256xf32>
      %get3A_553 = arith.constant 0 : index
      %get3A_554 = arith.constant 2304 : index
      %get3A_555 = vector.load %arg6[%get3A_553, %get3A_554] : memref<8x16384xf32, #tpu.memory_space<vmem>>, vector<8x256xf32>
      %select_n3A_556 = arith.select %gt3A_551, %get3A_555, %select_n3A_508 : vector<8x256xi1>, vector<8x256xf32>
      %select_n3A_557 = arith.select %gt3A_551, %get3A_518, %select_n3A_509 : vector<8x256xi1>, vector<8x256xf32>
      %select_n3A_558 = arith.select %gt3A_551, %get3A_525, %select_n3A_510 : vector<8x256xi1>, vector<8x256xf32>
      %select_n3A_559 = arith.select %gt3A_551, %get3A_532, %select_n3A_511 : vector<8x256xi1>, vector<8x256xf32>
      %get3A_560 = arith.constant 0 : i32
      %get3A_561 = arith.constant 0 : i32
      %get3A_562 = tpu.memref_slice %arg0[%scan3A, %get3A_560, %get3A_561] : memref<3x8x16384xf32, #tpu.memory_space<vmem>> -> memref<1x8x16384xf32, #tpu.memory_space<vmem>>
      %get3A_563 = tpu.memref_squeeze %get3A_562 : memref<1x8x16384xf32, #tpu.memory_space<vmem>> -> memref<8x16384xf32, #tpu.memory_space<vmem>>
      %get3A_564 = arith.constant 0 : index
      %get3A_565 = arith.constant 2560 : index
      %get3A_566 = vector.load %get3A_563[%get3A_564, %get3A_565] : memref<8x16384xf32, #tpu.memory_space<vmem>>, vector<8x256xf32>
      %get3A_567 = arith.constant 0 : i32
      %get3A_568 = arith.constant 0 : i32
      %get3A_569 = tpu.memref_slice %arg0[%scan3A_36, %get3A_567, %get3A_568] : memref<3x8x16384xf32, #tpu.memory_space<vmem>> -> memref<1x8x16384xf32, #tpu.memory_space<vmem>>
      %get3A_570 = tpu.memref_squeeze %get3A_569 : memref<1x8x16384xf32, #tpu.memory_space<vmem>> -> memref<8x16384xf32, #tpu.memory_space<vmem>>
      %get3A_571 = arith.constant 0 : index
      %get3A_572 = arith.constant 2560 : index
      %get3A_573 = vector.load %get3A_570[%get3A_571, %get3A_572] : memref<8x16384xf32, #tpu.memory_space<vmem>>, vector<8x256xf32>
      %get3A_574 = arith.constant 0 : i32
      %get3A_575 = arith.constant 0 : i32
      %get3A_576 = tpu.memref_slice %arg0[%scan3A_37, %get3A_574, %get3A_575] : memref<3x8x16384xf32, #tpu.memory_space<vmem>> -> memref<1x8x16384xf32, #tpu.memory_space<vmem>>
      %get3A_577 = tpu.memref_squeeze %get3A_576 : memref<1x8x16384xf32, #tpu.memory_space<vmem>> -> memref<8x16384xf32, #tpu.memory_space<vmem>>
      %get3A_578 = arith.constant 0 : index
      %get3A_579 = arith.constant 2560 : index
      %get3A_580 = vector.load %get3A_577[%get3A_578, %get3A_579] : memref<8x16384xf32, #tpu.memory_space<vmem>>, vector<8x256xf32>
      %sub3A_581 = vector.broadcast %scan3A_46 : vector<8x1xf32> to vector<8x256xf32>
      %sub3A_582 = arith.subf %get3A_566, %sub3A_581 : vector<8x256xf32>
      %sub3A_583 = vector.broadcast %scan3A_47 : vector<8x1xf32> to vector<8x256xf32>
      %sub3A_584 = arith.subf %get3A_573, %sub3A_583 : vector<8x256xf32>
      %sub3A_585 = vector.broadcast %scan3A_48 : vector<8x1xf32> to vector<8x256xf32>
      %sub3A_586 = arith.subf %get3A_580, %sub3A_585 : vector<8x256xf32>
      %mul3A_587 = arith.mulf %sub3A_582, %sub3A_582 : vector<8x256xf32>
      %mul3A_588 = arith.mulf %sub3A_584, %sub3A_584 : vector<8x256xf32>
      %add3A_589 = arith.addf %mul3A_587, %mul3A_588 : vector<8x256xf32>
      %mul3A_590 = arith.mulf %sub3A_586, %sub3A_586 : vector<8x256xf32>
      %add3A_591 = arith.addf %add3A_589, %mul3A_590 : vector<8x256xf32>
      %get3A_592 = arith.constant 0 : index
      %get3A_593 = arith.constant 2560 : index
      %get3A_594 = vector.load %arg5[%get3A_592, %get3A_593] : memref<8x16384xf32, #tpu.memory_space<vmem>>, vector<8x256xf32>
      %min3A_595 = arith.minimumf %get3A_594, %add3A_591 : vector<8x256xf32>
      %swap3A_596 = arith.constant 0 : index
      %swap3A_597 = arith.constant 2560 : index
      %swap3A_598 = vector.load %arg5[%swap3A_596, %swap3A_597] : memref<8x16384xf32, #tpu.memory_space<vmem>>, vector<8x256xf32>
      tpu.vector_store %arg5[%swap3A_596, %swap3A_597], %min3A_595 {strides = array<i32>} : memref<8x16384xf32, #tpu.memory_space<vmem>>, vector<8x256xf32>,
      %gt3A_599 = arith.cmpf ogt, %min3A_595, %select_n3A_552 : vector<8x256xf32>
      %select_n3A_600 = arith.select %gt3A_599, %min3A_595, %select_n3A_552 : vector<8x256xi1>, vector<8x256xf32>
      %get3A_601 = arith.constant 0 : index
      %get3A_602 = arith.constant 2560 : index
      %get3A_603 = vector.load %arg6[%get3A_601, %get3A_602] : memref<8x16384xf32, #tpu.memory_space<vmem>>, vector<8x256xf32>
      %select_n3A_604 = arith.select %gt3A_599, %get3A_603, %select_n3A_556 : vector<8x256xi1>, vector<8x256xf32>
      %select_n3A_605 = arith.select %gt3A_599, %get3A_566, %select_n3A_557 : vector<8x256xi1>, vector<8x256xf32>
      %select_n3A_606 = arith.select %gt3A_599, %get3A_573, %select_n3A_558 : vector<8x256xi1>, vector<8x256xf32>
      %select_n3A_607 = arith.select %gt3A_599, %get3A_580, %select_n3A_559 : vector<8x256xi1>, vector<8x256xf32>
      %get3A_608 = arith.constant 0 : i32
      %get3A_609 = arith.constant 0 : i32
      %get3A_610 = tpu.memref_slice %arg0[%scan3A, %get3A_608, %get3A_609] : memref<3x8x16384xf32, #tpu.memory_space<vmem>> -> memref<1x8x16384xf32, #tpu.memory_space<vmem>>
      %get3A_611 = tpu.memref_squeeze %get3A_610 : memref<1x8x16384xf32, #tpu.memory_space<vmem>> -> memref<8x16384xf32, #tpu.memory_space<vmem>>
      %get3A_612 = arith.constant 0 : index
      %get3A_613 = arith.constant 2816 : index
      %get3A_614 = vector.load %get3A_611[%get3A_612, %get3A_613] : memref<8x16384xf32, #tpu.memory_space<vmem>>, vector<8x256xf32>
      %get3A_615 = arith.constant 0 : i32
      %get3A_616 = arith.constant 0 : i32
      %get3A_617 = tpu.memref_slice %arg0[%scan3A_36, %get3A_615, %get3A_616] : memref<3x8x16384xf32, #tpu.memory_space<vmem>> -> memref<1x8x16384xf32, #tpu.memory_space<vmem>>
      %get3A_618 = tpu.memref_squeeze %get3A_617 : memref<1x8x16384xf32, #tpu.memory_space<vmem>> -> memref<8x16384xf32, #tpu.memory_space<vmem>>
      %get3A_619 = arith.constant 0 : index
      %get3A_620 = arith.constant 2816 : index
      %get3A_621 = vector.load %get3A_618[%get3A_619, %get3A_620] : memref<8x16384xf32, #tpu.memory_space<vmem>>, vector<8x256xf32>
      %get3A_622 = arith.constant 0 : i32
      %get3A_623 = arith.constant 0 : i32
      %get3A_624 = tpu.memref_slice %arg0[%scan3A_37, %get3A_622, %get3A_623] : memref<3x8x16384xf32, #tpu.memory_space<vmem>> -> memref<1x8x16384xf32, #tpu.memory_space<vmem>>
      %get3A_625 = tpu.memref_squeeze %get3A_624 : memref<1x8x16384xf32, #tpu.memory_space<vmem>> -> memref<8x16384xf32, #tpu.memory_space<vmem>>
      %get3A_626 = arith.constant 0 : index
      %get3A_627 = arith.constant 2816 : index
      %get3A_628 = vector.load %get3A_625[%get3A_626, %get3A_627] : memref<8x16384xf32, #tpu.memory_space<vmem>>, vector<8x256xf32>
      %sub3A_629 = vector.broadcast %scan3A_46 : vector<8x1xf32> to vector<8x256xf32>
      %sub3A_630 = arith.subf %get3A_614, %sub3A_629 : vector<8x256xf32>
      %sub3A_631 = vector.broadcast %scan3A_47 : vector<8x1xf32> to vector<8x256xf32>
      %sub3A_632 = arith.subf %get3A_621, %sub3A_631 : vector<8x256xf32>
      %sub3A_633 = vector.broadcast %scan3A_48 : vector<8x1xf32> to vector<8x256xf32>
      %sub3A_634 = arith.subf %get3A_628, %sub3A_633 : vector<8x256xf32>
      %mul3A_635 = arith.mulf %sub3A_630, %sub3A_630 : vector<8x256xf32>
      %mul3A_636 = arith.mulf %sub3A_632, %sub3A_632 : vector<8x256xf32>
      %add3A_637 = arith.addf %mul3A_635, %mul3A_636 : vector<8x256xf32>
      %mul3A_638 = arith.mulf %sub3A_634, %sub3A_634 : vector<8x256xf32>
      %add3A_639 = arith.addf %add3A_637, %mul3A_638 : vector<8x256xf32>
      %get3A_640 = arith.constant 0 : index
      %get3A_641 = arith.constant 2816 : index
      %get3A_642 = vector.load %arg5[%get3A_640, %get3A_641] : memref<8x16384xf32, #tpu.memory_space<vmem>>, vector<8x256xf32>
      %min3A_643 = arith.minimumf %get3A_642, %add3A_639 : vector<8x256xf32>
      %swap3A_644 = arith.constant 0 : index
      %swap3A_645 = arith.constant 2816 : index
      %swap3A_646 = vector.load %arg5[%swap3A_644, %swap3A_645] : memref<8x16384xf32, #tpu.memory_space<vmem>>, vector<8x256xf32>
      tpu.vector_store %arg5[%swap3A_644, %swap3A_645], %min3A_643 {strides = array<i32>} : memref<8x16384xf32, #tpu.memory_space<vmem>>, vector<8x256xf32>,
      %gt3A_647 = arith.cmpf ogt, %min3A_643, %select_n3A_600 : vector<8x256xf32>
      %select_n3A_648 = arith.select %gt3A_647, %min3A_643, %select_n3A_600 : vector<8x256xi1>, vector<8x256xf32>
      %get3A_649 = arith.constant 0 : index
      %get3A_650 = arith.constant 2816 : index
      %get3A_651 = vector.load %arg6[%get3A_649, %get3A_650] : memref<8x16384xf32, #tpu.memory_space<vmem>>, vector<8x256xf32>
      %select_n3A_652 = arith.select %gt3A_647, %get3A_651, %select_n3A_604 : vector<8x256xi1>, vector<8x256xf32>
      %select_n3A_653 = arith.select %gt3A_647, %get3A_614, %select_n3A_605 : vector<8x256xi1>, vector<8x256xf32>
      %select_n3A_654 = arith.select %gt3A_647, %get3A_621, %select_n3A_606 : vector<8x256xi1>, vector<8x256xf32>
      %select_n3A_655 = arith.select %gt3A_647, %get3A_628, %select_n3A_607 : vector<8x256xi1>, vector<8x256xf32>
      %get3A_656 = arith.constant 0 : i32
      %get3A_657 = arith.constant 0 : i32
      %get3A_658 = tpu.memref_slice %arg0[%scan3A, %get3A_656, %get3A_657] : memref<3x8x16384xf32, #tpu.memory_space<vmem>> -> memref<1x8x16384xf32, #tpu.memory_space<vmem>>
      %get3A_659 = tpu.memref_squeeze %get3A_658 : memref<1x8x16384xf32, #tpu.memory_space<vmem>> -> memref<8x16384xf32, #tpu.memory_space<vmem>>
      %get3A_660 = arith.constant 0 : index
      %get3A_661 = arith.constant 3072 : index
      %get3A_662 = vector.load %get3A_659[%get3A_660, %get3A_661] : memref<8x16384xf32, #tpu.memory_space<vmem>>, vector<8x256xf32>
      %get3A_663 = arith.constant 0 : i32
      %get3A_664 = arith.constant 0 : i32
      %get3A_665 = tpu.memref_slice %arg0[%scan3A_36, %get3A_663, %get3A_664] : memref<3x8x16384xf32, #tpu.memory_space<vmem>> -> memref<1x8x16384xf32, #tpu.memory_space<vmem>>
      %get3A_666 = tpu.memref_squeeze %get3A_665 : memref<1x8x16384xf32, #tpu.memory_space<vmem>> -> memref<8x16384xf32, #tpu.memory_space<vmem>>
      %get3A_667 = arith.constant 0 : index
      %get3A_668 = arith.constant 3072 : index
      %get3A_669 = vector.load %get3A_666[%get3A_667, %get3A_668] : memref<8x16384xf32, #tpu.memory_space<vmem>>, vector<8x256xf32>
      %get3A_670 = arith.constant 0 : i32
      %get3A_671 = arith.constant 0 : i32
      %get3A_672 = tpu.memref_slice %arg0[%scan3A_37, %get3A_670, %get3A_671] : memref<3x8x16384xf32, #tpu.memory_space<vmem>> -> memref<1x8x16384xf32, #tpu.memory_space<vmem>>
      %get3A_673 = tpu.memref_squeeze %get3A_672 : memref<1x8x16384xf32, #tpu.memory_space<vmem>> -> memref<8x16384xf32, #tpu.memory_space<vmem>>
      %get3A_674 = arith.constant 0 : index
      %get3A_675 = arith.constant 3072 : index
      %get3A_676 = vector.load %get3A_673[%get3A_674, %get3A_675] : memref<8x16384xf32, #tpu.memory_space<vmem>>, vector<8x256xf32>
      %sub3A_677 = vector.broadcast %scan3A_46 : vector<8x1xf32> to vector<8x256xf32>
      %sub3A_678 = arith.subf %get3A_662, %sub3A_677 : vector<8x256xf32>
      %sub3A_679 = vector.broadcast %scan3A_47 : vector<8x1xf32> to vector<8x256xf32>
      %sub3A_680 = arith.subf %get3A_669, %sub3A_679 : vector<8x256xf32>
      %sub3A_681 = vector.broadcast %scan3A_48 : vector<8x1xf32> to vector<8x256xf32>
      %sub3A_682 = arith.subf %get3A_676, %sub3A_681 : vector<8x256xf32>
      %mul3A_683 = arith.mulf %sub3A_678, %sub3A_678 : vector<8x256xf32>
      %mul3A_684 = arith.mulf %sub3A_680, %sub3A_680 : vector<8x256xf32>
      %add3A_685 = arith.addf %mul3A_683, %mul3A_684 : vector<8x256xf32>
      %mul3A_686 = arith.mulf %sub3A_682, %sub3A_682 : vector<8x256xf32>
      %add3A_687 = arith.addf %add3A_685, %mul3A_686 : vector<8x256xf32>
      %get3A_688 = arith.constant 0 : index
      %get3A_689 = arith.constant 3072 : index
      %get3A_690 = vector.load %arg5[%get3A_688, %get3A_689] : memref<8x16384xf32, #tpu.memory_space<vmem>>, vector<8x256xf32>
      %min3A_691 = arith.minimumf %get3A_690, %add3A_687 : vector<8x256xf32>
      %swap3A_692 = arith.constant 0 : index
      %swap3A_693 = arith.constant 3072 : index
      %swap3A_694 = vector.load %arg5[%swap3A_692, %swap3A_693] : memref<8x16384xf32, #tpu.memory_space<vmem>>, vector<8x256xf32>
      tpu.vector_store %arg5[%swap3A_692, %swap3A_693], %min3A_691 {strides = array<i32>} : memref<8x16384xf32, #tpu.memory_space<vmem>>, vector<8x256xf32>,
      %gt3A_695 = arith.cmpf ogt, %min3A_691, %select_n3A_648 : vector<8x256xf32>
      %select_n3A_696 = arith.select %gt3A_695, %min3A_691, %select_n3A_648 : vector<8x256xi1>, vector<8x256xf32>
      %get3A_697 = arith.constant 0 : index
      %get3A_698 = arith.constant 3072 : index
      %get3A_699 = vector.load %arg6[%get3A_697, %get3A_698] : memref<8x16384xf32, #tpu.memory_space<vmem>>, vector<8x256xf32>
      %select_n3A_700 = arith.select %gt3A_695, %get3A_699, %select_n3A_652 : vector<8x256xi1>, vector<8x256xf32>
      %select_n3A_701 = arith.select %gt3A_695, %get3A_662, %select_n3A_653 : vector<8x256xi1>, vector<8x256xf32>
      %select_n3A_702 = arith.select %gt3A_695, %get3A_669, %select_n3A_654 : vector<8x256xi1>, vector<8x256xf32>
      %select_n3A_703 = arith.select %gt3A_695, %get3A_676, %select_n3A_655 : vector<8x256xi1>, vector<8x256xf32>
      %get3A_704 = arith.constant 0 : i32
      %get3A_705 = arith.constant 0 : i32
      %get3A_706 = tpu.memref_slice %arg0[%scan3A, %get3A_704, %get3A_705] : memref<3x8x16384xf32, #tpu.memory_space<vmem>> -> memref<1x8x16384xf32, #tpu.memory_space<vmem>>
      %get3A_707 = tpu.memref_squeeze %get3A_706 : memref<1x8x16384xf32, #tpu.memory_space<vmem>> -> memref<8x16384xf32, #tpu.memory_space<vmem>>
      %get3A_708 = arith.constant 0 : index
      %get3A_709 = arith.constant 3328 : index
      %get3A_710 = vector.load %get3A_707[%get3A_708, %get3A_709] : memref<8x16384xf32, #tpu.memory_space<vmem>>, vector<8x256xf32>
      %get3A_711 = arith.constant 0 : i32
      %get3A_712 = arith.constant 0 : i32
      %get3A_713 = tpu.memref_slice %arg0[%scan3A_36, %get3A_711, %get3A_712] : memref<3x8x16384xf32, #tpu.memory_space<vmem>> -> memref<1x8x16384xf32, #tpu.memory_space<vmem>>
      %get3A_714 = tpu.memref_squeeze %get3A_713 : memref<1x8x16384xf32, #tpu.memory_space<vmem>> -> memref<8x16384xf32, #tpu.memory_space<vmem>>
      %get3A_715 = arith.constant 0 : index
      %get3A_716 = arith.constant 3328 : index
      %get3A_717 = vector.load %get3A_714[%get3A_715, %get3A_716] : memref<8x16384xf32, #tpu.memory_space<vmem>>, vector<8x256xf32>
      %get3A_718 = arith.constant 0 : i32
      %get3A_719 = arith.constant 0 : i32
      %get3A_720 = tpu.memref_slice %arg0[%scan3A_37, %get3A_718, %get3A_719] : memref<3x8x16384xf32, #tpu.memory_space<vmem>> -> memref<1x8x16384xf32, #tpu.memory_space<vmem>>
      %get3A_721 = tpu.memref_squeeze %get3A_720 : memref<1x8x16384xf32, #tpu.memory_space<vmem>> -> memref<8x16384xf32, #tpu.memory_space<vmem>>
      %get3A_722 = arith.constant 0 : index
      %get3A_723 = arith.constant 3328 : index
      %get3A_724 = vector.load %get3A_721[%get3A_722, %get3A_723] : memref<8x16384xf32, #tpu.memory_space<vmem>>, vector<8x256xf32>
      %sub3A_725 = vector.broadcast %scan3A_46 : vector<8x1xf32> to vector<8x256xf32>
      %sub3A_726 = arith.subf %get3A_710, %sub3A_725 : vector<8x256xf32>
      %sub3A_727 = vector.broadcast %scan3A_47 : vector<8x1xf32> to vector<8x256xf32>
      %sub3A_728 = arith.subf %get3A_717, %sub3A_727 : vector<8x256xf32>
      %sub3A_729 = vector.broadcast %scan3A_48 : vector<8x1xf32> to vector<8x256xf32>
      %sub3A_730 = arith.subf %get3A_724, %sub3A_729 : vector<8x256xf32>
      %mul3A_731 = arith.mulf %sub3A_726, %sub3A_726 : vector<8x256xf32>
      %mul3A_732 = arith.mulf %sub3A_728, %sub3A_728 : vector<8x256xf32>
      %add3A_733 = arith.addf %mul3A_731, %mul3A_732 : vector<8x256xf32>
      %mul3A_734 = arith.mulf %sub3A_730, %sub3A_730 : vector<8x256xf32>
      %add3A_735 = arith.addf %add3A_733, %mul3A_734 : vector<8x256xf32>
      %get3A_736 = arith.constant 0 : index
      %get3A_737 = arith.constant 3328 : index
      %get3A_738 = vector.load %arg5[%get3A_736, %get3A_737] : memref<8x16384xf32, #tpu.memory_space<vmem>>, vector<8x256xf32>
      %min3A_739 = arith.minimumf %get3A_738, %add3A_735 : vector<8x256xf32>
      %swap3A_740 = arith.constant 0 : index
      %swap3A_741 = arith.constant 3328 : index
      %swap3A_742 = vector.load %arg5[%swap3A_740, %swap3A_741] : memref<8x16384xf32, #tpu.memory_space<vmem>>, vector<8x256xf32>
      tpu.vector_store %arg5[%swap3A_740, %swap3A_741], %min3A_739 {strides = array<i32>} : memref<8x16384xf32, #tpu.memory_space<vmem>>, vector<8x256xf32>,
      %gt3A_743 = arith.cmpf ogt, %min3A_739, %select_n3A_696 : vector<8x256xf32>
      %select_n3A_744 = arith.select %gt3A_743, %min3A_739, %select_n3A_696 : vector<8x256xi1>, vector<8x256xf32>
      %get3A_745 = arith.constant 0 : index
      %get3A_746 = arith.constant 3328 : index
      %get3A_747 = vector.load %arg6[%get3A_745, %get3A_746] : memref<8x16384xf32, #tpu.memory_space<vmem>>, vector<8x256xf32>
      %select_n3A_748 = arith.select %gt3A_743, %get3A_747, %select_n3A_700 : vector<8x256xi1>, vector<8x256xf32>
      %select_n3A_749 = arith.select %gt3A_743, %get3A_710, %select_n3A_701 : vector<8x256xi1>, vector<8x256xf32>
      %select_n3A_750 = arith.select %gt3A_743, %get3A_717, %select_n3A_702 : vector<8x256xi1>, vector<8x256xf32>
      %select_n3A_751 = arith.select %gt3A_743, %get3A_724, %select_n3A_703 : vector<8x256xi1>, vector<8x256xf32>
      %get3A_752 = arith.constant 0 : i32
      %get3A_753 = arith.constant 0 : i32
      %get3A_754 = tpu.memref_slice %arg0[%scan3A, %get3A_752, %get3A_753] : memref<3x8x16384xf32, #tpu.memory_space<vmem>> -> memref<1x8x16384xf32, #tpu.memory_space<vmem>>
      %get3A_755 = tpu.memref_squeeze %get3A_754 : memref<1x8x16384xf32, #tpu.memory_space<vmem>> -> memref<8x16384xf32, #tpu.memory_space<vmem>>
      %get3A_756 = arith.constant 0 : index
      %get3A_757 = arith.constant 3584 : index
      %get3A_758 = vector.load %get3A_755[%get3A_756, %get3A_757] : memref<8x16384xf32, #tpu.memory_space<vmem>>, vector<8x256xf32>
      %get3A_759 = arith.constant 0 : i32
      %get3A_760 = arith.constant 0 : i32
      %get3A_761 = tpu.memref_slice %arg0[%scan3A_36, %get3A_759, %get3A_760] : memref<3x8x16384xf32, #tpu.memory_space<vmem>> -> memref<1x8x16384xf32, #tpu.memory_space<vmem>>
      %get3A_762 = tpu.memref_squeeze %get3A_761 : memref<1x8x16384xf32, #tpu.memory_space<vmem>> -> memref<8x16384xf32, #tpu.memory_space<vmem>>
      %get3A_763 = arith.constant 0 : index
      %get3A_764 = arith.constant 3584 : index
      %get3A_765 = vector.load %get3A_762[%get3A_763, %get3A_764] : memref<8x16384xf32, #tpu.memory_space<vmem>>, vector<8x256xf32>
      %get3A_766 = arith.constant 0 : i32
      %get3A_767 = arith.constant 0 : i32
      %get3A_768 = tpu.memref_slice %arg0[%scan3A_37, %get3A_766, %get3A_767] : memref<3x8x16384xf32, #tpu.memory_space<vmem>> -> memref<1x8x16384xf32, #tpu.memory_space<vmem>>
      %get3A_769 = tpu.memref_squeeze %get3A_768 : memref<1x8x16384xf32, #tpu.memory_space<vmem>> -> memref<8x16384xf32, #tpu.memory_space<vmem>>
      %get3A_770 = arith.constant 0 : index
      %get3A_771 = arith.constant 3584 : index
      %get3A_772 = vector.load %get3A_769[%get3A_770, %get3A_771] : memref<8x16384xf32, #tpu.memory_space<vmem>>, vector<8x256xf32>
      %sub3A_773 = vector.broadcast %scan3A_46 : vector<8x1xf32> to vector<8x256xf32>
      %sub3A_774 = arith.subf %get3A_758, %sub3A_773 : vector<8x256xf32>
      %sub3A_775 = vector.broadcast %scan3A_47 : vector<8x1xf32> to vector<8x256xf32>
      %sub3A_776 = arith.subf %get3A_765, %sub3A_775 : vector<8x256xf32>
      %sub3A_777 = vector.broadcast %scan3A_48 : vector<8x1xf32> to vector<8x256xf32>
      %sub3A_778 = arith.subf %get3A_772, %sub3A_777 : vector<8x256xf32>
      %mul3A_779 = arith.mulf %sub3A_774, %sub3A_774 : vector<8x256xf32>
      %mul3A_780 = arith.mulf %sub3A_776, %sub3A_776 : vector<8x256xf32>
      %add3A_781 = arith.addf %mul3A_779, %mul3A_780 : vector<8x256xf32>
      %mul3A_782 = arith.mulf %sub3A_778, %sub3A_778 : vector<8x256xf32>
      %add3A_783 = arith.addf %add3A_781, %mul3A_782 : vector<8x256xf32>
      %get3A_784 = arith.constant 0 : index
      %get3A_785 = arith.constant 3584 : index
      %get3A_786 = vector.load %arg5[%get3A_784, %get3A_785] : memref<8x16384xf32, #tpu.memory_space<vmem>>, vector<8x256xf32>
      %min3A_787 = arith.minimumf %get3A_786, %add3A_783 : vector<8x256xf32>
      %swap3A_788 = arith.constant 0 : index
      %swap3A_789 = arith.constant 3584 : index
      %swap3A_790 = vector.load %arg5[%swap3A_788, %swap3A_789] : memref<8x16384xf32, #tpu.memory_space<vmem>>, vector<8x256xf32>
      tpu.vector_store %arg5[%swap3A_788, %swap3A_789], %min3A_787 {strides = array<i32>} : memref<8x16384xf32, #tpu.memory_space<vmem>>, vector<8x256xf32>,
      %gt3A_791 = arith.cmpf ogt, %min3A_787, %select_n3A_744 : vector<8x256xf32>
      %select_n3A_792 = arith.select %gt3A_791, %min3A_787, %select_n3A_744 : vector<8x256xi1>, vector<8x256xf32>
      %get3A_793 = arith.constant 0 : index
      %get3A_794 = arith.constant 3584 : index
      %get3A_795 = vector.load %arg6[%get3A_793, %get3A_794] : memref<8x16384xf32, #tpu.memory_space<vmem>>, vector<8x256xf32>
      %select_n3A_796 = arith.select %gt3A_791, %get3A_795, %select_n3A_748 : vector<8x256xi1>, vector<8x256xf32>
      %select_n3A_797 = arith.select %gt3A_791, %get3A_758, %select_n3A_749 : vector<8x256xi1>, vector<8x256xf32>
      %select_n3A_798 = arith.select %gt3A_791, %get3A_765, %select_n3A_750 : vector<8x256xi1>, vector<8x256xf32>
      %select_n3A_799 = arith.select %gt3A_791, %get3A_772, %select_n3A_751 : vector<8x256xi1>, vector<8x256xf32>
      %get3A_800 = arith.constant 0 : i32
      %get3A_801 = arith.constant 0 : i32
      %get3A_802 = tpu.memref_slice %arg0[%scan3A, %get3A_800, %get3A_801] : memref<3x8x16384xf32, #tpu.memory_space<vmem>> -> memref<1x8x16384xf32, #tpu.memory_space<vmem>>
      %get3A_803 = tpu.memref_squeeze %get3A_802 : memref<1x8x16384xf32, #tpu.memory_space<vmem>> -> memref<8x16384xf32, #tpu.memory_space<vmem>>
      %get3A_804 = arith.constant 0 : index
      %get3A_805 = arith.constant 3840 : index
      %get3A_806 = vector.load %get3A_803[%get3A_804, %get3A_805] : memref<8x16384xf32, #tpu.memory_space<vmem>>, vector<8x256xf32>
      %get3A_807 = arith.constant 0 : i32
      %get3A_808 = arith.constant 0 : i32
      %get3A_809 = tpu.memref_slice %arg0[%scan3A_36, %get3A_807, %get3A_808] : memref<3x8x16384xf32, #tpu.memory_space<vmem>> -> memref<1x8x16384xf32, #tpu.memory_space<vmem>>
      %get3A_810 = tpu.memref_squeeze %get3A_809 : memref<1x8x16384xf32, #tpu.memory_space<vmem>> -> memref<8x16384xf32, #tpu.memory_space<vmem>>
      %get3A_811 = arith.constant 0 : index
      %get3A_812 = arith.constant 3840 : index
      %get3A_813 = vector.load %get3A_810[%get3A_811, %get3A_812] : memref<8x16384xf32, #tpu.memory_space<vmem>>, vector<8x256xf32>
      %get3A_814 = arith.constant 0 : i32
      %get3A_815 = arith.constant 0 : i32
      %get3A_816 = tpu.memref_slice %arg0[%scan3A_37, %get3A_814, %get3A_815] : memref<3x8x16384xf32, #tpu.memory_space<vmem>> -> memref<1x8x16384xf32, #tpu.memory_space<vmem>>
      %get3A_817 = tpu.memref_squeeze %get3A_816 : memref<1x8x16384xf32, #tpu.memory_space<vmem>> -> memref<8x16384xf32, #tpu.memory_space<vmem>>
      %get3A_818 = arith.constant 0 : index
      %get3A_819 = arith.constant 3840 : index
      %get3A_820 = vector.load %get3A_817[%get3A_818, %get3A_819] : memref<8x16384xf32, #tpu.memory_space<vmem>>, vector<8x256xf32>
      %sub3A_821 = vector.broadcast %scan3A_46 : vector<8x1xf32> to vector<8x256xf32>
      %sub3A_822 = arith.subf %get3A_806, %sub3A_821 : vector<8x256xf32>
      %sub3A_823 = vector.broadcast %scan3A_47 : vector<8x1xf32> to vector<8x256xf32>
      %sub3A_824 = arith.subf %get3A_813, %sub3A_823 : vector<8x256xf32>
      %sub3A_825 = vector.broadcast %scan3A_48 : vector<8x1xf32> to vector<8x256xf32>
      %sub3A_826 = arith.subf %get3A_820, %sub3A_825 : vector<8x256xf32>
      %mul3A_827 = arith.mulf %sub3A_822, %sub3A_822 : vector<8x256xf32>
      %mul3A_828 = arith.mulf %sub3A_824, %sub3A_824 : vector<8x256xf32>
      %add3A_829 = arith.addf %mul3A_827, %mul3A_828 : vector<8x256xf32>
      %mul3A_830 = arith.mulf %sub3A_826, %sub3A_826 : vector<8x256xf32>
      %add3A_831 = arith.addf %add3A_829, %mul3A_830 : vector<8x256xf32>
      %get3A_832 = arith.constant 0 : index
      %get3A_833 = arith.constant 3840 : index
      %get3A_834 = vector.load %arg5[%get3A_832, %get3A_833] : memref<8x16384xf32, #tpu.memory_space<vmem>>, vector<8x256xf32>
      %min3A_835 = arith.minimumf %get3A_834, %add3A_831 : vector<8x256xf32>
      %swap3A_836 = arith.constant 0 : index
      %swap3A_837 = arith.constant 3840 : index
      %swap3A_838 = vector.load %arg5[%swap3A_836, %swap3A_837] : memref<8x16384xf32, #tpu.memory_space<vmem>>, vector<8x256xf32>
      tpu.vector_store %arg5[%swap3A_836, %swap3A_837], %min3A_835 {strides = array<i32>} : memref<8x16384xf32, #tpu.memory_space<vmem>>, vector<8x256xf32>,
      %gt3A_839 = arith.cmpf ogt, %min3A_835, %select_n3A_792 : vector<8x256xf32>
      %select_n3A_840 = arith.select %gt3A_839, %min3A_835, %select_n3A_792 : vector<8x256xi1>, vector<8x256xf32>
      %get3A_841 = arith.constant 0 : index
      %get3A_842 = arith.constant 3840 : index
      %get3A_843 = vector.load %arg6[%get3A_841, %get3A_842] : memref<8x16384xf32, #tpu.memory_space<vmem>>, vector<8x256xf32>
      %select_n3A_844 = arith.select %gt3A_839, %get3A_843, %select_n3A_796 : vector<8x256xi1>, vector<8x256xf32>
      %select_n3A_845 = arith.select %gt3A_839, %get3A_806, %select_n3A_797 : vector<8x256xi1>, vector<8x256xf32>
      %select_n3A_846 = arith.select %gt3A_839, %get3A_813, %select_n3A_798 : vector<8x256xi1>, vector<8x256xf32>
      %select_n3A_847 = arith.select %gt3A_839, %get3A_820, %select_n3A_799 : vector<8x256xi1>, vector<8x256xf32>
      %get3A_848 = arith.constant 0 : i32
      %get3A_849 = arith.constant 0 : i32
      %get3A_850 = tpu.memref_slice %arg0[%scan3A, %get3A_848, %get3A_849] : memref<3x8x16384xf32, #tpu.memory_space<vmem>> -> memref<1x8x16384xf32, #tpu.memory_space<vmem>>
      %get3A_851 = tpu.memref_squeeze %get3A_850 : memref<1x8x16384xf32, #tpu.memory_space<vmem>> -> memref<8x16384xf32, #tpu.memory_space<vmem>>
      %get3A_852 = arith.constant 0 : index
      %get3A_853 = arith.constant 4096 : index
      %get3A_854 = vector.load %get3A_851[%get3A_852, %get3A_853] : memref<8x16384xf32, #tpu.memory_space<vmem>>, vector<8x256xf32>
      %get3A_855 = arith.constant 0 : i32
      %get3A_856 = arith.constant 0 : i32
      %get3A_857 = tpu.memref_slice %arg0[%scan3A_36, %get3A_855, %get3A_856] : memref<3x8x16384xf32, #tpu.memory_space<vmem>> -> memref<1x8x16384xf32, #tpu.memory_space<vmem>>
      %get3A_858 = tpu.memref_squeeze %get3A_857 : memref<1x8x16384xf32, #tpu.memory_space<vmem>> -> memref<8x16384xf32, #tpu.memory_space<vmem>>
      %get3A_859 = arith.constant 0 : index
      %get3A_860 = arith.constant 4096 : index
      %get3A_861 = vector.load %get3A_858[%get3A_859, %get3A_860] : memref<8x16384xf32, #tpu.memory_space<vmem>>, vector<8x256xf32>
      %get3A_862 = arith.constant 0 : i32
      %get3A_863 = arith.constant 0 : i32
      %get3A_864 = tpu.memref_slice %arg0[%scan3A_37, %get3A_862, %get3A_863] : memref<3x8x16384xf32, #tpu.memory_space<vmem>> -> memref<1x8x16384xf32, #tpu.memory_space<vmem>>
      %get3A_865 = tpu.memref_squeeze %get3A_864 : memref<1x8x16384xf32, #tpu.memory_space<vmem>> -> memref<8x16384xf32, #tpu.memory_space<vmem>>
      %get3A_866 = arith.constant 0 : index
      %get3A_867 = arith.constant 4096 : index
      %get3A_868 = vector.load %get3A_865[%get3A_866, %get3A_867] : memref<8x16384xf32, #tpu.memory_space<vmem>>, vector<8x256xf32>
      %sub3A_869 = vector.broadcast %scan3A_46 : vector<8x1xf32> to vector<8x256xf32>
      %sub3A_870 = arith.subf %get3A_854, %sub3A_869 : vector<8x256xf32>
      %sub3A_871 = vector.broadcast %scan3A_47 : vector<8x1xf32> to vector<8x256xf32>
      %sub3A_872 = arith.subf %get3A_861, %sub3A_871 : vector<8x256xf32>
      %sub3A_873 = vector.broadcast %scan3A_48 : vector<8x1xf32> to vector<8x256xf32>
      %sub3A_874 = arith.subf %get3A_868, %sub3A_873 : vector<8x256xf32>
      %mul3A_875 = arith.mulf %sub3A_870, %sub3A_870 : vector<8x256xf32>
      %mul3A_876 = arith.mulf %sub3A_872, %sub3A_872 : vector<8x256xf32>
      %add3A_877 = arith.addf %mul3A_875, %mul3A_876 : vector<8x256xf32>
      %mul3A_878 = arith.mulf %sub3A_874, %sub3A_874 : vector<8x256xf32>
      %add3A_879 = arith.addf %add3A_877, %mul3A_878 : vector<8x256xf32>
      %get3A_880 = arith.constant 0 : index
      %get3A_881 = arith.constant 4096 : index
      %get3A_882 = vector.load %arg5[%get3A_880, %get3A_881] : memref<8x16384xf32, #tpu.memory_space<vmem>>, vector<8x256xf32>
      %min3A_883 = arith.minimumf %get3A_882, %add3A_879 : vector<8x256xf32>
      %swap3A_884 = arith.constant 0 : index
      %swap3A_885 = arith.constant 4096 : index
      %swap3A_886 = vector.load %arg5[%swap3A_884, %swap3A_885] : memref<8x16384xf32, #tpu.memory_space<vmem>>, vector<8x256xf32>
      tpu.vector_store %arg5[%swap3A_884, %swap3A_885], %min3A_883 {strides = array<i32>} : memref<8x16384xf32, #tpu.memory_space<vmem>>, vector<8x256xf32>,
      %gt3A_887 = arith.cmpf ogt, %min3A_883, %select_n3A_840 : vector<8x256xf32>
      %select_n3A_888 = arith.select %gt3A_887, %min3A_883, %select_n3A_840 : vector<8x256xi1>, vector<8x256xf32>
      %get3A_889 = arith.constant 0 : index
      %get3A_890 = arith.constant 4096 : index
      %get3A_891 = vector.load %arg6[%get3A_889, %get3A_890] : memref<8x16384xf32, #tpu.memory_space<vmem>>, vector<8x256xf32>
      %select_n3A_892 = arith.select %gt3A_887, %get3A_891, %select_n3A_844 : vector<8x256xi1>, vector<8x256xf32>
      %select_n3A_893 = arith.select %gt3A_887, %get3A_854, %select_n3A_845 : vector<8x256xi1>, vector<8x256xf32>
      %select_n3A_894 = arith.select %gt3A_887, %get3A_861, %select_n3A_846 : vector<8x256xi1>, vector<8x256xf32>
      %select_n3A_895 = arith.select %gt3A_887, %get3A_868, %select_n3A_847 : vector<8x256xi1>, vector<8x256xf32>
      %get3A_896 = arith.constant 0 : i32
      %get3A_897 = arith.constant 0 : i32
      %get3A_898 = tpu.memref_slice %arg0[%scan3A, %get3A_896, %get3A_897] : memref<3x8x16384xf32, #tpu.memory_space<vmem>> -> memref<1x8x16384xf32, #tpu.memory_space<vmem>>
      %get3A_899 = tpu.memref_squeeze %get3A_898 : memref<1x8x16384xf32, #tpu.memory_space<vmem>> -> memref<8x16384xf32, #tpu.memory_space<vmem>>
      %get3A_900 = arith.constant 0 : index
      %get3A_901 = arith.constant 4352 : index
      %get3A_902 = vector.load %get3A_899[%get3A_900, %get3A_901] : memref<8x16384xf32, #tpu.memory_space<vmem>>, vector<8x256xf32>
      %get3A_903 = arith.constant 0 : i32
      %get3A_904 = arith.constant 0 : i32
      %get3A_905 = tpu.memref_slice %arg0[%scan3A_36, %get3A_903, %get3A_904] : memref<3x8x16384xf32, #tpu.memory_space<vmem>> -> memref<1x8x16384xf32, #tpu.memory_space<vmem>>
      %get3A_906 = tpu.memref_squeeze %get3A_905 : memref<1x8x16384xf32, #tpu.memory_space<vmem>> -> memref<8x16384xf32, #tpu.memory_space<vmem>>
      %get3A_907 = arith.constant 0 : index
      %get3A_908 = arith.constant 4352 : index
      %get3A_909 = vector.load %get3A_906[%get3A_907, %get3A_908] : memref<8x16384xf32, #tpu.memory_space<vmem>>, vector<8x256xf32>
      %get3A_910 = arith.constant 0 : i32
      %get3A_911 = arith.constant 0 : i32
      %get3A_912 = tpu.memref_slice %arg0[%scan3A_37, %get3A_910, %get3A_911] : memref<3x8x16384xf32, #tpu.memory_space<vmem>> -> memref<1x8x16384xf32, #tpu.memory_space<vmem>>
      %get3A_913 = tpu.memref_squeeze %get3A_912 : memref<1x8x16384xf32, #tpu.memory_space<vmem>> -> memref<8x16384xf32, #tpu.memory_space<vmem>>
      %get3A_914 = arith.constant 0 : index
      %get3A_915 = arith.constant 4352 : index
      %get3A_916 = vector.load %get3A_913[%get3A_914, %get3A_915] : memref<8x16384xf32, #tpu.memory_space<vmem>>, vector<8x256xf32>
      %sub3A_917 = vector.broadcast %scan3A_46 : vector<8x1xf32> to vector<8x256xf32>
      %sub3A_918 = arith.subf %get3A_902, %sub3A_917 : vector<8x256xf32>
      %sub3A_919 = vector.broadcast %scan3A_47 : vector<8x1xf32> to vector<8x256xf32>
      %sub3A_920 = arith.subf %get3A_909, %sub3A_919 : vector<8x256xf32>
      %sub3A_921 = vector.broadcast %scan3A_48 : vector<8x1xf32> to vector<8x256xf32>
      %sub3A_922 = arith.subf %get3A_916, %sub3A_921 : vector<8x256xf32>
      %mul3A_923 = arith.mulf %sub3A_918, %sub3A_918 : vector<8x256xf32>
      %mul3A_924 = arith.mulf %sub3A_920, %sub3A_920 : vector<8x256xf32>
      %add3A_925 = arith.addf %mul3A_923, %mul3A_924 : vector<8x256xf32>
      %mul3A_926 = arith.mulf %sub3A_922, %sub3A_922 : vector<8x256xf32>
      %add3A_927 = arith.addf %add3A_925, %mul3A_926 : vector<8x256xf32>
      %get3A_928 = arith.constant 0 : index
      %get3A_929 = arith.constant 4352 : index
      %get3A_930 = vector.load %arg5[%get3A_928, %get3A_929] : memref<8x16384xf32, #tpu.memory_space<vmem>>, vector<8x256xf32>
      %min3A_931 = arith.minimumf %get3A_930, %add3A_927 : vector<8x256xf32>
      %swap3A_932 = arith.constant 0 : index
      %swap3A_933 = arith.constant 4352 : index
      %swap3A_934 = vector.load %arg5[%swap3A_932, %swap3A_933] : memref<8x16384xf32, #tpu.memory_space<vmem>>, vector<8x256xf32>
      tpu.vector_store %arg5[%swap3A_932, %swap3A_933], %min3A_931 {strides = array<i32>} : memref<8x16384xf32, #tpu.memory_space<vmem>>, vector<8x256xf32>,
      %gt3A_935 = arith.cmpf ogt, %min3A_931, %select_n3A_888 : vector<8x256xf32>
      %select_n3A_936 = arith.select %gt3A_935, %min3A_931, %select_n3A_888 : vector<8x256xi1>, vector<8x256xf32>
      %get3A_937 = arith.constant 0 : index
      %get3A_938 = arith.constant 4352 : index
      %get3A_939 = vector.load %arg6[%get3A_937, %get3A_938] : memref<8x16384xf32, #tpu.memory_space<vmem>>, vector<8x256xf32>
      %select_n3A_940 = arith.select %gt3A_935, %get3A_939, %select_n3A_892 : vector<8x256xi1>, vector<8x256xf32>
      %select_n3A_941 = arith.select %gt3A_935, %get3A_902, %select_n3A_893 : vector<8x256xi1>, vector<8x256xf32>
      %select_n3A_942 = arith.select %gt3A_935, %get3A_909, %select_n3A_894 : vector<8x256xi1>, vector<8x256xf32>
      %select_n3A_943 = arith.select %gt3A_935, %get3A_916, %select_n3A_895 : vector<8x256xi1>, vector<8x256xf32>
      %get3A_944 = arith.constant 0 : i32
      %get3A_945 = arith.constant 0 : i32
      %get3A_946 = tpu.memref_slice %arg0[%scan3A, %get3A_944, %get3A_945] : memref<3x8x16384xf32, #tpu.memory_space<vmem>> -> memref<1x8x16384xf32, #tpu.memory_space<vmem>>
      %get3A_947 = tpu.memref_squeeze %get3A_946 : memref<1x8x16384xf32, #tpu.memory_space<vmem>> -> memref<8x16384xf32, #tpu.memory_space<vmem>>
      %get3A_948 = arith.constant 0 : index
      %get3A_949 = arith.constant 4608 : index
      %get3A_950 = vector.load %get3A_947[%get3A_948, %get3A_949] : memref<8x16384xf32, #tpu.memory_space<vmem>>, vector<8x256xf32>
      %get3A_951 = arith.constant 0 : i32
      %get3A_952 = arith.constant 0 : i32
      %get3A_953 = tpu.memref_slice %arg0[%scan3A_36, %get3A_951, %get3A_952] : memref<3x8x16384xf32, #tpu.memory_space<vmem>> -> memref<1x8x16384xf32, #tpu.memory_space<vmem>>
      %get3A_954 = tpu.memref_squeeze %get3A_953 : memref<1x8x16384xf32, #tpu.memory_space<vmem>> -> memref<8x16384xf32, #tpu.memory_space<vmem>>
      %get3A_955 = arith.constant 0 : index
      %get3A_956 = arith.constant 4608 : index
      %get3A_957 = vector.load %get3A_954[%get3A_955, %get3A_956] : memref<8x16384xf32, #tpu.memory_space<vmem>>, vector<8x256xf32>
      %get3A_958 = arith.constant 0 : i32
      %get3A_959 = arith.constant 0 : i32
      %get3A_960 = tpu.memref_slice %arg0[%scan3A_37, %get3A_958, %get3A_959] : memref<3x8x16384xf32, #tpu.memory_space<vmem>> -> memref<1x8x16384xf32, #tpu.memory_space<vmem>>
      %get3A_961 = tpu.memref_squeeze %get3A_960 : memref<1x8x16384xf32, #tpu.memory_space<vmem>> -> memref<8x16384xf32, #tpu.memory_space<vmem>>
      %get3A_962 = arith.constant 0 : index
      %get3A_963 = arith.constant 4608 : index
      %get3A_964 = vector.load %get3A_961[%get3A_962, %get3A_963] : memref<8x16384xf32, #tpu.memory_space<vmem>>, vector<8x256xf32>
      %sub3A_965 = vector.broadcast %scan3A_46 : vector<8x1xf32> to vector<8x256xf32>
      %sub3A_966 = arith.subf %get3A_950, %sub3A_965 : vector<8x256xf32>
      %sub3A_967 = vector.broadcast %scan3A_47 : vector<8x1xf32> to vector<8x256xf32>
      %sub3A_968 = arith.subf %get3A_957, %sub3A_967 : vector<8x256xf32>
      %sub3A_969 = vector.broadcast %scan3A_48 : vector<8x1xf32> to vector<8x256xf32>
      %sub3A_970 = arith.subf %get3A_964, %sub3A_969 : vector<8x256xf32>
      %mul3A_971 = arith.mulf %sub3A_966, %sub3A_966 : vector<8x256xf32>
      %mul3A_972 = arith.mulf %sub3A_968, %sub3A_968 : vector<8x256xf32>
      %add3A_973 = arith.addf %mul3A_971, %mul3A_972 : vector<8x256xf32>
      %mul3A_974 = arith.mulf %sub3A_970, %sub3A_970 : vector<8x256xf32>
      %add3A_975 = arith.addf %add3A_973, %mul3A_974 : vector<8x256xf32>
      %get3A_976 = arith.constant 0 : index
      %get3A_977 = arith.constant 4608 : index
      %get3A_978 = vector.load %arg5[%get3A_976, %get3A_977] : memref<8x16384xf32, #tpu.memory_space<vmem>>, vector<8x256xf32>
      %min3A_979 = arith.minimumf %get3A_978, %add3A_975 : vector<8x256xf32>
      %swap3A_980 = arith.constant 0 : index
      %swap3A_981 = arith.constant 4608 : index
      %swap3A_982 = vector.load %arg5[%swap3A_980, %swap3A_981] : memref<8x16384xf32, #tpu.memory_space<vmem>>, vector<8x256xf32>
      tpu.vector_store %arg5[%swap3A_980, %swap3A_981], %min3A_979 {strides = array<i32>} : memref<8x16384xf32, #tpu.memory_space<vmem>>, vector<8x256xf32>,
      %gt3A_983 = arith.cmpf ogt, %min3A_979, %select_n3A_936 : vector<8x256xf32>
      %select_n3A_984 = arith.select %gt3A_983, %min3A_979, %select_n3A_936 : vector<8x256xi1>, vector<8x256xf32>
      %get3A_985 = arith.constant 0 : index
      %get3A_986 = arith.constant 4608 : index
      %get3A_987 = vector.load %arg6[%get3A_985, %get3A_986] : memref<8x16384xf32, #tpu.memory_space<vmem>>, vector<8x256xf32>
      %select_n3A_988 = arith.select %gt3A_983, %get3A_987, %select_n3A_940 : vector<8x256xi1>, vector<8x256xf32>
      %select_n3A_989 = arith.select %gt3A_983, %get3A_950, %select_n3A_941 : vector<8x256xi1>, vector<8x256xf32>
      %select_n3A_990 = arith.select %gt3A_983, %get3A_957, %select_n3A_942 : vector<8x256xi1>, vector<8x256xf32>
      %select_n3A_991 = arith.select %gt3A_983, %get3A_964, %select_n3A_943 : vector<8x256xi1>, vector<8x256xf32>
      %get3A_992 = arith.constant 0 : i32
      %get3A_993 = arith.constant 0 : i32
      %get3A_994 = tpu.memref_slice %arg0[%scan3A, %get3A_992, %get3A_993] : memref<3x8x16384xf32, #tpu.memory_space<vmem>> -> memref<1x8x16384xf32, #tpu.memory_space<vmem>>
      %get3A_995 = tpu.memref_squeeze %get3A_994 : memref<1x8x16384xf32, #tpu.memory_space<vmem>> -> memref<8x16384xf32, #tpu.memory_space<vmem>>
      %get3A_996 = arith.constant 0 : index
      %get3A_997 = arith.constant 4864 : index
      %get3A_998 = vector.load %get3A_995[%get3A_996, %get3A_997] : memref<8x16384xf32, #tpu.memory_space<vmem>>, vector<8x256xf32>
      %get3A_999 = arith.constant 0 : i32
      %get3A_1000 = arith.constant 0 : i32
      %get3A_1001 = tpu.memref_slice %arg0[%scan3A_36, %get3A_999, %get3A_1000] : memref<3x8x16384xf32, #tpu.memory_space<vmem>> -> memref<1x8x16384xf32, #tpu.memory_space<vmem>>
      %get3A_1002 = tpu.memref_squeeze %get3A_1001 : memref<1x8x16384xf32, #tpu.memory_space<vmem>> -> memref<8x16384xf32, #tpu.memory_space<vmem>>
      %get3A_1003 = arith.constant 0 : index
      %get3A_1004 = arith.constant 4864 : index
      %get3A_1005 = vector.load %get3A_1002[%get3A_1003, %get3A_1004] : memref<8x16384xf32, #tpu.memory_space<vmem>>, vector<8x256xf32>
      %get3A_1006 = arith.constant 0 : i32
      %get3A_1007 = arith.constant 0 : i32
      %get3A_1008 = tpu.memref_slice %arg0[%scan3A_37, %get3A_1006, %get3A_1007] : memref<3x8x16384xf32, #tpu.memory_space<vmem>> -> memref<1x8x16384xf32, #tpu.memory_space<vmem>>
      %get3A_1009 = tpu.memref_squeeze %get3A_1008 : memref<1x8x16384xf32, #tpu.memory_space<vmem>> -> memref<8x16384xf32, #tpu.memory_space<vmem>>
      %get3A_1010 = arith.constant 0 : index
      %get3A_1011 = arith.constant 4864 : index
      %get3A_1012 = vector.load %get3A_1009[%get3A_1010, %get3A_1011] : memref<8x16384xf32, #tpu.memory_space<vmem>>, vector<8x256xf32>
      %sub3A_1013 = vector.broadcast %scan3A_46 : vector<8x1xf32> to vector<8x256xf32>
      %sub3A_1014 = arith.subf %get3A_998, %sub3A_1013 : vector<8x256xf32>
      %sub3A_1015 = vector.broadcast %scan3A_47 : vector<8x1xf32> to vector<8x256xf32>
      %sub3A_1016 = arith.subf %get3A_1005, %sub3A_1015 : vector<8x256xf32>
      %sub3A_1017 = vector.broadcast %scan3A_48 : vector<8x1xf32> to vector<8x256xf32>
      %sub3A_1018 = arith.subf %get3A_1012, %sub3A_1017 : vector<8x256xf32>
      %mul3A_1019 = arith.mulf %sub3A_1014, %sub3A_1014 : vector<8x256xf32>
      %mul3A_1020 = arith.mulf %sub3A_1016, %sub3A_1016 : vector<8x256xf32>
      %add3A_1021 = arith.addf %mul3A_1019, %mul3A_1020 : vector<8x256xf32>
      %mul3A_1022 = arith.mulf %sub3A_1018, %sub3A_1018 : vector<8x256xf32>
      %add3A_1023 = arith.addf %add3A_1021, %mul3A_1022 : vector<8x256xf32>
      %get3A_1024 = arith.constant 0 : index
      %get3A_1025 = arith.constant 4864 : index
      %get3A_1026 = vector.load %arg5[%get3A_1024, %get3A_1025] : memref<8x16384xf32, #tpu.memory_space<vmem>>, vector<8x256xf32>
      %min3A_1027 = arith.minimumf %get3A_1026, %add3A_1023 : vector<8x256xf32>
      %swap3A_1028 = arith.constant 0 : index
      %swap3A_1029 = arith.constant 4864 : index
      %swap3A_1030 = vector.load %arg5[%swap3A_1028, %swap3A_1029] : memref<8x16384xf32, #tpu.memory_space<vmem>>, vector<8x256xf32>
      tpu.vector_store %arg5[%swap3A_1028, %swap3A_1029], %min3A_1027 {strides = array<i32>} : memref<8x16384xf32, #tpu.memory_space<vmem>>, vector<8x256xf32>,
      %gt3A_1031 = arith.cmpf ogt, %min3A_1027, %select_n3A_984 : vector<8x256xf32>
      %select_n3A_1032 = arith.select %gt3A_1031, %min3A_1027, %select_n3A_984 : vector<8x256xi1>, vector<8x256xf32>
      %get3A_1033 = arith.constant 0 : index
      %get3A_1034 = arith.constant 4864 : index
      %get3A_1035 = vector.load %arg6[%get3A_1033, %get3A_1034] : memref<8x16384xf32, #tpu.memory_space<vmem>>, vector<8x256xf32>
      %select_n3A_1036 = arith.select %gt3A_1031, %get3A_1035, %select_n3A_988 : vector<8x256xi1>, vector<8x256xf32>
      %select_n3A_1037 = arith.select %gt3A_1031, %get3A_998, %select_n3A_989 : vector<8x256xi1>, vector<8x256xf32>
      %select_n3A_1038 = arith.select %gt3A_1031, %get3A_1005, %select_n3A_990 : vector<8x256xi1>, vector<8x256xf32>
      %select_n3A_1039 = arith.select %gt3A_1031, %get3A_1012, %select_n3A_991 : vector<8x256xi1>, vector<8x256xf32>
      %get3A_1040 = arith.constant 0 : i32
      %get3A_1041 = arith.constant 0 : i32
      %get3A_1042 = tpu.memref_slice %arg0[%scan3A, %get3A_1040, %get3A_1041] : memref<3x8x16384xf32, #tpu.memory_space<vmem>> -> memref<1x8x16384xf32, #tpu.memory_space<vmem>>
      %get3A_1043 = tpu.memref_squeeze %get3A_1042 : memref<1x8x16384xf32, #tpu.memory_space<vmem>> -> memref<8x16384xf32, #tpu.memory_space<vmem>>
      %get3A_1044 = arith.constant 0 : index
      %get3A_1045 = arith.constant 5120 : index
      %get3A_1046 = vector.load %get3A_1043[%get3A_1044, %get3A_1045] : memref<8x16384xf32, #tpu.memory_space<vmem>>, vector<8x256xf32>
      %get3A_1047 = arith.constant 0 : i32
      %get3A_1048 = arith.constant 0 : i32
      %get3A_1049 = tpu.memref_slice %arg0[%scan3A_36, %get3A_1047, %get3A_1048] : memref<3x8x16384xf32, #tpu.memory_space<vmem>> -> memref<1x8x16384xf32, #tpu.memory_space<vmem>>
      %get3A_1050 = tpu.memref_squeeze %get3A_1049 : memref<1x8x16384xf32, #tpu.memory_space<vmem>> -> memref<8x16384xf32, #tpu.memory_space<vmem>>
      %get3A_1051 = arith.constant 0 : index
      %get3A_1052 = arith.constant 5120 : index
      %get3A_1053 = vector.load %get3A_1050[%get3A_1051, %get3A_1052] : memref<8x16384xf32, #tpu.memory_space<vmem>>, vector<8x256xf32>
      %get3A_1054 = arith.constant 0 : i32
      %get3A_1055 = arith.constant 0 : i32
      %get3A_1056 = tpu.memref_slice %arg0[%scan3A_37, %get3A_1054, %get3A_1055] : memref<3x8x16384xf32, #tpu.memory_space<vmem>> -> memref<1x8x16384xf32, #tpu.memory_space<vmem>>
      %get3A_1057 = tpu.memref_squeeze %get3A_1056 : memref<1x8x16384xf32, #tpu.memory_space<vmem>> -> memref<8x16384xf32, #tpu.memory_space<vmem>>
      %get3A_1058 = arith.constant 0 : index
      %get3A_1059 = arith.constant 5120 : index
      %get3A_1060 = vector.load %get3A_1057[%get3A_1058, %get3A_1059] : memref<8x16384xf32, #tpu.memory_space<vmem>>, vector<8x256xf32>
      %sub3A_1061 = vector.broadcast %scan3A_46 : vector<8x1xf32> to vector<8x256xf32>
      %sub3A_1062 = arith.subf %get3A_1046, %sub3A_1061 : vector<8x256xf32>
      %sub3A_1063 = vector.broadcast %scan3A_47 : vector<8x1xf32> to vector<8x256xf32>
      %sub3A_1064 = arith.subf %get3A_1053, %sub3A_1063 : vector<8x256xf32>
      %sub3A_1065 = vector.broadcast %scan3A_48 : vector<8x1xf32> to vector<8x256xf32>
      %sub3A_1066 = arith.subf %get3A_1060, %sub3A_1065 : vector<8x256xf32>
      %mul3A_1067 = arith.mulf %sub3A_1062, %sub3A_1062 : vector<8x256xf32>
      %mul3A_1068 = arith.mulf %sub3A_1064, %sub3A_1064 : vector<8x256xf32>
      %add3A_1069 = arith.addf %mul3A_1067, %mul3A_1068 : vector<8x256xf32>
      %mul3A_1070 = arith.mulf %sub3A_1066, %sub3A_1066 : vector<8x256xf32>
      %add3A_1071 = arith.addf %add3A_1069, %mul3A_1070 : vector<8x256xf32>
      %get3A_1072 = arith.constant 0 : index
      %get3A_1073 = arith.constant 5120 : index
      %get3A_1074 = vector.load %arg5[%get3A_1072, %get3A_1073] : memref<8x16384xf32, #tpu.memory_space<vmem>>, vector<8x256xf32>
      %min3A_1075 = arith.minimumf %get3A_1074, %add3A_1071 : vector<8x256xf32>
      %swap3A_1076 = arith.constant 0 : index
      %swap3A_1077 = arith.constant 5120 : index
      %swap3A_1078 = vector.load %arg5[%swap3A_1076, %swap3A_1077] : memref<8x16384xf32, #tpu.memory_space<vmem>>, vector<8x256xf32>
      tpu.vector_store %arg5[%swap3A_1076, %swap3A_1077], %min3A_1075 {strides = array<i32>} : memref<8x16384xf32, #tpu.memory_space<vmem>>, vector<8x256xf32>,
      %gt3A_1079 = arith.cmpf ogt, %min3A_1075, %select_n3A_1032 : vector<8x256xf32>
      %select_n3A_1080 = arith.select %gt3A_1079, %min3A_1075, %select_n3A_1032 : vector<8x256xi1>, vector<8x256xf32>
      %get3A_1081 = arith.constant 0 : index
      %get3A_1082 = arith.constant 5120 : index
      %get3A_1083 = vector.load %arg6[%get3A_1081, %get3A_1082] : memref<8x16384xf32, #tpu.memory_space<vmem>>, vector<8x256xf32>
      %select_n3A_1084 = arith.select %gt3A_1079, %get3A_1083, %select_n3A_1036 : vector<8x256xi1>, vector<8x256xf32>
      %select_n3A_1085 = arith.select %gt3A_1079, %get3A_1046, %select_n3A_1037 : vector<8x256xi1>, vector<8x256xf32>
      %select_n3A_1086 = arith.select %gt3A_1079, %get3A_1053, %select_n3A_1038 : vector<8x256xi1>, vector<8x256xf32>
      %select_n3A_1087 = arith.select %gt3A_1079, %get3A_1060, %select_n3A_1039 : vector<8x256xi1>, vector<8x256xf32>
      %get3A_1088 = arith.constant 0 : i32
      %get3A_1089 = arith.constant 0 : i32
      %get3A_1090 = tpu.memref_slice %arg0[%scan3A, %get3A_1088, %get3A_1089] : memref<3x8x16384xf32, #tpu.memory_space<vmem>> -> memref<1x8x16384xf32, #tpu.memory_space<vmem>>
      %get3A_1091 = tpu.memref_squeeze %get3A_1090 : memref<1x8x16384xf32, #tpu.memory_space<vmem>> -> memref<8x16384xf32, #tpu.memory_space<vmem>>
      %get3A_1092 = arith.constant 0 : index
      %get3A_1093 = arith.constant 5376 : index
      %get3A_1094 = vector.load %get3A_1091[%get3A_1092, %get3A_1093] : memref<8x16384xf32, #tpu.memory_space<vmem>>, vector<8x256xf32>
      %get3A_1095 = arith.constant 0 : i32
      %get3A_1096 = arith.constant 0 : i32
      %get3A_1097 = tpu.memref_slice %arg0[%scan3A_36, %get3A_1095, %get3A_1096] : memref<3x8x16384xf32, #tpu.memory_space<vmem>> -> memref<1x8x16384xf32, #tpu.memory_space<vmem>>
      %get3A_1098 = tpu.memref_squeeze %get3A_1097 : memref<1x8x16384xf32, #tpu.memory_space<vmem>> -> memref<8x16384xf32, #tpu.memory_space<vmem>>
      %get3A_1099 = arith.constant 0 : index
      %get3A_1100 = arith.constant 5376 : index
      %get3A_1101 = vector.load %get3A_1098[%get3A_1099, %get3A_1100] : memref<8x16384xf32, #tpu.memory_space<vmem>>, vector<8x256xf32>
      %get3A_1102 = arith.constant 0 : i32
      %get3A_1103 = arith.constant 0 : i32
      %get3A_1104 = tpu.memref_slice %arg0[%scan3A_37, %get3A_1102, %get3A_1103] : memref<3x8x16384xf32, #tpu.memory_space<vmem>> -> memref<1x8x16384xf32, #tpu.memory_space<vmem>>
      %get3A_1105 = tpu.memref_squeeze %get3A_1104 : memref<1x8x16384xf32, #tpu.memory_space<vmem>> -> memref<8x16384xf32, #tpu.memory_space<vmem>>
      %get3A_1106 = arith.constant 0 : index
      %get3A_1107 = arith.constant 5376 : index
      %get3A_1108 = vector.load %get3A_1105[%get3A_1106, %get3A_1107] : memref<8x16384xf32, #tpu.memory_space<vmem>>, vector<8x256xf32>
      %sub3A_1109 = vector.broadcast %scan3A_46 : vector<8x1xf32> to vector<8x256xf32>
      %sub3A_1110 = arith.subf %get3A_1094, %sub3A_1109 : vector<8x256xf32>
      %sub3A_1111 = vector.broadcast %scan3A_47 : vector<8x1xf32> to vector<8x256xf32>
      %sub3A_1112 = arith.subf %get3A_1101, %sub3A_1111 : vector<8x256xf32>
      %sub3A_1113 = vector.broadcast %scan3A_48 : vector<8x1xf32> to vector<8x256xf32>
      %sub3A_1114 = arith.subf %get3A_1108, %sub3A_1113 : vector<8x256xf32>
      %mul3A_1115 = arith.mulf %sub3A_1110, %sub3A_1110 : vector<8x256xf32>
      %mul3A_1116 = arith.mulf %sub3A_1112, %sub3A_1112 : vector<8x256xf32>
      %add3A_1117 = arith.addf %mul3A_1115, %mul3A_1116 : vector<8x256xf32>
      %mul3A_1118 = arith.mulf %sub3A_1114, %sub3A_1114 : vector<8x256xf32>
      %add3A_1119 = arith.addf %add3A_1117, %mul3A_1118 : vector<8x256xf32>
      %get3A_1120 = arith.constant 0 : index
      %get3A_1121 = arith.constant 5376 : index
      %get3A_1122 = vector.load %arg5[%get3A_1120, %get3A_1121] : memref<8x16384xf32, #tpu.memory_space<vmem>>, vector<8x256xf32>
      %min3A_1123 = arith.minimumf %get3A_1122, %add3A_1119 : vector<8x256xf32>
      %swap3A_1124 = arith.constant 0 : index
      %swap3A_1125 = arith.constant 5376 : index
      %swap3A_1126 = vector.load %arg5[%swap3A_1124, %swap3A_1125] : memref<8x16384xf32, #tpu.memory_space<vmem>>, vector<8x256xf32>
      tpu.vector_store %arg5[%swap3A_1124, %swap3A_1125], %min3A_1123 {strides = array<i32>} : memref<8x16384xf32, #tpu.memory_space<vmem>>, vector<8x256xf32>,
      %gt3A_1127 = arith.cmpf ogt, %min3A_1123, %select_n3A_1080 : vector<8x256xf32>
      %select_n3A_1128 = arith.select %gt3A_1127, %min3A_1123, %select_n3A_1080 : vector<8x256xi1>, vector<8x256xf32>
      %get3A_1129 = arith.constant 0 : index
      %get3A_1130 = arith.constant 5376 : index
      %get3A_1131 = vector.load %arg6[%get3A_1129, %get3A_1130] : memref<8x16384xf32, #tpu.memory_space<vmem>>, vector<8x256xf32>
      %select_n3A_1132 = arith.select %gt3A_1127, %get3A_1131, %select_n3A_1084 : vector<8x256xi1>, vector<8x256xf32>
      %select_n3A_1133 = arith.select %gt3A_1127, %get3A_1094, %select_n3A_1085 : vector<8x256xi1>, vector<8x256xf32>
      %select_n3A_1134 = arith.select %gt3A_1127, %get3A_1101, %select_n3A_1086 : vector<8x256xi1>, vector<8x256xf32>
      %select_n3A_1135 = arith.select %gt3A_1127, %get3A_1108, %select_n3A_1087 : vector<8x256xi1>, vector<8x256xf32>
      %get3A_1136 = arith.constant 0 : i32
      %get3A_1137 = arith.constant 0 : i32
      %get3A_1138 = tpu.memref_slice %arg0[%scan3A, %get3A_1136, %get3A_1137] : memref<3x8x16384xf32, #tpu.memory_space<vmem>> -> memref<1x8x16384xf32, #tpu.memory_space<vmem>>
      %get3A_1139 = tpu.memref_squeeze %get3A_1138 : memref<1x8x16384xf32, #tpu.memory_space<vmem>> -> memref<8x16384xf32, #tpu.memory_space<vmem>>
      %get3A_1140 = arith.constant 0 : index
      %get3A_1141 = arith.constant 5632 : index
      %get3A_1142 = vector.load %get3A_1139[%get3A_1140, %get3A_1141] : memref<8x16384xf32, #tpu.memory_space<vmem>>, vector<8x256xf32>
      %get3A_1143 = arith.constant 0 : i32
      %get3A_1144 = arith.constant 0 : i32
      %get3A_1145 = tpu.memref_slice %arg0[%scan3A_36, %get3A_1143, %get3A_1144] : memref<3x8x16384xf32, #tpu.memory_space<vmem>> -> memref<1x8x16384xf32, #tpu.memory_space<vmem>>
      %get3A_1146 = tpu.memref_squeeze %get3A_1145 : memref<1x8x16384xf32, #tpu.memory_space<vmem>> -> memref<8x16384xf32, #tpu.memory_space<vmem>>
      %get3A_1147 = arith.constant 0 : index
      %get3A_1148 = arith.constant 5632 : index
      %get3A_1149 = vector.load %get3A_1146[%get3A_1147, %get3A_1148] : memref<8x16384xf32, #tpu.memory_space<vmem>>, vector<8x256xf32>
      %get3A_1150 = arith.constant 0 : i32
      %get3A_1151 = arith.constant 0 : i32
      %get3A_1152 = tpu.memref_slice %arg0[%scan3A_37, %get3A_1150, %get3A_1151] : memref<3x8x16384xf32, #tpu.memory_space<vmem>> -> memref<1x8x16384xf32, #tpu.memory_space<vmem>>
      %get3A_1153 = tpu.memref_squeeze %get3A_1152 : memref<1x8x16384xf32, #tpu.memory_space<vmem>> -> memref<8x16384xf32, #tpu.memory_space<vmem>>
      %get3A_1154 = arith.constant 0 : index
      %get3A_1155 = arith.constant 5632 : index
      %get3A_1156 = vector.load %get3A_1153[%get3A_1154, %get3A_1155] : memref<8x16384xf32, #tpu.memory_space<vmem>>, vector<8x256xf32>
      %sub3A_1157 = vector.broadcast %scan3A_46 : vector<8x1xf32> to vector<8x256xf32>
      %sub3A_1158 = arith.subf %get3A_1142, %sub3A_1157 : vector<8x256xf32>
      %sub3A_1159 = vector.broadcast %scan3A_47 : vector<8x1xf32> to vector<8x256xf32>
      %sub3A_1160 = arith.subf %get3A_1149, %sub3A_1159 : vector<8x256xf32>
      %sub3A_1161 = vector.broadcast %scan3A_48 : vector<8x1xf32> to vector<8x256xf32>
      %sub3A_1162 = arith.subf %get3A_1156, %sub3A_1161 : vector<8x256xf32>
      %mul3A_1163 = arith.mulf %sub3A_1158, %sub3A_1158 : vector<8x256xf32>
      %mul3A_1164 = arith.mulf %sub3A_1160, %sub3A_1160 : vector<8x256xf32>
      %add3A_1165 = arith.addf %mul3A_1163, %mul3A_1164 : vector<8x256xf32>
      %mul3A_1166 = arith.mulf %sub3A_1162, %sub3A_1162 : vector<8x256xf32>
      %add3A_1167 = arith.addf %add3A_1165, %mul3A_1166 : vector<8x256xf32>
      %get3A_1168 = arith.constant 0 : index
      %get3A_1169 = arith.constant 5632 : index
      %get3A_1170 = vector.load %arg5[%get3A_1168, %get3A_1169] : memref<8x16384xf32, #tpu.memory_space<vmem>>, vector<8x256xf32>
      %min3A_1171 = arith.minimumf %get3A_1170, %add3A_1167 : vector<8x256xf32>
      %swap3A_1172 = arith.constant 0 : index
      %swap3A_1173 = arith.constant 5632 : index
      %swap3A_1174 = vector.load %arg5[%swap3A_1172, %swap3A_1173] : memref<8x16384xf32, #tpu.memory_space<vmem>>, vector<8x256xf32>
      tpu.vector_store %arg5[%swap3A_1172, %swap3A_1173], %min3A_1171 {strides = array<i32>} : memref<8x16384xf32, #tpu.memory_space<vmem>>, vector<8x256xf32>,
      %gt3A_1175 = arith.cmpf ogt, %min3A_1171, %select_n3A_1128 : vector<8x256xf32>
      %select_n3A_1176 = arith.select %gt3A_1175, %min3A_1171, %select_n3A_1128 : vector<8x256xi1>, vector<8x256xf32>
      %get3A_1177 = arith.constant 0 : index
      %get3A_1178 = arith.constant 5632 : index
      %get3A_1179 = vector.load %arg6[%get3A_1177, %get3A_1178] : memref<8x16384xf32, #tpu.memory_space<vmem>>, vector<8x256xf32>
      %select_n3A_1180 = arith.select %gt3A_1175, %get3A_1179, %select_n3A_1132 : vector<8x256xi1>, vector<8x256xf32>
      %select_n3A_1181 = arith.select %gt3A_1175, %get3A_1142, %select_n3A_1133 : vector<8x256xi1>, vector<8x256xf32>
      %select_n3A_1182 = arith.select %gt3A_1175, %get3A_1149, %select_n3A_1134 : vector<8x256xi1>, vector<8x256xf32>
      %select_n3A_1183 = arith.select %gt3A_1175, %get3A_1156, %select_n3A_1135 : vector<8x256xi1>, vector<8x256xf32>
      %get3A_1184 = arith.constant 0 : i32
      %get3A_1185 = arith.constant 0 : i32
      %get3A_1186 = tpu.memref_slice %arg0[%scan3A, %get3A_1184, %get3A_1185] : memref<3x8x16384xf32, #tpu.memory_space<vmem>> -> memref<1x8x16384xf32, #tpu.memory_space<vmem>>
      %get3A_1187 = tpu.memref_squeeze %get3A_1186 : memref<1x8x16384xf32, #tpu.memory_space<vmem>> -> memref<8x16384xf32, #tpu.memory_space<vmem>>
      %get3A_1188 = arith.constant 0 : index
      %get3A_1189 = arith.constant 5888 : index
      %get3A_1190 = vector.load %get3A_1187[%get3A_1188, %get3A_1189] : memref<8x16384xf32, #tpu.memory_space<vmem>>, vector<8x256xf32>
      %get3A_1191 = arith.constant 0 : i32
      %get3A_1192 = arith.constant 0 : i32
      %get3A_1193 = tpu.memref_slice %arg0[%scan3A_36, %get3A_1191, %get3A_1192] : memref<3x8x16384xf32, #tpu.memory_space<vmem>> -> memref<1x8x16384xf32, #tpu.memory_space<vmem>>
      %get3A_1194 = tpu.memref_squeeze %get3A_1193 : memref<1x8x16384xf32, #tpu.memory_space<vmem>> -> memref<8x16384xf32, #tpu.memory_space<vmem>>
      %get3A_1195 = arith.constant 0 : index
      %get3A_1196 = arith.constant 5888 : index
      %get3A_1197 = vector.load %get3A_1194[%get3A_1195, %get3A_1196] : memref<8x16384xf32, #tpu.memory_space<vmem>>, vector<8x256xf32>
      %get3A_1198 = arith.constant 0 : i32
      %get3A_1199 = arith.constant 0 : i32
      %get3A_1200 = tpu.memref_slice %arg0[%scan3A_37, %get3A_1198, %get3A_1199] : memref<3x8x16384xf32, #tpu.memory_space<vmem>> -> memref<1x8x16384xf32, #tpu.memory_space<vmem>>
      %get3A_1201 = tpu.memref_squeeze %get3A_1200 : memref<1x8x16384xf32, #tpu.memory_space<vmem>> -> memref<8x16384xf32, #tpu.memory_space<vmem>>
      %get3A_1202 = arith.constant 0 : index
      %get3A_1203 = arith.constant 5888 : index
      %get3A_1204 = vector.load %get3A_1201[%get3A_1202, %get3A_1203] : memref<8x16384xf32, #tpu.memory_space<vmem>>, vector<8x256xf32>
      %sub3A_1205 = vector.broadcast %scan3A_46 : vector<8x1xf32> to vector<8x256xf32>
      %sub3A_1206 = arith.subf %get3A_1190, %sub3A_1205 : vector<8x256xf32>
      %sub3A_1207 = vector.broadcast %scan3A_47 : vector<8x1xf32> to vector<8x256xf32>
      %sub3A_1208 = arith.subf %get3A_1197, %sub3A_1207 : vector<8x256xf32>
      %sub3A_1209 = vector.broadcast %scan3A_48 : vector<8x1xf32> to vector<8x256xf32>
      %sub3A_1210 = arith.subf %get3A_1204, %sub3A_1209 : vector<8x256xf32>
      %mul3A_1211 = arith.mulf %sub3A_1206, %sub3A_1206 : vector<8x256xf32>
      %mul3A_1212 = arith.mulf %sub3A_1208, %sub3A_1208 : vector<8x256xf32>
      %add3A_1213 = arith.addf %mul3A_1211, %mul3A_1212 : vector<8x256xf32>
      %mul3A_1214 = arith.mulf %sub3A_1210, %sub3A_1210 : vector<8x256xf32>
      %add3A_1215 = arith.addf %add3A_1213, %mul3A_1214 : vector<8x256xf32>
      %get3A_1216 = arith.constant 0 : index
      %get3A_1217 = arith.constant 5888 : index
      %get3A_1218 = vector.load %arg5[%get3A_1216, %get3A_1217] : memref<8x16384xf32, #tpu.memory_space<vmem>>, vector<8x256xf32>
      %min3A_1219 = arith.minimumf %get3A_1218, %add3A_1215 : vector<8x256xf32>
      %swap3A_1220 = arith.constant 0 : index
      %swap3A_1221 = arith.constant 5888 : index
      %swap3A_1222 = vector.load %arg5[%swap3A_1220, %swap3A_1221] : memref<8x16384xf32, #tpu.memory_space<vmem>>, vector<8x256xf32>
      tpu.vector_store %arg5[%swap3A_1220, %swap3A_1221], %min3A_1219 {strides = array<i32>} : memref<8x16384xf32, #tpu.memory_space<vmem>>, vector<8x256xf32>,
      %gt3A_1223 = arith.cmpf ogt, %min3A_1219, %select_n3A_1176 : vector<8x256xf32>
      %select_n3A_1224 = arith.select %gt3A_1223, %min3A_1219, %select_n3A_1176 : vector<8x256xi1>, vector<8x256xf32>
      %get3A_1225 = arith.constant 0 : index
      %get3A_1226 = arith.constant 5888 : index
      %get3A_1227 = vector.load %arg6[%get3A_1225, %get3A_1226] : memref<8x16384xf32, #tpu.memory_space<vmem>>, vector<8x256xf32>
      %select_n3A_1228 = arith.select %gt3A_1223, %get3A_1227, %select_n3A_1180 : vector<8x256xi1>, vector<8x256xf32>
      %select_n3A_1229 = arith.select %gt3A_1223, %get3A_1190, %select_n3A_1181 : vector<8x256xi1>, vector<8x256xf32>
      %select_n3A_1230 = arith.select %gt3A_1223, %get3A_1197, %select_n3A_1182 : vector<8x256xi1>, vector<8x256xf32>
      %select_n3A_1231 = arith.select %gt3A_1223, %get3A_1204, %select_n3A_1183 : vector<8x256xi1>, vector<8x256xf32>
      %get3A_1232 = arith.constant 0 : i32
      %get3A_1233 = arith.constant 0 : i32
      %get3A_1234 = tpu.memref_slice %arg0[%scan3A, %get3A_1232, %get3A_1233] : memref<3x8x16384xf32, #tpu.memory_space<vmem>> -> memref<1x8x16384xf32, #tpu.memory_space<vmem>>
      %get3A_1235 = tpu.memref_squeeze %get3A_1234 : memref<1x8x16384xf32, #tpu.memory_space<vmem>> -> memref<8x16384xf32, #tpu.memory_space<vmem>>
      %get3A_1236 = arith.constant 0 : index
      %get3A_1237 = arith.constant 6144 : index
      %get3A_1238 = vector.load %get3A_1235[%get3A_1236, %get3A_1237] : memref<8x16384xf32, #tpu.memory_space<vmem>>, vector<8x256xf32>
      %get3A_1239 = arith.constant 0 : i32
      %get3A_1240 = arith.constant 0 : i32
      %get3A_1241 = tpu.memref_slice %arg0[%scan3A_36, %get3A_1239, %get3A_1240] : memref<3x8x16384xf32, #tpu.memory_space<vmem>> -> memref<1x8x16384xf32, #tpu.memory_space<vmem>>
      %get3A_1242 = tpu.memref_squeeze %get3A_1241 : memref<1x8x16384xf32, #tpu.memory_space<vmem>> -> memref<8x16384xf32, #tpu.memory_space<vmem>>
      %get3A_1243 = arith.constant 0 : index
      %get3A_1244 = arith.constant 6144 : index
      %get3A_1245 = vector.load %get3A_1242[%get3A_1243, %get3A_1244] : memref<8x16384xf32, #tpu.memory_space<vmem>>, vector<8x256xf32>
      %get3A_1246 = arith.constant 0 : i32
      %get3A_1247 = arith.constant 0 : i32
      %get3A_1248 = tpu.memref_slice %arg0[%scan3A_37, %get3A_1246, %get3A_1247] : memref<3x8x16384xf32, #tpu.memory_space<vmem>> -> memref<1x8x16384xf32, #tpu.memory_space<vmem>>
      %get3A_1249 = tpu.memref_squeeze %get3A_1248 : memref<1x8x16384xf32, #tpu.memory_space<vmem>> -> memref<8x16384xf32, #tpu.memory_space<vmem>>
      %get3A_1250 = arith.constant 0 : index
      %get3A_1251 = arith.constant 6144 : index
      %get3A_1252 = vector.load %get3A_1249[%get3A_1250, %get3A_1251] : memref<8x16384xf32, #tpu.memory_space<vmem>>, vector<8x256xf32>
      %sub3A_1253 = vector.broadcast %scan3A_46 : vector<8x1xf32> to vector<8x256xf32>
      %sub3A_1254 = arith.subf %get3A_1238, %sub3A_1253 : vector<8x256xf32>
      %sub3A_1255 = vector.broadcast %scan3A_47 : vector<8x1xf32> to vector<8x256xf32>
      %sub3A_1256 = arith.subf %get3A_1245, %sub3A_1255 : vector<8x256xf32>
      %sub3A_1257 = vector.broadcast %scan3A_48 : vector<8x1xf32> to vector<8x256xf32>
      %sub3A_1258 = arith.subf %get3A_1252, %sub3A_1257 : vector<8x256xf32>
      %mul3A_1259 = arith.mulf %sub3A_1254, %sub3A_1254 : vector<8x256xf32>
      %mul3A_1260 = arith.mulf %sub3A_1256, %sub3A_1256 : vector<8x256xf32>
      %add3A_1261 = arith.addf %mul3A_1259, %mul3A_1260 : vector<8x256xf32>
      %mul3A_1262 = arith.mulf %sub3A_1258, %sub3A_1258 : vector<8x256xf32>
      %add3A_1263 = arith.addf %add3A_1261, %mul3A_1262 : vector<8x256xf32>
      %get3A_1264 = arith.constant 0 : index
      %get3A_1265 = arith.constant 6144 : index
      %get3A_1266 = vector.load %arg5[%get3A_1264, %get3A_1265] : memref<8x16384xf32, #tpu.memory_space<vmem>>, vector<8x256xf32>
      %min3A_1267 = arith.minimumf %get3A_1266, %add3A_1263 : vector<8x256xf32>
      %swap3A_1268 = arith.constant 0 : index
      %swap3A_1269 = arith.constant 6144 : index
      %swap3A_1270 = vector.load %arg5[%swap3A_1268, %swap3A_1269] : memref<8x16384xf32, #tpu.memory_space<vmem>>, vector<8x256xf32>
      tpu.vector_store %arg5[%swap3A_1268, %swap3A_1269], %min3A_1267 {strides = array<i32>} : memref<8x16384xf32, #tpu.memory_space<vmem>>, vector<8x256xf32>,
      %gt3A_1271 = arith.cmpf ogt, %min3A_1267, %select_n3A_1224 : vector<8x256xf32>
      %select_n3A_1272 = arith.select %gt3A_1271, %min3A_1267, %select_n3A_1224 : vector<8x256xi1>, vector<8x256xf32>
      %get3A_1273 = arith.constant 0 : index
      %get3A_1274 = arith.constant 6144 : index
      %get3A_1275 = vector.load %arg6[%get3A_1273, %get3A_1274] : memref<8x16384xf32, #tpu.memory_space<vmem>>, vector<8x256xf32>
      %select_n3A_1276 = arith.select %gt3A_1271, %get3A_1275, %select_n3A_1228 : vector<8x256xi1>, vector<8x256xf32>
      %select_n3A_1277 = arith.select %gt3A_1271, %get3A_1238, %select_n3A_1229 : vector<8x256xi1>, vector<8x256xf32>
      %select_n3A_1278 = arith.select %gt3A_1271, %get3A_1245, %select_n3A_1230 : vector<8x256xi1>, vector<8x256xf32>
      %select_n3A_1279 = arith.select %gt3A_1271, %get3A_1252, %select_n3A_1231 : vector<8x256xi1>, vector<8x256xf32>
      %get3A_1280 = arith.constant 0 : i32
      %get3A_1281 = arith.constant 0 : i32
      %get3A_1282 = tpu.memref_slice %arg0[%scan3A, %get3A_1280, %get3A_1281] : memref<3x8x16384xf32, #tpu.memory_space<vmem>> -> memref<1x8x16384xf32, #tpu.memory_space<vmem>>
      %get3A_1283 = tpu.memref_squeeze %get3A_1282 : memref<1x8x16384xf32, #tpu.memory_space<vmem>> -> memref<8x16384xf32, #tpu.memory_space<vmem>>
      %get3A_1284 = arith.constant 0 : index
      %get3A_1285 = arith.constant 6400 : index
      %get3A_1286 = vector.load %get3A_1283[%get3A_1284, %get3A_1285] : memref<8x16384xf32, #tpu.memory_space<vmem>>, vector<8x256xf32>
      %get3A_1287 = arith.constant 0 : i32
      %get3A_1288 = arith.constant 0 : i32
      %get3A_1289 = tpu.memref_slice %arg0[%scan3A_36, %get3A_1287, %get3A_1288] : memref<3x8x16384xf32, #tpu.memory_space<vmem>> -> memref<1x8x16384xf32, #tpu.memory_space<vmem>>
      %get3A_1290 = tpu.memref_squeeze %get3A_1289 : memref<1x8x16384xf32, #tpu.memory_space<vmem>> -> memref<8x16384xf32, #tpu.memory_space<vmem>>
      %get3A_1291 = arith.constant 0 : index
      %get3A_1292 = arith.constant 6400 : index
      %get3A_1293 = vector.load %get3A_1290[%get3A_1291, %get3A_1292] : memref<8x16384xf32, #tpu.memory_space<vmem>>, vector<8x256xf32>
      %get3A_1294 = arith.constant 0 : i32
      %get3A_1295 = arith.constant 0 : i32
      %get3A_1296 = tpu.memref_slice %arg0[%scan3A_37, %get3A_1294, %get3A_1295] : memref<3x8x16384xf32, #tpu.memory_space<vmem>> -> memref<1x8x16384xf32, #tpu.memory_space<vmem>>
      %get3A_1297 = tpu.memref_squeeze %get3A_1296 : memref<1x8x16384xf32, #tpu.memory_space<vmem>> -> memref<8x16384xf32, #tpu.memory_space<vmem>>
      %get3A_1298 = arith.constant 0 : index
      %get3A_1299 = arith.constant 6400 : index
      %get3A_1300 = vector.load %get3A_1297[%get3A_1298, %get3A_1299] : memref<8x16384xf32, #tpu.memory_space<vmem>>, vector<8x256xf32>
      %sub3A_1301 = vector.broadcast %scan3A_46 : vector<8x1xf32> to vector<8x256xf32>
      %sub3A_1302 = arith.subf %get3A_1286, %sub3A_1301 : vector<8x256xf32>
      %sub3A_1303 = vector.broadcast %scan3A_47 : vector<8x1xf32> to vector<8x256xf32>
      %sub3A_1304 = arith.subf %get3A_1293, %sub3A_1303 : vector<8x256xf32>
      %sub3A_1305 = vector.broadcast %scan3A_48 : vector<8x1xf32> to vector<8x256xf32>
      %sub3A_1306 = arith.subf %get3A_1300, %sub3A_1305 : vector<8x256xf32>
      %mul3A_1307 = arith.mulf %sub3A_1302, %sub3A_1302 : vector<8x256xf32>
      %mul3A_1308 = arith.mulf %sub3A_1304, %sub3A_1304 : vector<8x256xf32>
      %add3A_1309 = arith.addf %mul3A_1307, %mul3A_1308 : vector<8x256xf32>
      %mul3A_1310 = arith.mulf %sub3A_1306, %sub3A_1306 : vector<8x256xf32>
      %add3A_1311 = arith.addf %add3A_1309, %mul3A_1310 : vector<8x256xf32>
      %get3A_1312 = arith.constant 0 : index
      %get3A_1313 = arith.constant 6400 : index
      %get3A_1314 = vector.load %arg5[%get3A_1312, %get3A_1313] : memref<8x16384xf32, #tpu.memory_space<vmem>>, vector<8x256xf32>
      %min3A_1315 = arith.minimumf %get3A_1314, %add3A_1311 : vector<8x256xf32>
      %swap3A_1316 = arith.constant 0 : index
      %swap3A_1317 = arith.constant 6400 : index
      %swap3A_1318 = vector.load %arg5[%swap3A_1316, %swap3A_1317] : memref<8x16384xf32, #tpu.memory_space<vmem>>, vector<8x256xf32>
      tpu.vector_store %arg5[%swap3A_1316, %swap3A_1317], %min3A_1315 {strides = array<i32>} : memref<8x16384xf32, #tpu.memory_space<vmem>>, vector<8x256xf32>,
      %gt3A_1319 = arith.cmpf ogt, %min3A_1315, %select_n3A_1272 : vector<8x256xf32>
      %select_n3A_1320 = arith.select %gt3A_1319, %min3A_1315, %select_n3A_1272 : vector<8x256xi1>, vector<8x256xf32>
      %get3A_1321 = arith.constant 0 : index
      %get3A_1322 = arith.constant 6400 : index
      %get3A_1323 = vector.load %arg6[%get3A_1321, %get3A_1322] : memref<8x16384xf32, #tpu.memory_space<vmem>>, vector<8x256xf32>
      %select_n3A_1324 = arith.select %gt3A_1319, %get3A_1323, %select_n3A_1276 : vector<8x256xi1>, vector<8x256xf32>
      %select_n3A_1325 = arith.select %gt3A_1319, %get3A_1286, %select_n3A_1277 : vector<8x256xi1>, vector<8x256xf32>
      %select_n3A_1326 = arith.select %gt3A_1319, %get3A_1293, %select_n3A_1278 : vector<8x256xi1>, vector<8x256xf32>
      %select_n3A_1327 = arith.select %gt3A_1319, %get3A_1300, %select_n3A_1279 : vector<8x256xi1>, vector<8x256xf32>
      %get3A_1328 = arith.constant 0 : i32
      %get3A_1329 = arith.constant 0 : i32
      %get3A_1330 = tpu.memref_slice %arg0[%scan3A, %get3A_1328, %get3A_1329] : memref<3x8x16384xf32, #tpu.memory_space<vmem>> -> memref<1x8x16384xf32, #tpu.memory_space<vmem>>
      %get3A_1331 = tpu.memref_squeeze %get3A_1330 : memref<1x8x16384xf32, #tpu.memory_space<vmem>> -> memref<8x16384xf32, #tpu.memory_space<vmem>>
      %get3A_1332 = arith.constant 0 : index
      %get3A_1333 = arith.constant 6656 : index
      %get3A_1334 = vector.load %get3A_1331[%get3A_1332, %get3A_1333] : memref<8x16384xf32, #tpu.memory_space<vmem>>, vector<8x256xf32>
      %get3A_1335 = arith.constant 0 : i32
      %get3A_1336 = arith.constant 0 : i32
      %get3A_1337 = tpu.memref_slice %arg0[%scan3A_36, %get3A_1335, %get3A_1336] : memref<3x8x16384xf32, #tpu.memory_space<vmem>> -> memref<1x8x16384xf32, #tpu.memory_space<vmem>>
      %get3A_1338 = tpu.memref_squeeze %get3A_1337 : memref<1x8x16384xf32, #tpu.memory_space<vmem>> -> memref<8x16384xf32, #tpu.memory_space<vmem>>
      %get3A_1339 = arith.constant 0 : index
      %get3A_1340 = arith.constant 6656 : index
      %get3A_1341 = vector.load %get3A_1338[%get3A_1339, %get3A_1340] : memref<8x16384xf32, #tpu.memory_space<vmem>>, vector<8x256xf32>
      %get3A_1342 = arith.constant 0 : i32
      %get3A_1343 = arith.constant 0 : i32
      %get3A_1344 = tpu.memref_slice %arg0[%scan3A_37, %get3A_1342, %get3A_1343] : memref<3x8x16384xf32, #tpu.memory_space<vmem>> -> memref<1x8x16384xf32, #tpu.memory_space<vmem>>
      %get3A_1345 = tpu.memref_squeeze %get3A_1344 : memref<1x8x16384xf32, #tpu.memory_space<vmem>> -> memref<8x16384xf32, #tpu.memory_space<vmem>>
      %get3A_1346 = arith.constant 0 : index
      %get3A_1347 = arith.constant 6656 : index
      %get3A_1348 = vector.load %get3A_1345[%get3A_1346, %get3A_1347] : memref<8x16384xf32, #tpu.memory_space<vmem>>, vector<8x256xf32>
      %sub3A_1349 = vector.broadcast %scan3A_46 : vector<8x1xf32> to vector<8x256xf32>
      %sub3A_1350 = arith.subf %get3A_1334, %sub3A_1349 : vector<8x256xf32>
      %sub3A_1351 = vector.broadcast %scan3A_47 : vector<8x1xf32> to vector<8x256xf32>
      %sub3A_1352 = arith.subf %get3A_1341, %sub3A_1351 : vector<8x256xf32>
      %sub3A_1353 = vector.broadcast %scan3A_48 : vector<8x1xf32> to vector<8x256xf32>
      %sub3A_1354 = arith.subf %get3A_1348, %sub3A_1353 : vector<8x256xf32>
      %mul3A_1355 = arith.mulf %sub3A_1350, %sub3A_1350 : vector<8x256xf32>
      %mul3A_1356 = arith.mulf %sub3A_1352, %sub3A_1352 : vector<8x256xf32>
      %add3A_1357 = arith.addf %mul3A_1355, %mul3A_1356 : vector<8x256xf32>
      %mul3A_1358 = arith.mulf %sub3A_1354, %sub3A_1354 : vector<8x256xf32>
      %add3A_1359 = arith.addf %add3A_1357, %mul3A_1358 : vector<8x256xf32>
      %get3A_1360 = arith.constant 0 : index
      %get3A_1361 = arith.constant 6656 : index
      %get3A_1362 = vector.load %arg5[%get3A_1360, %get3A_1361] : memref<8x16384xf32, #tpu.memory_space<vmem>>, vector<8x256xf32>
      %min3A_1363 = arith.minimumf %get3A_1362, %add3A_1359 : vector<8x256xf32>
      %swap3A_1364 = arith.constant 0 : index
      %swap3A_1365 = arith.constant 6656 : index
      %swap3A_1366 = vector.load %arg5[%swap3A_1364, %swap3A_1365] : memref<8x16384xf32, #tpu.memory_space<vmem>>, vector<8x256xf32>
      tpu.vector_store %arg5[%swap3A_1364, %swap3A_1365], %min3A_1363 {strides = array<i32>} : memref<8x16384xf32, #tpu.memory_space<vmem>>, vector<8x256xf32>,
      %gt3A_1367 = arith.cmpf ogt, %min3A_1363, %select_n3A_1320 : vector<8x256xf32>
      %select_n3A_1368 = arith.select %gt3A_1367, %min3A_1363, %select_n3A_1320 : vector<8x256xi1>, vector<8x256xf32>
      %get3A_1369 = arith.constant 0 : index
      %get3A_1370 = arith.constant 6656 : index
      %get3A_1371 = vector.load %arg6[%get3A_1369, %get3A_1370] : memref<8x16384xf32, #tpu.memory_space<vmem>>, vector<8x256xf32>
      %select_n3A_1372 = arith.select %gt3A_1367, %get3A_1371, %select_n3A_1324 : vector<8x256xi1>, vector<8x256xf32>
      %select_n3A_1373 = arith.select %gt3A_1367, %get3A_1334, %select_n3A_1325 : vector<8x256xi1>, vector<8x256xf32>
      %select_n3A_1374 = arith.select %gt3A_1367, %get3A_1341, %select_n3A_1326 : vector<8x256xi1>, vector<8x256xf32>
      %select_n3A_1375 = arith.select %gt3A_1367, %get3A_1348, %select_n3A_1327 : vector<8x256xi1>, vector<8x256xf32>
      %get3A_1376 = arith.constant 0 : i32
      %get3A_1377 = arith.constant 0 : i32
      %get3A_1378 = tpu.memref_slice %arg0[%scan3A, %get3A_1376, %get3A_1377] : memref<3x8x16384xf32, #tpu.memory_space<vmem>> -> memref<1x8x16384xf32, #tpu.memory_space<vmem>>
      %get3A_1379 = tpu.memref_squeeze %get3A_1378 : memref<1x8x16384xf32, #tpu.memory_space<vmem>> -> memref<8x16384xf32, #tpu.memory_space<vmem>>
      %get3A_1380 = arith.constant 0 : index
      %get3A_1381 = arith.constant 6912 : index
      %get3A_1382 = vector.load %get3A_1379[%get3A_1380, %get3A_1381] : memref<8x16384xf32, #tpu.memory_space<vmem>>, vector<8x256xf32>
      %get3A_1383 = arith.constant 0 : i32
      %get3A_1384 = arith.constant 0 : i32
      %get3A_1385 = tpu.memref_slice %arg0[%scan3A_36, %get3A_1383, %get3A_1384] : memref<3x8x16384xf32, #tpu.memory_space<vmem>> -> memref<1x8x16384xf32, #tpu.memory_space<vmem>>
      %get3A_1386 = tpu.memref_squeeze %get3A_1385 : memref<1x8x16384xf32, #tpu.memory_space<vmem>> -> memref<8x16384xf32, #tpu.memory_space<vmem>>
      %get3A_1387 = arith.constant 0 : index
      %get3A_1388 = arith.constant 6912 : index
      %get3A_1389 = vector.load %get3A_1386[%get3A_1387, %get3A_1388] : memref<8x16384xf32, #tpu.memory_space<vmem>>, vector<8x256xf32>
      %get3A_1390 = arith.constant 0 : i32
      %get3A_1391 = arith.constant 0 : i32
      %get3A_1392 = tpu.memref_slice %arg0[%scan3A_37, %get3A_1390, %get3A_1391] : memref<3x8x16384xf32, #tpu.memory_space<vmem>> -> memref<1x8x16384xf32, #tpu.memory_space<vmem>>
      %get3A_1393 = tpu.memref_squeeze %get3A_1392 : memref<1x8x16384xf32, #tpu.memory_space<vmem>> -> memref<8x16384xf32, #tpu.memory_space<vmem>>
      %get3A_1394 = arith.constant 0 : index
      %get3A_1395 = arith.constant 6912 : index
      %get3A_1396 = vector.load %get3A_1393[%get3A_1394, %get3A_1395] : memref<8x16384xf32, #tpu.memory_space<vmem>>, vector<8x256xf32>
      %sub3A_1397 = vector.broadcast %scan3A_46 : vector<8x1xf32> to vector<8x256xf32>
      %sub3A_1398 = arith.subf %get3A_1382, %sub3A_1397 : vector<8x256xf32>
      %sub3A_1399 = vector.broadcast %scan3A_47 : vector<8x1xf32> to vector<8x256xf32>
      %sub3A_1400 = arith.subf %get3A_1389, %sub3A_1399 : vector<8x256xf32>
      %sub3A_1401 = vector.broadcast %scan3A_48 : vector<8x1xf32> to vector<8x256xf32>
      %sub3A_1402 = arith.subf %get3A_1396, %sub3A_1401 : vector<8x256xf32>
      %mul3A_1403 = arith.mulf %sub3A_1398, %sub3A_1398 : vector<8x256xf32>
      %mul3A_1404 = arith.mulf %sub3A_1400, %sub3A_1400 : vector<8x256xf32>
      %add3A_1405 = arith.addf %mul3A_1403, %mul3A_1404 : vector<8x256xf32>
      %mul3A_1406 = arith.mulf %sub3A_1402, %sub3A_1402 : vector<8x256xf32>
      %add3A_1407 = arith.addf %add3A_1405, %mul3A_1406 : vector<8x256xf32>
      %get3A_1408 = arith.constant 0 : index
      %get3A_1409 = arith.constant 6912 : index
      %get3A_1410 = vector.load %arg5[%get3A_1408, %get3A_1409] : memref<8x16384xf32, #tpu.memory_space<vmem>>, vector<8x256xf32>
      %min3A_1411 = arith.minimumf %get3A_1410, %add3A_1407 : vector<8x256xf32>
      %swap3A_1412 = arith.constant 0 : index
      %swap3A_1413 = arith.constant 6912 : index
      %swap3A_1414 = vector.load %arg5[%swap3A_1412, %swap3A_1413] : memref<8x16384xf32, #tpu.memory_space<vmem>>, vector<8x256xf32>
      tpu.vector_store %arg5[%swap3A_1412, %swap3A_1413], %min3A_1411 {strides = array<i32>} : memref<8x16384xf32, #tpu.memory_space<vmem>>, vector<8x256xf32>,
      %gt3A_1415 = arith.cmpf ogt, %min3A_1411, %select_n3A_1368 : vector<8x256xf32>
      %select_n3A_1416 = arith.select %gt3A_1415, %min3A_1411, %select_n3A_1368 : vector<8x256xi1>, vector<8x256xf32>
      %get3A_1417 = arith.constant 0 : index
      %get3A_1418 = arith.constant 6912 : index
      %get3A_1419 = vector.load %arg6[%get3A_1417, %get3A_1418] : memref<8x16384xf32, #tpu.memory_space<vmem>>, vector<8x256xf32>
      %select_n3A_1420 = arith.select %gt3A_1415, %get3A_1419, %select_n3A_1372 : vector<8x256xi1>, vector<8x256xf32>
      %select_n3A_1421 = arith.select %gt3A_1415, %get3A_1382, %select_n3A_1373 : vector<8x256xi1>, vector<8x256xf32>
      %select_n3A_1422 = arith.select %gt3A_1415, %get3A_1389, %select_n3A_1374 : vector<8x256xi1>, vector<8x256xf32>
      %select_n3A_1423 = arith.select %gt3A_1415, %get3A_1396, %select_n3A_1375 : vector<8x256xi1>, vector<8x256xf32>
      %get3A_1424 = arith.constant 0 : i32
      %get3A_1425 = arith.constant 0 : i32
      %get3A_1426 = tpu.memref_slice %arg0[%scan3A, %get3A_1424, %get3A_1425] : memref<3x8x16384xf32, #tpu.memory_space<vmem>> -> memref<1x8x16384xf32, #tpu.memory_space<vmem>>
      %get3A_1427 = tpu.memref_squeeze %get3A_1426 : memref<1x8x16384xf32, #tpu.memory_space<vmem>> -> memref<8x16384xf32, #tpu.memory_space<vmem>>
      %get3A_1428 = arith.constant 0 : index
      %get3A_1429 = arith.constant 7168 : index
      %get3A_1430 = vector.load %get3A_1427[%get3A_1428, %get3A_1429] : memref<8x16384xf32, #tpu.memory_space<vmem>>, vector<8x256xf32>
      %get3A_1431 = arith.constant 0 : i32
      %get3A_1432 = arith.constant 0 : i32
      %get3A_1433 = tpu.memref_slice %arg0[%scan3A_36, %get3A_1431, %get3A_1432] : memref<3x8x16384xf32, #tpu.memory_space<vmem>> -> memref<1x8x16384xf32, #tpu.memory_space<vmem>>
      %get3A_1434 = tpu.memref_squeeze %get3A_1433 : memref<1x8x16384xf32, #tpu.memory_space<vmem>> -> memref<8x16384xf32, #tpu.memory_space<vmem>>
      %get3A_1435 = arith.constant 0 : index
      %get3A_1436 = arith.constant 7168 : index
      %get3A_1437 = vector.load %get3A_1434[%get3A_1435, %get3A_1436] : memref<8x16384xf32, #tpu.memory_space<vmem>>, vector<8x256xf32>
      %get3A_1438 = arith.constant 0 : i32
      %get3A_1439 = arith.constant 0 : i32
      %get3A_1440 = tpu.memref_slice %arg0[%scan3A_37, %get3A_1438, %get3A_1439] : memref<3x8x16384xf32, #tpu.memory_space<vmem>> -> memref<1x8x16384xf32, #tpu.memory_space<vmem>>
      %get3A_1441 = tpu.memref_squeeze %get3A_1440 : memref<1x8x16384xf32, #tpu.memory_space<vmem>> -> memref<8x16384xf32, #tpu.memory_space<vmem>>
      %get3A_1442 = arith.constant 0 : index
      %get3A_1443 = arith.constant 7168 : index
      %get3A_1444 = vector.load %get3A_1441[%get3A_1442, %get3A_1443] : memref<8x16384xf32, #tpu.memory_space<vmem>>, vector<8x256xf32>
      %sub3A_1445 = vector.broadcast %scan3A_46 : vector<8x1xf32> to vector<8x256xf32>
      %sub3A_1446 = arith.subf %get3A_1430, %sub3A_1445 : vector<8x256xf32>
      %sub3A_1447 = vector.broadcast %scan3A_47 : vector<8x1xf32> to vector<8x256xf32>
      %sub3A_1448 = arith.subf %get3A_1437, %sub3A_1447 : vector<8x256xf32>
      %sub3A_1449 = vector.broadcast %scan3A_48 : vector<8x1xf32> to vector<8x256xf32>
      %sub3A_1450 = arith.subf %get3A_1444, %sub3A_1449 : vector<8x256xf32>
      %mul3A_1451 = arith.mulf %sub3A_1446, %sub3A_1446 : vector<8x256xf32>
      %mul3A_1452 = arith.mulf %sub3A_1448, %sub3A_1448 : vector<8x256xf32>
      %add3A_1453 = arith.addf %mul3A_1451, %mul3A_1452 : vector<8x256xf32>
      %mul3A_1454 = arith.mulf %sub3A_1450, %sub3A_1450 : vector<8x256xf32>
      %add3A_1455 = arith.addf %add3A_1453, %mul3A_1454 : vector<8x256xf32>
      %get3A_1456 = arith.constant 0 : index
      %get3A_1457 = arith.constant 7168 : index
      %get3A_1458 = vector.load %arg5[%get3A_1456, %get3A_1457] : memref<8x16384xf32, #tpu.memory_space<vmem>>, vector<8x256xf32>
      %min3A_1459 = arith.minimumf %get3A_1458, %add3A_1455 : vector<8x256xf32>
      %swap3A_1460 = arith.constant 0 : index
      %swap3A_1461 = arith.constant 7168 : index
      %swap3A_1462 = vector.load %arg5[%swap3A_1460, %swap3A_1461] : memref<8x16384xf32, #tpu.memory_space<vmem>>, vector<8x256xf32>
      tpu.vector_store %arg5[%swap3A_1460, %swap3A_1461], %min3A_1459 {strides = array<i32>} : memref<8x16384xf32, #tpu.memory_space<vmem>>, vector<8x256xf32>,
      %gt3A_1463 = arith.cmpf ogt, %min3A_1459, %select_n3A_1416 : vector<8x256xf32>
      %select_n3A_1464 = arith.select %gt3A_1463, %min3A_1459, %select_n3A_1416 : vector<8x256xi1>, vector<8x256xf32>
      %get3A_1465 = arith.constant 0 : index
      %get3A_1466 = arith.constant 7168 : index
      %get3A_1467 = vector.load %arg6[%get3A_1465, %get3A_1466] : memref<8x16384xf32, #tpu.memory_space<vmem>>, vector<8x256xf32>
      %select_n3A_1468 = arith.select %gt3A_1463, %get3A_1467, %select_n3A_1420 : vector<8x256xi1>, vector<8x256xf32>
      %select_n3A_1469 = arith.select %gt3A_1463, %get3A_1430, %select_n3A_1421 : vector<8x256xi1>, vector<8x256xf32>
      %select_n3A_1470 = arith.select %gt3A_1463, %get3A_1437, %select_n3A_1422 : vector<8x256xi1>, vector<8x256xf32>
      %select_n3A_1471 = arith.select %gt3A_1463, %get3A_1444, %select_n3A_1423 : vector<8x256xi1>, vector<8x256xf32>
      %get3A_1472 = arith.constant 0 : i32
      %get3A_1473 = arith.constant 0 : i32
      %get3A_1474 = tpu.memref_slice %arg0[%scan3A, %get3A_1472, %get3A_1473] : memref<3x8x16384xf32, #tpu.memory_space<vmem>> -> memref<1x8x16384xf32, #tpu.memory_space<vmem>>
      %get3A_1475 = tpu.memref_squeeze %get3A_1474 : memref<1x8x16384xf32, #tpu.memory_space<vmem>> -> memref<8x16384xf32, #tpu.memory_space<vmem>>
      %get3A_1476 = arith.constant 0 : index
      %get3A_1477 = arith.constant 7424 : index
      %get3A_1478 = vector.load %get3A_1475[%get3A_1476, %get3A_1477] : memref<8x16384xf32, #tpu.memory_space<vmem>>, vector<8x256xf32>
      %get3A_1479 = arith.constant 0 : i32
      %get3A_1480 = arith.constant 0 : i32
      %get3A_1481 = tpu.memref_slice %arg0[%scan3A_36, %get3A_1479, %get3A_1480] : memref<3x8x16384xf32, #tpu.memory_space<vmem>> -> memref<1x8x16384xf32, #tpu.memory_space<vmem>>
      %get3A_1482 = tpu.memref_squeeze %get3A_1481 : memref<1x8x16384xf32, #tpu.memory_space<vmem>> -> memref<8x16384xf32, #tpu.memory_space<vmem>>
      %get3A_1483 = arith.constant 0 : index
      %get3A_1484 = arith.constant 7424 : index
      %get3A_1485 = vector.load %get3A_1482[%get3A_1483, %get3A_1484] : memref<8x16384xf32, #tpu.memory_space<vmem>>, vector<8x256xf32>
      %get3A_1486 = arith.constant 0 : i32
      %get3A_1487 = arith.constant 0 : i32
      %get3A_1488 = tpu.memref_slice %arg0[%scan3A_37, %get3A_1486, %get3A_1487] : memref<3x8x16384xf32, #tpu.memory_space<vmem>> -> memref<1x8x16384xf32, #tpu.memory_space<vmem>>
      %get3A_1489 = tpu.memref_squeeze %get3A_1488 : memref<1x8x16384xf32, #tpu.memory_space<vmem>> -> memref<8x16384xf32, #tpu.memory_space<vmem>>
      %get3A_1490 = arith.constant 0 : index
      %get3A_1491 = arith.constant 7424 : index
      %get3A_1492 = vector.load %get3A_1489[%get3A_1490, %get3A_1491] : memref<8x16384xf32, #tpu.memory_space<vmem>>, vector<8x256xf32>
      %sub3A_1493 = vector.broadcast %scan3A_46 : vector<8x1xf32> to vector<8x256xf32>
      %sub3A_1494 = arith.subf %get3A_1478, %sub3A_1493 : vector<8x256xf32>
      %sub3A_1495 = vector.broadcast %scan3A_47 : vector<8x1xf32> to vector<8x256xf32>
      %sub3A_1496 = arith.subf %get3A_1485, %sub3A_1495 : vector<8x256xf32>
      %sub3A_1497 = vector.broadcast %scan3A_48 : vector<8x1xf32> to vector<8x256xf32>
      %sub3A_1498 = arith.subf %get3A_1492, %sub3A_1497 : vector<8x256xf32>
      %mul3A_1499 = arith.mulf %sub3A_1494, %sub3A_1494 : vector<8x256xf32>
      %mul3A_1500 = arith.mulf %sub3A_1496, %sub3A_1496 : vector<8x256xf32>
      %add3A_1501 = arith.addf %mul3A_1499, %mul3A_1500 : vector<8x256xf32>
      %mul3A_1502 = arith.mulf %sub3A_1498, %sub3A_1498 : vector<8x256xf32>
      %add3A_1503 = arith.addf %add3A_1501, %mul3A_1502 : vector<8x256xf32>
      %get3A_1504 = arith.constant 0 : index
      %get3A_1505 = arith.constant 7424 : index
      %get3A_1506 = vector.load %arg5[%get3A_1504, %get3A_1505] : memref<8x16384xf32, #tpu.memory_space<vmem>>, vector<8x256xf32>
      %min3A_1507 = arith.minimumf %get3A_1506, %add3A_1503 : vector<8x256xf32>
      %swap3A_1508 = arith.constant 0 : index
      %swap3A_1509 = arith.constant 7424 : index
      %swap3A_1510 = vector.load %arg5[%swap3A_1508, %swap3A_1509] : memref<8x16384xf32, #tpu.memory_space<vmem>>, vector<8x256xf32>
      tpu.vector_store %arg5[%swap3A_1508, %swap3A_1509], %min3A_1507 {strides = array<i32>} : memref<8x16384xf32, #tpu.memory_space<vmem>>, vector<8x256xf32>,
      %gt3A_1511 = arith.cmpf ogt, %min3A_1507, %select_n3A_1464 : vector<8x256xf32>
      %select_n3A_1512 = arith.select %gt3A_1511, %min3A_1507, %select_n3A_1464 : vector<8x256xi1>, vector<8x256xf32>
      %get3A_1513 = arith.constant 0 : index
      %get3A_1514 = arith.constant 7424 : index
      %get3A_1515 = vector.load %arg6[%get3A_1513, %get3A_1514] : memref<8x16384xf32, #tpu.memory_space<vmem>>, vector<8x256xf32>
      %select_n3A_1516 = arith.select %gt3A_1511, %get3A_1515, %select_n3A_1468 : vector<8x256xi1>, vector<8x256xf32>
      %select_n3A_1517 = arith.select %gt3A_1511, %get3A_1478, %select_n3A_1469 : vector<8x256xi1>, vector<8x256xf32>
      %select_n3A_1518 = arith.select %gt3A_1511, %get3A_1485, %select_n3A_1470 : vector<8x256xi1>, vector<8x256xf32>
      %select_n3A_1519 = arith.select %gt3A_1511, %get3A_1492, %select_n3A_1471 : vector<8x256xi1>, vector<8x256xf32>
      %get3A_1520 = arith.constant 0 : i32
      %get3A_1521 = arith.constant 0 : i32
      %get3A_1522 = tpu.memref_slice %arg0[%scan3A, %get3A_1520, %get3A_1521] : memref<3x8x16384xf32, #tpu.memory_space<vmem>> -> memref<1x8x16384xf32, #tpu.memory_space<vmem>>
      %get3A_1523 = tpu.memref_squeeze %get3A_1522 : memref<1x8x16384xf32, #tpu.memory_space<vmem>> -> memref<8x16384xf32, #tpu.memory_space<vmem>>
      %get3A_1524 = arith.constant 0 : index
      %get3A_1525 = arith.constant 7680 : index
      %get3A_1526 = vector.load %get3A_1523[%get3A_1524, %get3A_1525] : memref<8x16384xf32, #tpu.memory_space<vmem>>, vector<8x256xf32>
      %get3A_1527 = arith.constant 0 : i32
      %get3A_1528 = arith.constant 0 : i32
      %get3A_1529 = tpu.memref_slice %arg0[%scan3A_36, %get3A_1527, %get3A_1528] : memref<3x8x16384xf32, #tpu.memory_space<vmem>> -> memref<1x8x16384xf32, #tpu.memory_space<vmem>>
      %get3A_1530 = tpu.memref_squeeze %get3A_1529 : memref<1x8x16384xf32, #tpu.memory_space<vmem>> -> memref<8x16384xf32, #tpu.memory_space<vmem>>
      %get3A_1531 = arith.constant 0 : index
      %get3A_1532 = arith.constant 7680 : index
      %get3A_1533 = vector.load %get3A_1530[%get3A_1531, %get3A_1532] : memref<8x16384xf32, #tpu.memory_space<vmem>>, vector<8x256xf32>
      %get3A_1534 = arith.constant 0 : i32
      %get3A_1535 = arith.constant 0 : i32
      %get3A_1536 = tpu.memref_slice %arg0[%scan3A_37, %get3A_1534, %get3A_1535] : memref<3x8x16384xf32, #tpu.memory_space<vmem>> -> memref<1x8x16384xf32, #tpu.memory_space<vmem>>
      %get3A_1537 = tpu.memref_squeeze %get3A_1536 : memref<1x8x16384xf32, #tpu.memory_space<vmem>> -> memref<8x16384xf32, #tpu.memory_space<vmem>>
      %get3A_1538 = arith.constant 0 : index
      %get3A_1539 = arith.constant 7680 : index
      %get3A_1540 = vector.load %get3A_1537[%get3A_1538, %get3A_1539] : memref<8x16384xf32, #tpu.memory_space<vmem>>, vector<8x256xf32>
      %sub3A_1541 = vector.broadcast %scan3A_46 : vector<8x1xf32> to vector<8x256xf32>
      %sub3A_1542 = arith.subf %get3A_1526, %sub3A_1541 : vector<8x256xf32>
      %sub3A_1543 = vector.broadcast %scan3A_47 : vector<8x1xf32> to vector<8x256xf32>
      %sub3A_1544 = arith.subf %get3A_1533, %sub3A_1543 : vector<8x256xf32>
      %sub3A_1545 = vector.broadcast %scan3A_48 : vector<8x1xf32> to vector<8x256xf32>
      %sub3A_1546 = arith.subf %get3A_1540, %sub3A_1545 : vector<8x256xf32>
      %mul3A_1547 = arith.mulf %sub3A_1542, %sub3A_1542 : vector<8x256xf32>
      %mul3A_1548 = arith.mulf %sub3A_1544, %sub3A_1544 : vector<8x256xf32>
      %add3A_1549 = arith.addf %mul3A_1547, %mul3A_1548 : vector<8x256xf32>
      %mul3A_1550 = arith.mulf %sub3A_1546, %sub3A_1546 : vector<8x256xf32>
      %add3A_1551 = arith.addf %add3A_1549, %mul3A_1550 : vector<8x256xf32>
      %get3A_1552 = arith.constant 0 : index
      %get3A_1553 = arith.constant 7680 : index
      %get3A_1554 = vector.load %arg5[%get3A_1552, %get3A_1553] : memref<8x16384xf32, #tpu.memory_space<vmem>>, vector<8x256xf32>
      %min3A_1555 = arith.minimumf %get3A_1554, %add3A_1551 : vector<8x256xf32>
      %swap3A_1556 = arith.constant 0 : index
      %swap3A_1557 = arith.constant 7680 : index
      %swap3A_1558 = vector.load %arg5[%swap3A_1556, %swap3A_1557] : memref<8x16384xf32, #tpu.memory_space<vmem>>, vector<8x256xf32>
      tpu.vector_store %arg5[%swap3A_1556, %swap3A_1557], %min3A_1555 {strides = array<i32>} : memref<8x16384xf32, #tpu.memory_space<vmem>>, vector<8x256xf32>,
      %gt3A_1559 = arith.cmpf ogt, %min3A_1555, %select_n3A_1512 : vector<8x256xf32>
      %select_n3A_1560 = arith.select %gt3A_1559, %min3A_1555, %select_n3A_1512 : vector<8x256xi1>, vector<8x256xf32>
      %get3A_1561 = arith.constant 0 : index
      %get3A_1562 = arith.constant 7680 : index
      %get3A_1563 = vector.load %arg6[%get3A_1561, %get3A_1562] : memref<8x16384xf32, #tpu.memory_space<vmem>>, vector<8x256xf32>
      %select_n3A_1564 = arith.select %gt3A_1559, %get3A_1563, %select_n3A_1516 : vector<8x256xi1>, vector<8x256xf32>
      %select_n3A_1565 = arith.select %gt3A_1559, %get3A_1526, %select_n3A_1517 : vector<8x256xi1>, vector<8x256xf32>
      %select_n3A_1566 = arith.select %gt3A_1559, %get3A_1533, %select_n3A_1518 : vector<8x256xi1>, vector<8x256xf32>
      %select_n3A_1567 = arith.select %gt3A_1559, %get3A_1540, %select_n3A_1519 : vector<8x256xi1>, vector<8x256xf32>
      %get3A_1568 = arith.constant 0 : i32
      %get3A_1569 = arith.constant 0 : i32
      %get3A_1570 = tpu.memref_slice %arg0[%scan3A, %get3A_1568, %get3A_1569] : memref<3x8x16384xf32, #tpu.memory_space<vmem>> -> memref<1x8x16384xf32, #tpu.memory_space<vmem>>
      %get3A_1571 = tpu.memref_squeeze %get3A_1570 : memref<1x8x16384xf32, #tpu.memory_space<vmem>> -> memref<8x16384xf32, #tpu.memory_space<vmem>>
      %get3A_1572 = arith.constant 0 : index
      %get3A_1573 = arith.constant 7936 : index
      %get3A_1574 = vector.load %get3A_1571[%get3A_1572, %get3A_1573] : memref<8x16384xf32, #tpu.memory_space<vmem>>, vector<8x256xf32>
      %get3A_1575 = arith.constant 0 : i32
      %get3A_1576 = arith.constant 0 : i32
      %get3A_1577 = tpu.memref_slice %arg0[%scan3A_36, %get3A_1575, %get3A_1576] : memref<3x8x16384xf32, #tpu.memory_space<vmem>> -> memref<1x8x16384xf32, #tpu.memory_space<vmem>>
      %get3A_1578 = tpu.memref_squeeze %get3A_1577 : memref<1x8x16384xf32, #tpu.memory_space<vmem>> -> memref<8x16384xf32, #tpu.memory_space<vmem>>
      %get3A_1579 = arith.constant 0 : index
      %get3A_1580 = arith.constant 7936 : index
      %get3A_1581 = vector.load %get3A_1578[%get3A_1579, %get3A_1580] : memref<8x16384xf32, #tpu.memory_space<vmem>>, vector<8x256xf32>
      %get3A_1582 = arith.constant 0 : i32
      %get3A_1583 = arith.constant 0 : i32
      %get3A_1584 = tpu.memref_slice %arg0[%scan3A_37, %get3A_1582, %get3A_1583] : memref<3x8x16384xf32, #tpu.memory_space<vmem>> -> memref<1x8x16384xf32, #tpu.memory_space<vmem>>
      %get3A_1585 = tpu.memref_squeeze %get3A_1584 : memref<1x8x16384xf32, #tpu.memory_space<vmem>> -> memref<8x16384xf32, #tpu.memory_space<vmem>>
      %get3A_1586 = arith.constant 0 : index
      %get3A_1587 = arith.constant 7936 : index
      %get3A_1588 = vector.load %get3A_1585[%get3A_1586, %get3A_1587] : memref<8x16384xf32, #tpu.memory_space<vmem>>, vector<8x256xf32>
      %sub3A_1589 = vector.broadcast %scan3A_46 : vector<8x1xf32> to vector<8x256xf32>
      %sub3A_1590 = arith.subf %get3A_1574, %sub3A_1589 : vector<8x256xf32>
      %sub3A_1591 = vector.broadcast %scan3A_47 : vector<8x1xf32> to vector<8x256xf32>
      %sub3A_1592 = arith.subf %get3A_1581, %sub3A_1591 : vector<8x256xf32>
      %sub3A_1593 = vector.broadcast %scan3A_48 : vector<8x1xf32> to vector<8x256xf32>
      %sub3A_1594 = arith.subf %get3A_1588, %sub3A_1593 : vector<8x256xf32>
      %mul3A_1595 = arith.mulf %sub3A_1590, %sub3A_1590 : vector<8x256xf32>
      %mul3A_1596 = arith.mulf %sub3A_1592, %sub3A_1592 : vector<8x256xf32>
      %add3A_1597 = arith.addf %mul3A_1595, %mul3A_1596 : vector<8x256xf32>
      %mul3A_1598 = arith.mulf %sub3A_1594, %sub3A_1594 : vector<8x256xf32>
      %add3A_1599 = arith.addf %add3A_1597, %mul3A_1598 : vector<8x256xf32>
      %get3A_1600 = arith.constant 0 : index
      %get3A_1601 = arith.constant 7936 : index
      %get3A_1602 = vector.load %arg5[%get3A_1600, %get3A_1601] : memref<8x16384xf32, #tpu.memory_space<vmem>>, vector<8x256xf32>
      %min3A_1603 = arith.minimumf %get3A_1602, %add3A_1599 : vector<8x256xf32>
      %swap3A_1604 = arith.constant 0 : index
      %swap3A_1605 = arith.constant 7936 : index
      %swap3A_1606 = vector.load %arg5[%swap3A_1604, %swap3A_1605] : memref<8x16384xf32, #tpu.memory_space<vmem>>, vector<8x256xf32>
      tpu.vector_store %arg5[%swap3A_1604, %swap3A_1605], %min3A_1603 {strides = array<i32>} : memref<8x16384xf32, #tpu.memory_space<vmem>>, vector<8x256xf32>,
      %gt3A_1607 = arith.cmpf ogt, %min3A_1603, %select_n3A_1560 : vector<8x256xf32>
      %select_n3A_1608 = arith.select %gt3A_1607, %min3A_1603, %select_n3A_1560 : vector<8x256xi1>, vector<8x256xf32>
      %get3A_1609 = arith.constant 0 : index
      %get3A_1610 = arith.constant 7936 : index
      %get3A_1611 = vector.load %arg6[%get3A_1609, %get3A_1610] : memref<8x16384xf32, #tpu.memory_space<vmem>>, vector<8x256xf32>
      %select_n3A_1612 = arith.select %gt3A_1607, %get3A_1611, %select_n3A_1564 : vector<8x256xi1>, vector<8x256xf32>
      %select_n3A_1613 = arith.select %gt3A_1607, %get3A_1574, %select_n3A_1565 : vector<8x256xi1>, vector<8x256xf32>
      %select_n3A_1614 = arith.select %gt3A_1607, %get3A_1581, %select_n3A_1566 : vector<8x256xi1>, vector<8x256xf32>
      %select_n3A_1615 = arith.select %gt3A_1607, %get3A_1588, %select_n3A_1567 : vector<8x256xi1>, vector<8x256xf32>
      %get3A_1616 = arith.constant 0 : i32
      %get3A_1617 = arith.constant 0 : i32
      %get3A_1618 = tpu.memref_slice %arg0[%scan3A, %get3A_1616, %get3A_1617] : memref<3x8x16384xf32, #tpu.memory_space<vmem>> -> memref<1x8x16384xf32, #tpu.memory_space<vmem>>
      %get3A_1619 = tpu.memref_squeeze %get3A_1618 : memref<1x8x16384xf32, #tpu.memory_space<vmem>> -> memref<8x16384xf32, #tpu.memory_space<vmem>>
      %get3A_1620 = arith.constant 0 : index
      %get3A_1621 = arith.constant 8192 : index
      %get3A_1622 = vector.load %get3A_1619[%get3A_1620, %get3A_1621] : memref<8x16384xf32, #tpu.memory_space<vmem>>, vector<8x256xf32>
      %get3A_1623 = arith.constant 0 : i32
      %get3A_1624 = arith.constant 0 : i32
      %get3A_1625 = tpu.memref_slice %arg0[%scan3A_36, %get3A_1623, %get3A_1624] : memref<3x8x16384xf32, #tpu.memory_space<vmem>> -> memref<1x8x16384xf32, #tpu.memory_space<vmem>>
      %get3A_1626 = tpu.memref_squeeze %get3A_1625 : memref<1x8x16384xf32, #tpu.memory_space<vmem>> -> memref<8x16384xf32, #tpu.memory_space<vmem>>
      %get3A_1627 = arith.constant 0 : index
      %get3A_1628 = arith.constant 8192 : index
      %get3A_1629 = vector.load %get3A_1626[%get3A_1627, %get3A_1628] : memref<8x16384xf32, #tpu.memory_space<vmem>>, vector<8x256xf32>
      %get3A_1630 = arith.constant 0 : i32
      %get3A_1631 = arith.constant 0 : i32
      %get3A_1632 = tpu.memref_slice %arg0[%scan3A_37, %get3A_1630, %get3A_1631] : memref<3x8x16384xf32, #tpu.memory_space<vmem>> -> memref<1x8x16384xf32, #tpu.memory_space<vmem>>
      %get3A_1633 = tpu.memref_squeeze %get3A_1632 : memref<1x8x16384xf32, #tpu.memory_space<vmem>> -> memref<8x16384xf32, #tpu.memory_space<vmem>>
      %get3A_1634 = arith.constant 0 : index
      %get3A_1635 = arith.constant 8192 : index
      %get3A_1636 = vector.load %get3A_1633[%get3A_1634, %get3A_1635] : memref<8x16384xf32, #tpu.memory_space<vmem>>, vector<8x256xf32>
      %sub3A_1637 = vector.broadcast %scan3A_46 : vector<8x1xf32> to vector<8x256xf32>
      %sub3A_1638 = arith.subf %get3A_1622, %sub3A_1637 : vector<8x256xf32>
      %sub3A_1639 = vector.broadcast %scan3A_47 : vector<8x1xf32> to vector<8x256xf32>
      %sub3A_1640 = arith.subf %get3A_1629, %sub3A_1639 : vector<8x256xf32>
      %sub3A_1641 = vector.broadcast %scan3A_48 : vector<8x1xf32> to vector<8x256xf32>
      %sub3A_1642 = arith.subf %get3A_1636, %sub3A_1641 : vector<8x256xf32>
      %mul3A_1643 = arith.mulf %sub3A_1638, %sub3A_1638 : vector<8x256xf32>
      %mul3A_1644 = arith.mulf %sub3A_1640, %sub3A_1640 : vector<8x256xf32>
      %add3A_1645 = arith.addf %mul3A_1643, %mul3A_1644 : vector<8x256xf32>
      %mul3A_1646 = arith.mulf %sub3A_1642, %sub3A_1642 : vector<8x256xf32>
      %add3A_1647 = arith.addf %add3A_1645, %mul3A_1646 : vector<8x256xf32>
      %get3A_1648 = arith.constant 0 : index
      %get3A_1649 = arith.constant 8192 : index
      %get3A_1650 = vector.load %arg5[%get3A_1648, %get3A_1649] : memref<8x16384xf32, #tpu.memory_space<vmem>>, vector<8x256xf32>
      %min3A_1651 = arith.minimumf %get3A_1650, %add3A_1647 : vector<8x256xf32>
      %swap3A_1652 = arith.constant 0 : index
      %swap3A_1653 = arith.constant 8192 : index
      %swap3A_1654 = vector.load %arg5[%swap3A_1652, %swap3A_1653] : memref<8x16384xf32, #tpu.memory_space<vmem>>, vector<8x256xf32>
      tpu.vector_store %arg5[%swap3A_1652, %swap3A_1653], %min3A_1651 {strides = array<i32>} : memref<8x16384xf32, #tpu.memory_space<vmem>>, vector<8x256xf32>,
      %gt3A_1655 = arith.cmpf ogt, %min3A_1651, %select_n3A_1608 : vector<8x256xf32>
      %select_n3A_1656 = arith.select %gt3A_1655, %min3A_1651, %select_n3A_1608 : vector<8x256xi1>, vector<8x256xf32>
      %get3A_1657 = arith.constant 0 : index
      %get3A_1658 = arith.constant 8192 : index
      %get3A_1659 = vector.load %arg6[%get3A_1657, %get3A_1658] : memref<8x16384xf32, #tpu.memory_space<vmem>>, vector<8x256xf32>
      %select_n3A_1660 = arith.select %gt3A_1655, %get3A_1659, %select_n3A_1612 : vector<8x256xi1>, vector<8x256xf32>
      %select_n3A_1661 = arith.select %gt3A_1655, %get3A_1622, %select_n3A_1613 : vector<8x256xi1>, vector<8x256xf32>
      %select_n3A_1662 = arith.select %gt3A_1655, %get3A_1629, %select_n3A_1614 : vector<8x256xi1>, vector<8x256xf32>
      %select_n3A_1663 = arith.select %gt3A_1655, %get3A_1636, %select_n3A_1615 : vector<8x256xi1>, vector<8x256xf32>
      %get3A_1664 = arith.constant 0 : i32
      %get3A_1665 = arith.constant 0 : i32
      %get3A_1666 = tpu.memref_slice %arg0[%scan3A, %get3A_1664, %get3A_1665] : memref<3x8x16384xf32, #tpu.memory_space<vmem>> -> memref<1x8x16384xf32, #tpu.memory_space<vmem>>
      %get3A_1667 = tpu.memref_squeeze %get3A_1666 : memref<1x8x16384xf32, #tpu.memory_space<vmem>> -> memref<8x16384xf32, #tpu.memory_space<vmem>>
      %get3A_1668 = arith.constant 0 : index
      %get3A_1669 = arith.constant 8448 : index
      %get3A_1670 = vector.load %get3A_1667[%get3A_1668, %get3A_1669] : memref<8x16384xf32, #tpu.memory_space<vmem>>, vector<8x256xf32>
      %get3A_1671 = arith.constant 0 : i32
      %get3A_1672 = arith.constant 0 : i32
      %get3A_1673 = tpu.memref_slice %arg0[%scan3A_36, %get3A_1671, %get3A_1672] : memref<3x8x16384xf32, #tpu.memory_space<vmem>> -> memref<1x8x16384xf32, #tpu.memory_space<vmem>>
      %get3A_1674 = tpu.memref_squeeze %get3A_1673 : memref<1x8x16384xf32, #tpu.memory_space<vmem>> -> memref<8x16384xf32, #tpu.memory_space<vmem>>
      %get3A_1675 = arith.constant 0 : index
      %get3A_1676 = arith.constant 8448 : index
      %get3A_1677 = vector.load %get3A_1674[%get3A_1675, %get3A_1676] : memref<8x16384xf32, #tpu.memory_space<vmem>>, vector<8x256xf32>
      %get3A_1678 = arith.constant 0 : i32
      %get3A_1679 = arith.constant 0 : i32
      %get3A_1680 = tpu.memref_slice %arg0[%scan3A_37, %get3A_1678, %get3A_1679] : memref<3x8x16384xf32, #tpu.memory_space<vmem>> -> memref<1x8x16384xf32, #tpu.memory_space<vmem>>
      %get3A_1681 = tpu.memref_squeeze %get3A_1680 : memref<1x8x16384xf32, #tpu.memory_space<vmem>> -> memref<8x16384xf32, #tpu.memory_space<vmem>>
      %get3A_1682 = arith.constant 0 : index
      %get3A_1683 = arith.constant 8448 : index
      %get3A_1684 = vector.load %get3A_1681[%get3A_1682, %get3A_1683] : memref<8x16384xf32, #tpu.memory_space<vmem>>, vector<8x256xf32>
      %sub3A_1685 = vector.broadcast %scan3A_46 : vector<8x1xf32> to vector<8x256xf32>
      %sub3A_1686 = arith.subf %get3A_1670, %sub3A_1685 : vector<8x256xf32>
      %sub3A_1687 = vector.broadcast %scan3A_47 : vector<8x1xf32> to vector<8x256xf32>
      %sub3A_1688 = arith.subf %get3A_1677, %sub3A_1687 : vector<8x256xf32>
      %sub3A_1689 = vector.broadcast %scan3A_48 : vector<8x1xf32> to vector<8x256xf32>
      %sub3A_1690 = arith.subf %get3A_1684, %sub3A_1689 : vector<8x256xf32>
      %mul3A_1691 = arith.mulf %sub3A_1686, %sub3A_1686 : vector<8x256xf32>
      %mul3A_1692 = arith.mulf %sub3A_1688, %sub3A_1688 : vector<8x256xf32>
      %add3A_1693 = arith.addf %mul3A_1691, %mul3A_1692 : vector<8x256xf32>
      %mul3A_1694 = arith.mulf %sub3A_1690, %sub3A_1690 : vector<8x256xf32>
      %add3A_1695 = arith.addf %add3A_1693, %mul3A_1694 : vector<8x256xf32>
      %get3A_1696 = arith.constant 0 : index
      %get3A_1697 = arith.constant 8448 : index
      %get3A_1698 = vector.load %arg5[%get3A_1696, %get3A_1697] : memref<8x16384xf32, #tpu.memory_space<vmem>>, vector<8x256xf32>
      %min3A_1699 = arith.minimumf %get3A_1698, %add3A_1695 : vector<8x256xf32>
      %swap3A_1700 = arith.constant 0 : index
      %swap3A_1701 = arith.constant 8448 : index
      %swap3A_1702 = vector.load %arg5[%swap3A_1700, %swap3A_1701] : memref<8x16384xf32, #tpu.memory_space<vmem>>, vector<8x256xf32>
      tpu.vector_store %arg5[%swap3A_1700, %swap3A_1701], %min3A_1699 {strides = array<i32>} : memref<8x16384xf32, #tpu.memory_space<vmem>>, vector<8x256xf32>,
      %gt3A_1703 = arith.cmpf ogt, %min3A_1699, %select_n3A_1656 : vector<8x256xf32>
      %select_n3A_1704 = arith.select %gt3A_1703, %min3A_1699, %select_n3A_1656 : vector<8x256xi1>, vector<8x256xf32>
      %get3A_1705 = arith.constant 0 : index
      %get3A_1706 = arith.constant 8448 : index
      %get3A_1707 = vector.load %arg6[%get3A_1705, %get3A_1706] : memref<8x16384xf32, #tpu.memory_space<vmem>>, vector<8x256xf32>
      %select_n3A_1708 = arith.select %gt3A_1703, %get3A_1707, %select_n3A_1660 : vector<8x256xi1>, vector<8x256xf32>
      %select_n3A_1709 = arith.select %gt3A_1703, %get3A_1670, %select_n3A_1661 : vector<8x256xi1>, vector<8x256xf32>
      %select_n3A_1710 = arith.select %gt3A_1703, %get3A_1677, %select_n3A_1662 : vector<8x256xi1>, vector<8x256xf32>
      %select_n3A_1711 = arith.select %gt3A_1703, %get3A_1684, %select_n3A_1663 : vector<8x256xi1>, vector<8x256xf32>
      %get3A_1712 = arith.constant 0 : i32
      %get3A_1713 = arith.constant 0 : i32
      %get3A_1714 = tpu.memref_slice %arg0[%scan3A, %get3A_1712, %get3A_1713] : memref<3x8x16384xf32, #tpu.memory_space<vmem>> -> memref<1x8x16384xf32, #tpu.memory_space<vmem>>
      %get3A_1715 = tpu.memref_squeeze %get3A_1714 : memref<1x8x16384xf32, #tpu.memory_space<vmem>> -> memref<8x16384xf32, #tpu.memory_space<vmem>>
      %get3A_1716 = arith.constant 0 : index
      %get3A_1717 = arith.constant 8704 : index
      %get3A_1718 = vector.load %get3A_1715[%get3A_1716, %get3A_1717] : memref<8x16384xf32, #tpu.memory_space<vmem>>, vector<8x256xf32>
      %get3A_1719 = arith.constant 0 : i32
      %get3A_1720 = arith.constant 0 : i32
      %get3A_1721 = tpu.memref_slice %arg0[%scan3A_36, %get3A_1719, %get3A_1720] : memref<3x8x16384xf32, #tpu.memory_space<vmem>> -> memref<1x8x16384xf32, #tpu.memory_space<vmem>>
      %get3A_1722 = tpu.memref_squeeze %get3A_1721 : memref<1x8x16384xf32, #tpu.memory_space<vmem>> -> memref<8x16384xf32, #tpu.memory_space<vmem>>
      %get3A_1723 = arith.constant 0 : index
      %get3A_1724 = arith.constant 8704 : index
      %get3A_1725 = vector.load %get3A_1722[%get3A_1723, %get3A_1724] : memref<8x16384xf32, #tpu.memory_space<vmem>>, vector<8x256xf32>
      %get3A_1726 = arith.constant 0 : i32
      %get3A_1727 = arith.constant 0 : i32
      %get3A_1728 = tpu.memref_slice %arg0[%scan3A_37, %get3A_1726, %get3A_1727] : memref<3x8x16384xf32, #tpu.memory_space<vmem>> -> memref<1x8x16384xf32, #tpu.memory_space<vmem>>
      %get3A_1729 = tpu.memref_squeeze %get3A_1728 : memref<1x8x16384xf32, #tpu.memory_space<vmem>> -> memref<8x16384xf32, #tpu.memory_space<vmem>>
      %get3A_1730 = arith.constant 0 : index
      %get3A_1731 = arith.constant 8704 : index
      %get3A_1732 = vector.load %get3A_1729[%get3A_1730, %get3A_1731] : memref<8x16384xf32, #tpu.memory_space<vmem>>, vector<8x256xf32>
      %sub3A_1733 = vector.broadcast %scan3A_46 : vector<8x1xf32> to vector<8x256xf32>
      %sub3A_1734 = arith.subf %get3A_1718, %sub3A_1733 : vector<8x256xf32>
      %sub3A_1735 = vector.broadcast %scan3A_47 : vector<8x1xf32> to vector<8x256xf32>
      %sub3A_1736 = arith.subf %get3A_1725, %sub3A_1735 : vector<8x256xf32>
      %sub3A_1737 = vector.broadcast %scan3A_48 : vector<8x1xf32> to vector<8x256xf32>
      %sub3A_1738 = arith.subf %get3A_1732, %sub3A_1737 : vector<8x256xf32>
      %mul3A_1739 = arith.mulf %sub3A_1734, %sub3A_1734 : vector<8x256xf32>
      %mul3A_1740 = arith.mulf %sub3A_1736, %sub3A_1736 : vector<8x256xf32>
      %add3A_1741 = arith.addf %mul3A_1739, %mul3A_1740 : vector<8x256xf32>
      %mul3A_1742 = arith.mulf %sub3A_1738, %sub3A_1738 : vector<8x256xf32>
      %add3A_1743 = arith.addf %add3A_1741, %mul3A_1742 : vector<8x256xf32>
      %get3A_1744 = arith.constant 0 : index
      %get3A_1745 = arith.constant 8704 : index
      %get3A_1746 = vector.load %arg5[%get3A_1744, %get3A_1745] : memref<8x16384xf32, #tpu.memory_space<vmem>>, vector<8x256xf32>
      %min3A_1747 = arith.minimumf %get3A_1746, %add3A_1743 : vector<8x256xf32>
      %swap3A_1748 = arith.constant 0 : index
      %swap3A_1749 = arith.constant 8704 : index
      %swap3A_1750 = vector.load %arg5[%swap3A_1748, %swap3A_1749] : memref<8x16384xf32, #tpu.memory_space<vmem>>, vector<8x256xf32>
      tpu.vector_store %arg5[%swap3A_1748, %swap3A_1749], %min3A_1747 {strides = array<i32>} : memref<8x16384xf32, #tpu.memory_space<vmem>>, vector<8x256xf32>,
      %gt3A_1751 = arith.cmpf ogt, %min3A_1747, %select_n3A_1704 : vector<8x256xf32>
      %select_n3A_1752 = arith.select %gt3A_1751, %min3A_1747, %select_n3A_1704 : vector<8x256xi1>, vector<8x256xf32>
      %get3A_1753 = arith.constant 0 : index
      %get3A_1754 = arith.constant 8704 : index
      %get3A_1755 = vector.load %arg6[%get3A_1753, %get3A_1754] : memref<8x16384xf32, #tpu.memory_space<vmem>>, vector<8x256xf32>
      %select_n3A_1756 = arith.select %gt3A_1751, %get3A_1755, %select_n3A_1708 : vector<8x256xi1>, vector<8x256xf32>
      %select_n3A_1757 = arith.select %gt3A_1751, %get3A_1718, %select_n3A_1709 : vector<8x256xi1>, vector<8x256xf32>
      %select_n3A_1758 = arith.select %gt3A_1751, %get3A_1725, %select_n3A_1710 : vector<8x256xi1>, vector<8x256xf32>
      %select_n3A_1759 = arith.select %gt3A_1751, %get3A_1732, %select_n3A_1711 : vector<8x256xi1>, vector<8x256xf32>
      %get3A_1760 = arith.constant 0 : i32
      %get3A_1761 = arith.constant 0 : i32
      %get3A_1762 = tpu.memref_slice %arg0[%scan3A, %get3A_1760, %get3A_1761] : memref<3x8x16384xf32, #tpu.memory_space<vmem>> -> memref<1x8x16384xf32, #tpu.memory_space<vmem>>
      %get3A_1763 = tpu.memref_squeeze %get3A_1762 : memref<1x8x16384xf32, #tpu.memory_space<vmem>> -> memref<8x16384xf32, #tpu.memory_space<vmem>>
      %get3A_1764 = arith.constant 0 : index
      %get3A_1765 = arith.constant 8960 : index
      %get3A_1766 = vector.load %get3A_1763[%get3A_1764, %get3A_1765] : memref<8x16384xf32, #tpu.memory_space<vmem>>, vector<8x256xf32>
      %get3A_1767 = arith.constant 0 : i32
      %get3A_1768 = arith.constant 0 : i32
      %get3A_1769 = tpu.memref_slice %arg0[%scan3A_36, %get3A_1767, %get3A_1768] : memref<3x8x16384xf32, #tpu.memory_space<vmem>> -> memref<1x8x16384xf32, #tpu.memory_space<vmem>>
      %get3A_1770 = tpu.memref_squeeze %get3A_1769 : memref<1x8x16384xf32, #tpu.memory_space<vmem>> -> memref<8x16384xf32, #tpu.memory_space<vmem>>
      %get3A_1771 = arith.constant 0 : index
      %get3A_1772 = arith.constant 8960 : index
      %get3A_1773 = vector.load %get3A_1770[%get3A_1771, %get3A_1772] : memref<8x16384xf32, #tpu.memory_space<vmem>>, vector<8x256xf32>
      %get3A_1774 = arith.constant 0 : i32
      %get3A_1775 = arith.constant 0 : i32
      %get3A_1776 = tpu.memref_slice %arg0[%scan3A_37, %get3A_1774, %get3A_1775] : memref<3x8x16384xf32, #tpu.memory_space<vmem>> -> memref<1x8x16384xf32, #tpu.memory_space<vmem>>
      %get3A_1777 = tpu.memref_squeeze %get3A_1776 : memref<1x8x16384xf32, #tpu.memory_space<vmem>> -> memref<8x16384xf32, #tpu.memory_space<vmem>>
      %get3A_1778 = arith.constant 0 : index
      %get3A_1779 = arith.constant 8960 : index
      %get3A_1780 = vector.load %get3A_1777[%get3A_1778, %get3A_1779] : memref<8x16384xf32, #tpu.memory_space<vmem>>, vector<8x256xf32>
      %sub3A_1781 = vector.broadcast %scan3A_46 : vector<8x1xf32> to vector<8x256xf32>
      %sub3A_1782 = arith.subf %get3A_1766, %sub3A_1781 : vector<8x256xf32>
      %sub3A_1783 = vector.broadcast %scan3A_47 : vector<8x1xf32> to vector<8x256xf32>
      %sub3A_1784 = arith.subf %get3A_1773, %sub3A_1783 : vector<8x256xf32>
      %sub3A_1785 = vector.broadcast %scan3A_48 : vector<8x1xf32> to vector<8x256xf32>
      %sub3A_1786 = arith.subf %get3A_1780, %sub3A_1785 : vector<8x256xf32>
      %mul3A_1787 = arith.mulf %sub3A_1782, %sub3A_1782 : vector<8x256xf32>
      %mul3A_1788 = arith.mulf %sub3A_1784, %sub3A_1784 : vector<8x256xf32>
      %add3A_1789 = arith.addf %mul3A_1787, %mul3A_1788 : vector<8x256xf32>
      %mul3A_1790 = arith.mulf %sub3A_1786, %sub3A_1786 : vector<8x256xf32>
      %add3A_1791 = arith.addf %add3A_1789, %mul3A_1790 : vector<8x256xf32>
      %get3A_1792 = arith.constant 0 : index
      %get3A_1793 = arith.constant 8960 : index
      %get3A_1794 = vector.load %arg5[%get3A_1792, %get3A_1793] : memref<8x16384xf32, #tpu.memory_space<vmem>>, vector<8x256xf32>
      %min3A_1795 = arith.minimumf %get3A_1794, %add3A_1791 : vector<8x256xf32>
      %swap3A_1796 = arith.constant 0 : index
      %swap3A_1797 = arith.constant 8960 : index
      %swap3A_1798 = vector.load %arg5[%swap3A_1796, %swap3A_1797] : memref<8x16384xf32, #tpu.memory_space<vmem>>, vector<8x256xf32>
      tpu.vector_store %arg5[%swap3A_1796, %swap3A_1797], %min3A_1795 {strides = array<i32>} : memref<8x16384xf32, #tpu.memory_space<vmem>>, vector<8x256xf32>,
      %gt3A_1799 = arith.cmpf ogt, %min3A_1795, %select_n3A_1752 : vector<8x256xf32>
      %select_n3A_1800 = arith.select %gt3A_1799, %min3A_1795, %select_n3A_1752 : vector<8x256xi1>, vector<8x256xf32>
      %get3A_1801 = arith.constant 0 : index
      %get3A_1802 = arith.constant 8960 : index
      %get3A_1803 = vector.load %arg6[%get3A_1801, %get3A_1802] : memref<8x16384xf32, #tpu.memory_space<vmem>>, vector<8x256xf32>
      %select_n3A_1804 = arith.select %gt3A_1799, %get3A_1803, %select_n3A_1756 : vector<8x256xi1>, vector<8x256xf32>
      %select_n3A_1805 = arith.select %gt3A_1799, %get3A_1766, %select_n3A_1757 : vector<8x256xi1>, vector<8x256xf32>
      %select_n3A_1806 = arith.select %gt3A_1799, %get3A_1773, %select_n3A_1758 : vector<8x256xi1>, vector<8x256xf32>
      %select_n3A_1807 = arith.select %gt3A_1799, %get3A_1780, %select_n3A_1759 : vector<8x256xi1>, vector<8x256xf32>
      %get3A_1808 = arith.constant 0 : i32
      %get3A_1809 = arith.constant 0 : i32
      %get3A_1810 = tpu.memref_slice %arg0[%scan3A, %get3A_1808, %get3A_1809] : memref<3x8x16384xf32, #tpu.memory_space<vmem>> -> memref<1x8x16384xf32, #tpu.memory_space<vmem>>
      %get3A_1811 = tpu.memref_squeeze %get3A_1810 : memref<1x8x16384xf32, #tpu.memory_space<vmem>> -> memref<8x16384xf32, #tpu.memory_space<vmem>>
      %get3A_1812 = arith.constant 0 : index
      %get3A_1813 = arith.constant 9216 : index
      %get3A_1814 = vector.load %get3A_1811[%get3A_1812, %get3A_1813] : memref<8x16384xf32, #tpu.memory_space<vmem>>, vector<8x256xf32>
      %get3A_1815 = arith.constant 0 : i32
      %get3A_1816 = arith.constant 0 : i32
      %get3A_1817 = tpu.memref_slice %arg0[%scan3A_36, %get3A_1815, %get3A_1816] : memref<3x8x16384xf32, #tpu.memory_space<vmem>> -> memref<1x8x16384xf32, #tpu.memory_space<vmem>>
      %get3A_1818 = tpu.memref_squeeze %get3A_1817 : memref<1x8x16384xf32, #tpu.memory_space<vmem>> -> memref<8x16384xf32, #tpu.memory_space<vmem>>
      %get3A_1819 = arith.constant 0 : index
      %get3A_1820 = arith.constant 9216 : index
      %get3A_1821 = vector.load %get3A_1818[%get3A_1819, %get3A_1820] : memref<8x16384xf32, #tpu.memory_space<vmem>>, vector<8x256xf32>
      %get3A_1822 = arith.constant 0 : i32
      %get3A_1823 = arith.constant 0 : i32
      %get3A_1824 = tpu.memref_slice %arg0[%scan3A_37, %get3A_1822, %get3A_1823] : memref<3x8x16384xf32, #tpu.memory_space<vmem>> -> memref<1x8x16384xf32, #tpu.memory_space<vmem>>
      %get3A_1825 = tpu.memref_squeeze %get3A_1824 : memref<1x8x16384xf32, #tpu.memory_space<vmem>> -> memref<8x16384xf32, #tpu.memory_space<vmem>>
      %get3A_1826 = arith.constant 0 : index
      %get3A_1827 = arith.constant 9216 : index
      %get3A_1828 = vector.load %get3A_1825[%get3A_1826, %get3A_1827] : memref<8x16384xf32, #tpu.memory_space<vmem>>, vector<8x256xf32>
      %sub3A_1829 = vector.broadcast %scan3A_46 : vector<8x1xf32> to vector<8x256xf32>
      %sub3A_1830 = arith.subf %get3A_1814, %sub3A_1829 : vector<8x256xf32>
      %sub3A_1831 = vector.broadcast %scan3A_47 : vector<8x1xf32> to vector<8x256xf32>
      %sub3A_1832 = arith.subf %get3A_1821, %sub3A_1831 : vector<8x256xf32>
      %sub3A_1833 = vector.broadcast %scan3A_48 : vector<8x1xf32> to vector<8x256xf32>
      %sub3A_1834 = arith.subf %get3A_1828, %sub3A_1833 : vector<8x256xf32>
      %mul3A_1835 = arith.mulf %sub3A_1830, %sub3A_1830 : vector<8x256xf32>
      %mul3A_1836 = arith.mulf %sub3A_1832, %sub3A_1832 : vector<8x256xf32>
      %add3A_1837 = arith.addf %mul3A_1835, %mul3A_1836 : vector<8x256xf32>
      %mul3A_1838 = arith.mulf %sub3A_1834, %sub3A_1834 : vector<8x256xf32>
      %add3A_1839 = arith.addf %add3A_1837, %mul3A_1838 : vector<8x256xf32>
      %get3A_1840 = arith.constant 0 : index
      %get3A_1841 = arith.constant 9216 : index
      %get3A_1842 = vector.load %arg5[%get3A_1840, %get3A_1841] : memref<8x16384xf32, #tpu.memory_space<vmem>>, vector<8x256xf32>
      %min3A_1843 = arith.minimumf %get3A_1842, %add3A_1839 : vector<8x256xf32>
      %swap3A_1844 = arith.constant 0 : index
      %swap3A_1845 = arith.constant 9216 : index
      %swap3A_1846 = vector.load %arg5[%swap3A_1844, %swap3A_1845] : memref<8x16384xf32, #tpu.memory_space<vmem>>, vector<8x256xf32>
      tpu.vector_store %arg5[%swap3A_1844, %swap3A_1845], %min3A_1843 {strides = array<i32>} : memref<8x16384xf32, #tpu.memory_space<vmem>>, vector<8x256xf32>,
      %gt3A_1847 = arith.cmpf ogt, %min3A_1843, %select_n3A_1800 : vector<8x256xf32>
      %select_n3A_1848 = arith.select %gt3A_1847, %min3A_1843, %select_n3A_1800 : vector<8x256xi1>, vector<8x256xf32>
      %get3A_1849 = arith.constant 0 : index
      %get3A_1850 = arith.constant 9216 : index
      %get3A_1851 = vector.load %arg6[%get3A_1849, %get3A_1850] : memref<8x16384xf32, #tpu.memory_space<vmem>>, vector<8x256xf32>
      %select_n3A_1852 = arith.select %gt3A_1847, %get3A_1851, %select_n3A_1804 : vector<8x256xi1>, vector<8x256xf32>
      %select_n3A_1853 = arith.select %gt3A_1847, %get3A_1814, %select_n3A_1805 : vector<8x256xi1>, vector<8x256xf32>
      %select_n3A_1854 = arith.select %gt3A_1847, %get3A_1821, %select_n3A_1806 : vector<8x256xi1>, vector<8x256xf32>
      %select_n3A_1855 = arith.select %gt3A_1847, %get3A_1828, %select_n3A_1807 : vector<8x256xi1>, vector<8x256xf32>
      %get3A_1856 = arith.constant 0 : i32
      %get3A_1857 = arith.constant 0 : i32
      %get3A_1858 = tpu.memref_slice %arg0[%scan3A, %get3A_1856, %get3A_1857] : memref<3x8x16384xf32, #tpu.memory_space<vmem>> -> memref<1x8x16384xf32, #tpu.memory_space<vmem>>
      %get3A_1859 = tpu.memref_squeeze %get3A_1858 : memref<1x8x16384xf32, #tpu.memory_space<vmem>> -> memref<8x16384xf32, #tpu.memory_space<vmem>>
      %get3A_1860 = arith.constant 0 : index
      %get3A_1861 = arith.constant 9472 : index
      %get3A_1862 = vector.load %get3A_1859[%get3A_1860, %get3A_1861] : memref<8x16384xf32, #tpu.memory_space<vmem>>, vector<8x256xf32>
      %get3A_1863 = arith.constant 0 : i32
      %get3A_1864 = arith.constant 0 : i32
      %get3A_1865 = tpu.memref_slice %arg0[%scan3A_36, %get3A_1863, %get3A_1864] : memref<3x8x16384xf32, #tpu.memory_space<vmem>> -> memref<1x8x16384xf32, #tpu.memory_space<vmem>>
      %get3A_1866 = tpu.memref_squeeze %get3A_1865 : memref<1x8x16384xf32, #tpu.memory_space<vmem>> -> memref<8x16384xf32, #tpu.memory_space<vmem>>
      %get3A_1867 = arith.constant 0 : index
      %get3A_1868 = arith.constant 9472 : index
      %get3A_1869 = vector.load %get3A_1866[%get3A_1867, %get3A_1868] : memref<8x16384xf32, #tpu.memory_space<vmem>>, vector<8x256xf32>
      %get3A_1870 = arith.constant 0 : i32
      %get3A_1871 = arith.constant 0 : i32
      %get3A_1872 = tpu.memref_slice %arg0[%scan3A_37, %get3A_1870, %get3A_1871] : memref<3x8x16384xf32, #tpu.memory_space<vmem>> -> memref<1x8x16384xf32, #tpu.memory_space<vmem>>
      %get3A_1873 = tpu.memref_squeeze %get3A_1872 : memref<1x8x16384xf32, #tpu.memory_space<vmem>> -> memref<8x16384xf32, #tpu.memory_space<vmem>>
      %get3A_1874 = arith.constant 0 : index
      %get3A_1875 = arith.constant 9472 : index
      %get3A_1876 = vector.load %get3A_1873[%get3A_1874, %get3A_1875] : memref<8x16384xf32, #tpu.memory_space<vmem>>, vector<8x256xf32>
      %sub3A_1877 = vector.broadcast %scan3A_46 : vector<8x1xf32> to vector<8x256xf32>
      %sub3A_1878 = arith.subf %get3A_1862, %sub3A_1877 : vector<8x256xf32>
      %sub3A_1879 = vector.broadcast %scan3A_47 : vector<8x1xf32> to vector<8x256xf32>
      %sub3A_1880 = arith.subf %get3A_1869, %sub3A_1879 : vector<8x256xf32>
      %sub3A_1881 = vector.broadcast %scan3A_48 : vector<8x1xf32> to vector<8x256xf32>
      %sub3A_1882 = arith.subf %get3A_1876, %sub3A_1881 : vector<8x256xf32>
      %mul3A_1883 = arith.mulf %sub3A_1878, %sub3A_1878 : vector<8x256xf32>
      %mul3A_1884 = arith.mulf %sub3A_1880, %sub3A_1880 : vector<8x256xf32>
      %add3A_1885 = arith.addf %mul3A_1883, %mul3A_1884 : vector<8x256xf32>
      %mul3A_1886 = arith.mulf %sub3A_1882, %sub3A_1882 : vector<8x256xf32>
      %add3A_1887 = arith.addf %add3A_1885, %mul3A_1886 : vector<8x256xf32>
      %get3A_1888 = arith.constant 0 : index
      %get3A_1889 = arith.constant 9472 : index
      %get3A_1890 = vector.load %arg5[%get3A_1888, %get3A_1889] : memref<8x16384xf32, #tpu.memory_space<vmem>>, vector<8x256xf32>
      %min3A_1891 = arith.minimumf %get3A_1890, %add3A_1887 : vector<8x256xf32>
      %swap3A_1892 = arith.constant 0 : index
      %swap3A_1893 = arith.constant 9472 : index
      %swap3A_1894 = vector.load %arg5[%swap3A_1892, %swap3A_1893] : memref<8x16384xf32, #tpu.memory_space<vmem>>, vector<8x256xf32>
      tpu.vector_store %arg5[%swap3A_1892, %swap3A_1893], %min3A_1891 {strides = array<i32>} : memref<8x16384xf32, #tpu.memory_space<vmem>>, vector<8x256xf32>,
      %gt3A_1895 = arith.cmpf ogt, %min3A_1891, %select_n3A_1848 : vector<8x256xf32>
      %select_n3A_1896 = arith.select %gt3A_1895, %min3A_1891, %select_n3A_1848 : vector<8x256xi1>, vector<8x256xf32>
      %get3A_1897 = arith.constant 0 : index
      %get3A_1898 = arith.constant 9472 : index
      %get3A_1899 = vector.load %arg6[%get3A_1897, %get3A_1898] : memref<8x16384xf32, #tpu.memory_space<vmem>>, vector<8x256xf32>
      %select_n3A_1900 = arith.select %gt3A_1895, %get3A_1899, %select_n3A_1852 : vector<8x256xi1>, vector<8x256xf32>
      %select_n3A_1901 = arith.select %gt3A_1895, %get3A_1862, %select_n3A_1853 : vector<8x256xi1>, vector<8x256xf32>
      %select_n3A_1902 = arith.select %gt3A_1895, %get3A_1869, %select_n3A_1854 : vector<8x256xi1>, vector<8x256xf32>
      %select_n3A_1903 = arith.select %gt3A_1895, %get3A_1876, %select_n3A_1855 : vector<8x256xi1>, vector<8x256xf32>
      %get3A_1904 = arith.constant 0 : i32
      %get3A_1905 = arith.constant 0 : i32
      %get3A_1906 = tpu.memref_slice %arg0[%scan3A, %get3A_1904, %get3A_1905] : memref<3x8x16384xf32, #tpu.memory_space<vmem>> -> memref<1x8x16384xf32, #tpu.memory_space<vmem>>
      %get3A_1907 = tpu.memref_squeeze %get3A_1906 : memref<1x8x16384xf32, #tpu.memory_space<vmem>> -> memref<8x16384xf32, #tpu.memory_space<vmem>>
      %get3A_1908 = arith.constant 0 : index
      %get3A_1909 = arith.constant 9728 : index
      %get3A_1910 = vector.load %get3A_1907[%get3A_1908, %get3A_1909] : memref<8x16384xf32, #tpu.memory_space<vmem>>, vector<8x256xf32>
      %get3A_1911 = arith.constant 0 : i32
      %get3A_1912 = arith.constant 0 : i32
      %get3A_1913 = tpu.memref_slice %arg0[%scan3A_36, %get3A_1911, %get3A_1912] : memref<3x8x16384xf32, #tpu.memory_space<vmem>> -> memref<1x8x16384xf32, #tpu.memory_space<vmem>>
      %get3A_1914 = tpu.memref_squeeze %get3A_1913 : memref<1x8x16384xf32, #tpu.memory_space<vmem>> -> memref<8x16384xf32, #tpu.memory_space<vmem>>
      %get3A_1915 = arith.constant 0 : index
      %get3A_1916 = arith.constant 9728 : index
      %get3A_1917 = vector.load %get3A_1914[%get3A_1915, %get3A_1916] : memref<8x16384xf32, #tpu.memory_space<vmem>>, vector<8x256xf32>
      %get3A_1918 = arith.constant 0 : i32
      %get3A_1919 = arith.constant 0 : i32
      %get3A_1920 = tpu.memref_slice %arg0[%scan3A_37, %get3A_1918, %get3A_1919] : memref<3x8x16384xf32, #tpu.memory_space<vmem>> -> memref<1x8x16384xf32, #tpu.memory_space<vmem>>
      %get3A_1921 = tpu.memref_squeeze %get3A_1920 : memref<1x8x16384xf32, #tpu.memory_space<vmem>> -> memref<8x16384xf32, #tpu.memory_space<vmem>>
      %get3A_1922 = arith.constant 0 : index
      %get3A_1923 = arith.constant 9728 : index
      %get3A_1924 = vector.load %get3A_1921[%get3A_1922, %get3A_1923] : memref<8x16384xf32, #tpu.memory_space<vmem>>, vector<8x256xf32>
      %sub3A_1925 = vector.broadcast %scan3A_46 : vector<8x1xf32> to vector<8x256xf32>
      %sub3A_1926 = arith.subf %get3A_1910, %sub3A_1925 : vector<8x256xf32>
      %sub3A_1927 = vector.broadcast %scan3A_47 : vector<8x1xf32> to vector<8x256xf32>
      %sub3A_1928 = arith.subf %get3A_1917, %sub3A_1927 : vector<8x256xf32>
      %sub3A_1929 = vector.broadcast %scan3A_48 : vector<8x1xf32> to vector<8x256xf32>
      %sub3A_1930 = arith.subf %get3A_1924, %sub3A_1929 : vector<8x256xf32>
      %mul3A_1931 = arith.mulf %sub3A_1926, %sub3A_1926 : vector<8x256xf32>
      %mul3A_1932 = arith.mulf %sub3A_1928, %sub3A_1928 : vector<8x256xf32>
      %add3A_1933 = arith.addf %mul3A_1931, %mul3A_1932 : vector<8x256xf32>
      %mul3A_1934 = arith.mulf %sub3A_1930, %sub3A_1930 : vector<8x256xf32>
      %add3A_1935 = arith.addf %add3A_1933, %mul3A_1934 : vector<8x256xf32>
      %get3A_1936 = arith.constant 0 : index
      %get3A_1937 = arith.constant 9728 : index
      %get3A_1938 = vector.load %arg5[%get3A_1936, %get3A_1937] : memref<8x16384xf32, #tpu.memory_space<vmem>>, vector<8x256xf32>
      %min3A_1939 = arith.minimumf %get3A_1938, %add3A_1935 : vector<8x256xf32>
      %swap3A_1940 = arith.constant 0 : index
      %swap3A_1941 = arith.constant 9728 : index
      %swap3A_1942 = vector.load %arg5[%swap3A_1940, %swap3A_1941] : memref<8x16384xf32, #tpu.memory_space<vmem>>, vector<8x256xf32>
      tpu.vector_store %arg5[%swap3A_1940, %swap3A_1941], %min3A_1939 {strides = array<i32>} : memref<8x16384xf32, #tpu.memory_space<vmem>>, vector<8x256xf32>,
      %gt3A_1943 = arith.cmpf ogt, %min3A_1939, %select_n3A_1896 : vector<8x256xf32>
      %select_n3A_1944 = arith.select %gt3A_1943, %min3A_1939, %select_n3A_1896 : vector<8x256xi1>, vector<8x256xf32>
      %get3A_1945 = arith.constant 0 : index
      %get3A_1946 = arith.constant 9728 : index
      %get3A_1947 = vector.load %arg6[%get3A_1945, %get3A_1946] : memref<8x16384xf32, #tpu.memory_space<vmem>>, vector<8x256xf32>
      %select_n3A_1948 = arith.select %gt3A_1943, %get3A_1947, %select_n3A_1900 : vector<8x256xi1>, vector<8x256xf32>
      %select_n3A_1949 = arith.select %gt3A_1943, %get3A_1910, %select_n3A_1901 : vector<8x256xi1>, vector<8x256xf32>
      %select_n3A_1950 = arith.select %gt3A_1943, %get3A_1917, %select_n3A_1902 : vector<8x256xi1>, vector<8x256xf32>
      %select_n3A_1951 = arith.select %gt3A_1943, %get3A_1924, %select_n3A_1903 : vector<8x256xi1>, vector<8x256xf32>
      %get3A_1952 = arith.constant 0 : i32
      %get3A_1953 = arith.constant 0 : i32
      %get3A_1954 = tpu.memref_slice %arg0[%scan3A, %get3A_1952, %get3A_1953] : memref<3x8x16384xf32, #tpu.memory_space<vmem>> -> memref<1x8x16384xf32, #tpu.memory_space<vmem>>
      %get3A_1955 = tpu.memref_squeeze %get3A_1954 : memref<1x8x16384xf32, #tpu.memory_space<vmem>> -> memref<8x16384xf32, #tpu.memory_space<vmem>>
      %get3A_1956 = arith.constant 0 : index
      %get3A_1957 = arith.constant 9984 : index
      %get3A_1958 = vector.load %get3A_1955[%get3A_1956, %get3A_1957] : memref<8x16384xf32, #tpu.memory_space<vmem>>, vector<8x256xf32>
      %get3A_1959 = arith.constant 0 : i32
      %get3A_1960 = arith.constant 0 : i32
      %get3A_1961 = tpu.memref_slice %arg0[%scan3A_36, %get3A_1959, %get3A_1960] : memref<3x8x16384xf32, #tpu.memory_space<vmem>> -> memref<1x8x16384xf32, #tpu.memory_space<vmem>>
      %get3A_1962 = tpu.memref_squeeze %get3A_1961 : memref<1x8x16384xf32, #tpu.memory_space<vmem>> -> memref<8x16384xf32, #tpu.memory_space<vmem>>
      %get3A_1963 = arith.constant 0 : index
      %get3A_1964 = arith.constant 9984 : index
      %get3A_1965 = vector.load %get3A_1962[%get3A_1963, %get3A_1964] : memref<8x16384xf32, #tpu.memory_space<vmem>>, vector<8x256xf32>
      %get3A_1966 = arith.constant 0 : i32
      %get3A_1967 = arith.constant 0 : i32
      %get3A_1968 = tpu.memref_slice %arg0[%scan3A_37, %get3A_1966, %get3A_1967] : memref<3x8x16384xf32, #tpu.memory_space<vmem>> -> memref<1x8x16384xf32, #tpu.memory_space<vmem>>
      %get3A_1969 = tpu.memref_squeeze %get3A_1968 : memref<1x8x16384xf32, #tpu.memory_space<vmem>> -> memref<8x16384xf32, #tpu.memory_space<vmem>>
      %get3A_1970 = arith.constant 0 : index
      %get3A_1971 = arith.constant 9984 : index
      %get3A_1972 = vector.load %get3A_1969[%get3A_1970, %get3A_1971] : memref<8x16384xf32, #tpu.memory_space<vmem>>, vector<8x256xf32>
      %sub3A_1973 = vector.broadcast %scan3A_46 : vector<8x1xf32> to vector<8x256xf32>
      %sub3A_1974 = arith.subf %get3A_1958, %sub3A_1973 : vector<8x256xf32>
      %sub3A_1975 = vector.broadcast %scan3A_47 : vector<8x1xf32> to vector<8x256xf32>
      %sub3A_1976 = arith.subf %get3A_1965, %sub3A_1975 : vector<8x256xf32>
      %sub3A_1977 = vector.broadcast %scan3A_48 : vector<8x1xf32> to vector<8x256xf32>
      %sub3A_1978 = arith.subf %get3A_1972, %sub3A_1977 : vector<8x256xf32>
      %mul3A_1979 = arith.mulf %sub3A_1974, %sub3A_1974 : vector<8x256xf32>
      %mul3A_1980 = arith.mulf %sub3A_1976, %sub3A_1976 : vector<8x256xf32>
      %add3A_1981 = arith.addf %mul3A_1979, %mul3A_1980 : vector<8x256xf32>
      %mul3A_1982 = arith.mulf %sub3A_1978, %sub3A_1978 : vector<8x256xf32>
      %add3A_1983 = arith.addf %add3A_1981, %mul3A_1982 : vector<8x256xf32>
      %get3A_1984 = arith.constant 0 : index
      %get3A_1985 = arith.constant 9984 : index
      %get3A_1986 = vector.load %arg5[%get3A_1984, %get3A_1985] : memref<8x16384xf32, #tpu.memory_space<vmem>>, vector<8x256xf32>
      %min3A_1987 = arith.minimumf %get3A_1986, %add3A_1983 : vector<8x256xf32>
      %swap3A_1988 = arith.constant 0 : index
      %swap3A_1989 = arith.constant 9984 : index
      %swap3A_1990 = vector.load %arg5[%swap3A_1988, %swap3A_1989] : memref<8x16384xf32, #tpu.memory_space<vmem>>, vector<8x256xf32>
      tpu.vector_store %arg5[%swap3A_1988, %swap3A_1989], %min3A_1987 {strides = array<i32>} : memref<8x16384xf32, #tpu.memory_space<vmem>>, vector<8x256xf32>,
      %gt3A_1991 = arith.cmpf ogt, %min3A_1987, %select_n3A_1944 : vector<8x256xf32>
      %select_n3A_1992 = arith.select %gt3A_1991, %min3A_1987, %select_n3A_1944 : vector<8x256xi1>, vector<8x256xf32>
      %get3A_1993 = arith.constant 0 : index
      %get3A_1994 = arith.constant 9984 : index
      %get3A_1995 = vector.load %arg6[%get3A_1993, %get3A_1994] : memref<8x16384xf32, #tpu.memory_space<vmem>>, vector<8x256xf32>
      %select_n3A_1996 = arith.select %gt3A_1991, %get3A_1995, %select_n3A_1948 : vector<8x256xi1>, vector<8x256xf32>
      %select_n3A_1997 = arith.select %gt3A_1991, %get3A_1958, %select_n3A_1949 : vector<8x256xi1>, vector<8x256xf32>
      %select_n3A_1998 = arith.select %gt3A_1991, %get3A_1965, %select_n3A_1950 : vector<8x256xi1>, vector<8x256xf32>
      %select_n3A_1999 = arith.select %gt3A_1991, %get3A_1972, %select_n3A_1951 : vector<8x256xi1>, vector<8x256xf32>
      %get3A_2000 = arith.constant 0 : i32
      %get3A_2001 = arith.constant 0 : i32
      %get3A_2002 = tpu.memref_slice %arg0[%scan3A, %get3A_2000, %get3A_2001] : memref<3x8x16384xf32, #tpu.memory_space<vmem>> -> memref<1x8x16384xf32, #tpu.memory_space<vmem>>
      %get3A_2003 = tpu.memref_squeeze %get3A_2002 : memref<1x8x16384xf32, #tpu.memory_space<vmem>> -> memref<8x16384xf32, #tpu.memory_space<vmem>>
      %get3A_2004 = arith.constant 0 : index
      %get3A_2005 = arith.constant 10240 : index
      %get3A_2006 = vector.load %get3A_2003[%get3A_2004, %get3A_2005] : memref<8x16384xf32, #tpu.memory_space<vmem>>, vector<8x256xf32>
      %get3A_2007 = arith.constant 0 : i32
      %get3A_2008 = arith.constant 0 : i32
      %get3A_2009 = tpu.memref_slice %arg0[%scan3A_36, %get3A_2007, %get3A_2008] : memref<3x8x16384xf32, #tpu.memory_space<vmem>> -> memref<1x8x16384xf32, #tpu.memory_space<vmem>>
      %get3A_2010 = tpu.memref_squeeze %get3A_2009 : memref<1x8x16384xf32, #tpu.memory_space<vmem>> -> memref<8x16384xf32, #tpu.memory_space<vmem>>
      %get3A_2011 = arith.constant 0 : index
      %get3A_2012 = arith.constant 10240 : index
      %get3A_2013 = vector.load %get3A_2010[%get3A_2011, %get3A_2012] : memref<8x16384xf32, #tpu.memory_space<vmem>>, vector<8x256xf32>
      %get3A_2014 = arith.constant 0 : i32
      %get3A_2015 = arith.constant 0 : i32
      %get3A_2016 = tpu.memref_slice %arg0[%scan3A_37, %get3A_2014, %get3A_2015] : memref<3x8x16384xf32, #tpu.memory_space<vmem>> -> memref<1x8x16384xf32, #tpu.memory_space<vmem>>
      %get3A_2017 = tpu.memref_squeeze %get3A_2016 : memref<1x8x16384xf32, #tpu.memory_space<vmem>> -> memref<8x16384xf32, #tpu.memory_space<vmem>>
      %get3A_2018 = arith.constant 0 : index
      %get3A_2019 = arith.constant 10240 : index
      %get3A_2020 = vector.load %get3A_2017[%get3A_2018, %get3A_2019] : memref<8x16384xf32, #tpu.memory_space<vmem>>, vector<8x256xf32>
      %sub3A_2021 = vector.broadcast %scan3A_46 : vector<8x1xf32> to vector<8x256xf32>
      %sub3A_2022 = arith.subf %get3A_2006, %sub3A_2021 : vector<8x256xf32>
      %sub3A_2023 = vector.broadcast %scan3A_47 : vector<8x1xf32> to vector<8x256xf32>
      %sub3A_2024 = arith.subf %get3A_2013, %sub3A_2023 : vector<8x256xf32>
      %sub3A_2025 = vector.broadcast %scan3A_48 : vector<8x1xf32> to vector<8x256xf32>
      %sub3A_2026 = arith.subf %get3A_2020, %sub3A_2025 : vector<8x256xf32>
      %mul3A_2027 = arith.mulf %sub3A_2022, %sub3A_2022 : vector<8x256xf32>
      %mul3A_2028 = arith.mulf %sub3A_2024, %sub3A_2024 : vector<8x256xf32>
      %add3A_2029 = arith.addf %mul3A_2027, %mul3A_2028 : vector<8x256xf32>
      %mul3A_2030 = arith.mulf %sub3A_2026, %sub3A_2026 : vector<8x256xf32>
      %add3A_2031 = arith.addf %add3A_2029, %mul3A_2030 : vector<8x256xf32>
      %get3A_2032 = arith.constant 0 : index
      %get3A_2033 = arith.constant 10240 : index
      %get3A_2034 = vector.load %arg5[%get3A_2032, %get3A_2033] : memref<8x16384xf32, #tpu.memory_space<vmem>>, vector<8x256xf32>
      %min3A_2035 = arith.minimumf %get3A_2034, %add3A_2031 : vector<8x256xf32>
      %swap3A_2036 = arith.constant 0 : index
      %swap3A_2037 = arith.constant 10240 : index
      %swap3A_2038 = vector.load %arg5[%swap3A_2036, %swap3A_2037] : memref<8x16384xf32, #tpu.memory_space<vmem>>, vector<8x256xf32>
      tpu.vector_store %arg5[%swap3A_2036, %swap3A_2037], %min3A_2035 {strides = array<i32>} : memref<8x16384xf32, #tpu.memory_space<vmem>>, vector<8x256xf32>,
      %gt3A_2039 = arith.cmpf ogt, %min3A_2035, %select_n3A_1992 : vector<8x256xf32>
      %select_n3A_2040 = arith.select %gt3A_2039, %min3A_2035, %select_n3A_1992 : vector<8x256xi1>, vector<8x256xf32>
      %get3A_2041 = arith.constant 0 : index
      %get3A_2042 = arith.constant 10240 : index
      %get3A_2043 = vector.load %arg6[%get3A_2041, %get3A_2042] : memref<8x16384xf32, #tpu.memory_space<vmem>>, vector<8x256xf32>
      %select_n3A_2044 = arith.select %gt3A_2039, %get3A_2043, %select_n3A_1996 : vector<8x256xi1>, vector<8x256xf32>
      %select_n3A_2045 = arith.select %gt3A_2039, %get3A_2006, %select_n3A_1997 : vector<8x256xi1>, vector<8x256xf32>
      %select_n3A_2046 = arith.select %gt3A_2039, %get3A_2013, %select_n3A_1998 : vector<8x256xi1>, vector<8x256xf32>
      %select_n3A_2047 = arith.select %gt3A_2039, %get3A_2020, %select_n3A_1999 : vector<8x256xi1>, vector<8x256xf32>
      %get3A_2048 = arith.constant 0 : i32
      %get3A_2049 = arith.constant 0 : i32
      %get3A_2050 = tpu.memref_slice %arg0[%scan3A, %get3A_2048, %get3A_2049] : memref<3x8x16384xf32, #tpu.memory_space<vmem>> -> memref<1x8x16384xf32, #tpu.memory_space<vmem>>
      %get3A_2051 = tpu.memref_squeeze %get3A_2050 : memref<1x8x16384xf32, #tpu.memory_space<vmem>> -> memref<8x16384xf32, #tpu.memory_space<vmem>>
      %get3A_2052 = arith.constant 0 : index
      %get3A_2053 = arith.constant 10496 : index
      %get3A_2054 = vector.load %get3A_2051[%get3A_2052, %get3A_2053] : memref<8x16384xf32, #tpu.memory_space<vmem>>, vector<8x256xf32>
      %get3A_2055 = arith.constant 0 : i32
      %get3A_2056 = arith.constant 0 : i32
      %get3A_2057 = tpu.memref_slice %arg0[%scan3A_36, %get3A_2055, %get3A_2056] : memref<3x8x16384xf32, #tpu.memory_space<vmem>> -> memref<1x8x16384xf32, #tpu.memory_space<vmem>>
      %get3A_2058 = tpu.memref_squeeze %get3A_2057 : memref<1x8x16384xf32, #tpu.memory_space<vmem>> -> memref<8x16384xf32, #tpu.memory_space<vmem>>
      %get3A_2059 = arith.constant 0 : index
      %get3A_2060 = arith.constant 10496 : index
      %get3A_2061 = vector.load %get3A_2058[%get3A_2059, %get3A_2060] : memref<8x16384xf32, #tpu.memory_space<vmem>>, vector<8x256xf32>
      %get3A_2062 = arith.constant 0 : i32
      %get3A_2063 = arith.constant 0 : i32
      %get3A_2064 = tpu.memref_slice %arg0[%scan3A_37, %get3A_2062, %get3A_2063] : memref<3x8x16384xf32, #tpu.memory_space<vmem>> -> memref<1x8x16384xf32, #tpu.memory_space<vmem>>
      %get3A_2065 = tpu.memref_squeeze %get3A_2064 : memref<1x8x16384xf32, #tpu.memory_space<vmem>> -> memref<8x16384xf32, #tpu.memory_space<vmem>>
      %get3A_2066 = arith.constant 0 : index
      %get3A_2067 = arith.constant 10496 : index
      %get3A_2068 = vector.load %get3A_2065[%get3A_2066, %get3A_2067] : memref<8x16384xf32, #tpu.memory_space<vmem>>, vector<8x256xf32>
      %sub3A_2069 = vector.broadcast %scan3A_46 : vector<8x1xf32> to vector<8x256xf32>
      %sub3A_2070 = arith.subf %get3A_2054, %sub3A_2069 : vector<8x256xf32>
      %sub3A_2071 = vector.broadcast %scan3A_47 : vector<8x1xf32> to vector<8x256xf32>
      %sub3A_2072 = arith.subf %get3A_2061, %sub3A_2071 : vector<8x256xf32>
      %sub3A_2073 = vector.broadcast %scan3A_48 : vector<8x1xf32> to vector<8x256xf32>
      %sub3A_2074 = arith.subf %get3A_2068, %sub3A_2073 : vector<8x256xf32>
      %mul3A_2075 = arith.mulf %sub3A_2070, %sub3A_2070 : vector<8x256xf32>
      %mul3A_2076 = arith.mulf %sub3A_2072, %sub3A_2072 : vector<8x256xf32>
      %add3A_2077 = arith.addf %mul3A_2075, %mul3A_2076 : vector<8x256xf32>
      %mul3A_2078 = arith.mulf %sub3A_2074, %sub3A_2074 : vector<8x256xf32>
      %add3A_2079 = arith.addf %add3A_2077, %mul3A_2078 : vector<8x256xf32>
      %get3A_2080 = arith.constant 0 : index
      %get3A_2081 = arith.constant 10496 : index
      %get3A_2082 = vector.load %arg5[%get3A_2080, %get3A_2081] : memref<8x16384xf32, #tpu.memory_space<vmem>>, vector<8x256xf32>
      %min3A_2083 = arith.minimumf %get3A_2082, %add3A_2079 : vector<8x256xf32>
      %swap3A_2084 = arith.constant 0 : index
      %swap3A_2085 = arith.constant 10496 : index
      %swap3A_2086 = vector.load %arg5[%swap3A_2084, %swap3A_2085] : memref<8x16384xf32, #tpu.memory_space<vmem>>, vector<8x256xf32>
      tpu.vector_store %arg5[%swap3A_2084, %swap3A_2085], %min3A_2083 {strides = array<i32>} : memref<8x16384xf32, #tpu.memory_space<vmem>>, vector<8x256xf32>,
      %gt3A_2087 = arith.cmpf ogt, %min3A_2083, %select_n3A_2040 : vector<8x256xf32>
      %select_n3A_2088 = arith.select %gt3A_2087, %min3A_2083, %select_n3A_2040 : vector<8x256xi1>, vector<8x256xf32>
      %get3A_2089 = arith.constant 0 : index
      %get3A_2090 = arith.constant 10496 : index
      %get3A_2091 = vector.load %arg6[%get3A_2089, %get3A_2090] : memref<8x16384xf32, #tpu.memory_space<vmem>>, vector<8x256xf32>
      %select_n3A_2092 = arith.select %gt3A_2087, %get3A_2091, %select_n3A_2044 : vector<8x256xi1>, vector<8x256xf32>
      %select_n3A_2093 = arith.select %gt3A_2087, %get3A_2054, %select_n3A_2045 : vector<8x256xi1>, vector<8x256xf32>
      %select_n3A_2094 = arith.select %gt3A_2087, %get3A_2061, %select_n3A_2046 : vector<8x256xi1>, vector<8x256xf32>
      %select_n3A_2095 = arith.select %gt3A_2087, %get3A_2068, %select_n3A_2047 : vector<8x256xi1>, vector<8x256xf32>
      %get3A_2096 = arith.constant 0 : i32
      %get3A_2097 = arith.constant 0 : i32
      %get3A_2098 = tpu.memref_slice %arg0[%scan3A, %get3A_2096, %get3A_2097] : memref<3x8x16384xf32, #tpu.memory_space<vmem>> -> memref<1x8x16384xf32, #tpu.memory_space<vmem>>
      %get3A_2099 = tpu.memref_squeeze %get3A_2098 : memref<1x8x16384xf32, #tpu.memory_space<vmem>> -> memref<8x16384xf32, #tpu.memory_space<vmem>>
      %get3A_2100 = arith.constant 0 : index
      %get3A_2101 = arith.constant 10752 : index
      %get3A_2102 = vector.load %get3A_2099[%get3A_2100, %get3A_2101] : memref<8x16384xf32, #tpu.memory_space<vmem>>, vector<8x256xf32>
      %get3A_2103 = arith.constant 0 : i32
      %get3A_2104 = arith.constant 0 : i32
      %get3A_2105 = tpu.memref_slice %arg0[%scan3A_36, %get3A_2103, %get3A_2104] : memref<3x8x16384xf32, #tpu.memory_space<vmem>> -> memref<1x8x16384xf32, #tpu.memory_space<vmem>>
      %get3A_2106 = tpu.memref_squeeze %get3A_2105 : memref<1x8x16384xf32, #tpu.memory_space<vmem>> -> memref<8x16384xf32, #tpu.memory_space<vmem>>
      %get3A_2107 = arith.constant 0 : index
      %get3A_2108 = arith.constant 10752 : index
      %get3A_2109 = vector.load %get3A_2106[%get3A_2107, %get3A_2108] : memref<8x16384xf32, #tpu.memory_space<vmem>>, vector<8x256xf32>
      %get3A_2110 = arith.constant 0 : i32
      %get3A_2111 = arith.constant 0 : i32
      %get3A_2112 = tpu.memref_slice %arg0[%scan3A_37, %get3A_2110, %get3A_2111] : memref<3x8x16384xf32, #tpu.memory_space<vmem>> -> memref<1x8x16384xf32, #tpu.memory_space<vmem>>
      %get3A_2113 = tpu.memref_squeeze %get3A_2112 : memref<1x8x16384xf32, #tpu.memory_space<vmem>> -> memref<8x16384xf32, #tpu.memory_space<vmem>>
      %get3A_2114 = arith.constant 0 : index
      %get3A_2115 = arith.constant 10752 : index
      %get3A_2116 = vector.load %get3A_2113[%get3A_2114, %get3A_2115] : memref<8x16384xf32, #tpu.memory_space<vmem>>, vector<8x256xf32>
      %sub3A_2117 = vector.broadcast %scan3A_46 : vector<8x1xf32> to vector<8x256xf32>
      %sub3A_2118 = arith.subf %get3A_2102, %sub3A_2117 : vector<8x256xf32>
      %sub3A_2119 = vector.broadcast %scan3A_47 : vector<8x1xf32> to vector<8x256xf32>
      %sub3A_2120 = arith.subf %get3A_2109, %sub3A_2119 : vector<8x256xf32>
      %sub3A_2121 = vector.broadcast %scan3A_48 : vector<8x1xf32> to vector<8x256xf32>
      %sub3A_2122 = arith.subf %get3A_2116, %sub3A_2121 : vector<8x256xf32>
      %mul3A_2123 = arith.mulf %sub3A_2118, %sub3A_2118 : vector<8x256xf32>
      %mul3A_2124 = arith.mulf %sub3A_2120, %sub3A_2120 : vector<8x256xf32>
      %add3A_2125 = arith.addf %mul3A_2123, %mul3A_2124 : vector<8x256xf32>
      %mul3A_2126 = arith.mulf %sub3A_2122, %sub3A_2122 : vector<8x256xf32>
      %add3A_2127 = arith.addf %add3A_2125, %mul3A_2126 : vector<8x256xf32>
      %get3A_2128 = arith.constant 0 : index
      %get3A_2129 = arith.constant 10752 : index
      %get3A_2130 = vector.load %arg5[%get3A_2128, %get3A_2129] : memref<8x16384xf32, #tpu.memory_space<vmem>>, vector<8x256xf32>
      %min3A_2131 = arith.minimumf %get3A_2130, %add3A_2127 : vector<8x256xf32>
      %swap3A_2132 = arith.constant 0 : index
      %swap3A_2133 = arith.constant 10752 : index
      %swap3A_2134 = vector.load %arg5[%swap3A_2132, %swap3A_2133] : memref<8x16384xf32, #tpu.memory_space<vmem>>, vector<8x256xf32>
      tpu.vector_store %arg5[%swap3A_2132, %swap3A_2133], %min3A_2131 {strides = array<i32>} : memref<8x16384xf32, #tpu.memory_space<vmem>>, vector<8x256xf32>,
      %gt3A_2135 = arith.cmpf ogt, %min3A_2131, %select_n3A_2088 : vector<8x256xf32>
      %select_n3A_2136 = arith.select %gt3A_2135, %min3A_2131, %select_n3A_2088 : vector<8x256xi1>, vector<8x256xf32>
      %get3A_2137 = arith.constant 0 : index
      %get3A_2138 = arith.constant 10752 : index
      %get3A_2139 = vector.load %arg6[%get3A_2137, %get3A_2138] : memref<8x16384xf32, #tpu.memory_space<vmem>>, vector<8x256xf32>
      %select_n3A_2140 = arith.select %gt3A_2135, %get3A_2139, %select_n3A_2092 : vector<8x256xi1>, vector<8x256xf32>
      %select_n3A_2141 = arith.select %gt3A_2135, %get3A_2102, %select_n3A_2093 : vector<8x256xi1>, vector<8x256xf32>
      %select_n3A_2142 = arith.select %gt3A_2135, %get3A_2109, %select_n3A_2094 : vector<8x256xi1>, vector<8x256xf32>
      %select_n3A_2143 = arith.select %gt3A_2135, %get3A_2116, %select_n3A_2095 : vector<8x256xi1>, vector<8x256xf32>
      %get3A_2144 = arith.constant 0 : i32
      %get3A_2145 = arith.constant 0 : i32
      %get3A_2146 = tpu.memref_slice %arg0[%scan3A, %get3A_2144, %get3A_2145] : memref<3x8x16384xf32, #tpu.memory_space<vmem>> -> memref<1x8x16384xf32, #tpu.memory_space<vmem>>
      %get3A_2147 = tpu.memref_squeeze %get3A_2146 : memref<1x8x16384xf32, #tpu.memory_space<vmem>> -> memref<8x16384xf32, #tpu.memory_space<vmem>>
      %get3A_2148 = arith.constant 0 : index
      %get3A_2149 = arith.constant 11008 : index
      %get3A_2150 = vector.load %get3A_2147[%get3A_2148, %get3A_2149] : memref<8x16384xf32, #tpu.memory_space<vmem>>, vector<8x256xf32>
      %get3A_2151 = arith.constant 0 : i32
      %get3A_2152 = arith.constant 0 : i32
      %get3A_2153 = tpu.memref_slice %arg0[%scan3A_36, %get3A_2151, %get3A_2152] : memref<3x8x16384xf32, #tpu.memory_space<vmem>> -> memref<1x8x16384xf32, #tpu.memory_space<vmem>>
      %get3A_2154 = tpu.memref_squeeze %get3A_2153 : memref<1x8x16384xf32, #tpu.memory_space<vmem>> -> memref<8x16384xf32, #tpu.memory_space<vmem>>
      %get3A_2155 = arith.constant 0 : index
      %get3A_2156 = arith.constant 11008 : index
      %get3A_2157 = vector.load %get3A_2154[%get3A_2155, %get3A_2156] : memref<8x16384xf32, #tpu.memory_space<vmem>>, vector<8x256xf32>
      %get3A_2158 = arith.constant 0 : i32
      %get3A_2159 = arith.constant 0 : i32
      %get3A_2160 = tpu.memref_slice %arg0[%scan3A_37, %get3A_2158, %get3A_2159] : memref<3x8x16384xf32, #tpu.memory_space<vmem>> -> memref<1x8x16384xf32, #tpu.memory_space<vmem>>
      %get3A_2161 = tpu.memref_squeeze %get3A_2160 : memref<1x8x16384xf32, #tpu.memory_space<vmem>> -> memref<8x16384xf32, #tpu.memory_space<vmem>>
      %get3A_2162 = arith.constant 0 : index
      %get3A_2163 = arith.constant 11008 : index
      %get3A_2164 = vector.load %get3A_2161[%get3A_2162, %get3A_2163] : memref<8x16384xf32, #tpu.memory_space<vmem>>, vector<8x256xf32>
      %sub3A_2165 = vector.broadcast %scan3A_46 : vector<8x1xf32> to vector<8x256xf32>
      %sub3A_2166 = arith.subf %get3A_2150, %sub3A_2165 : vector<8x256xf32>
      %sub3A_2167 = vector.broadcast %scan3A_47 : vector<8x1xf32> to vector<8x256xf32>
      %sub3A_2168 = arith.subf %get3A_2157, %sub3A_2167 : vector<8x256xf32>
      %sub3A_2169 = vector.broadcast %scan3A_48 : vector<8x1xf32> to vector<8x256xf32>
      %sub3A_2170 = arith.subf %get3A_2164, %sub3A_2169 : vector<8x256xf32>
      %mul3A_2171 = arith.mulf %sub3A_2166, %sub3A_2166 : vector<8x256xf32>
      %mul3A_2172 = arith.mulf %sub3A_2168, %sub3A_2168 : vector<8x256xf32>
      %add3A_2173 = arith.addf %mul3A_2171, %mul3A_2172 : vector<8x256xf32>
      %mul3A_2174 = arith.mulf %sub3A_2170, %sub3A_2170 : vector<8x256xf32>
      %add3A_2175 = arith.addf %add3A_2173, %mul3A_2174 : vector<8x256xf32>
      %get3A_2176 = arith.constant 0 : index
      %get3A_2177 = arith.constant 11008 : index
      %get3A_2178 = vector.load %arg5[%get3A_2176, %get3A_2177] : memref<8x16384xf32, #tpu.memory_space<vmem>>, vector<8x256xf32>
      %min3A_2179 = arith.minimumf %get3A_2178, %add3A_2175 : vector<8x256xf32>
      %swap3A_2180 = arith.constant 0 : index
      %swap3A_2181 = arith.constant 11008 : index
      %swap3A_2182 = vector.load %arg5[%swap3A_2180, %swap3A_2181] : memref<8x16384xf32, #tpu.memory_space<vmem>>, vector<8x256xf32>
      tpu.vector_store %arg5[%swap3A_2180, %swap3A_2181], %min3A_2179 {strides = array<i32>} : memref<8x16384xf32, #tpu.memory_space<vmem>>, vector<8x256xf32>,
      %gt3A_2183 = arith.cmpf ogt, %min3A_2179, %select_n3A_2136 : vector<8x256xf32>
      %select_n3A_2184 = arith.select %gt3A_2183, %min3A_2179, %select_n3A_2136 : vector<8x256xi1>, vector<8x256xf32>
      %get3A_2185 = arith.constant 0 : index
      %get3A_2186 = arith.constant 11008 : index
      %get3A_2187 = vector.load %arg6[%get3A_2185, %get3A_2186] : memref<8x16384xf32, #tpu.memory_space<vmem>>, vector<8x256xf32>
      %select_n3A_2188 = arith.select %gt3A_2183, %get3A_2187, %select_n3A_2140 : vector<8x256xi1>, vector<8x256xf32>
      %select_n3A_2189 = arith.select %gt3A_2183, %get3A_2150, %select_n3A_2141 : vector<8x256xi1>, vector<8x256xf32>
      %select_n3A_2190 = arith.select %gt3A_2183, %get3A_2157, %select_n3A_2142 : vector<8x256xi1>, vector<8x256xf32>
      %select_n3A_2191 = arith.select %gt3A_2183, %get3A_2164, %select_n3A_2143 : vector<8x256xi1>, vector<8x256xf32>
      %get3A_2192 = arith.constant 0 : i32
      %get3A_2193 = arith.constant 0 : i32
      %get3A_2194 = tpu.memref_slice %arg0[%scan3A, %get3A_2192, %get3A_2193] : memref<3x8x16384xf32, #tpu.memory_space<vmem>> -> memref<1x8x16384xf32, #tpu.memory_space<vmem>>
      %get3A_2195 = tpu.memref_squeeze %get3A_2194 : memref<1x8x16384xf32, #tpu.memory_space<vmem>> -> memref<8x16384xf32, #tpu.memory_space<vmem>>
      %get3A_2196 = arith.constant 0 : index
      %get3A_2197 = arith.constant 11264 : index
      %get3A_2198 = vector.load %get3A_2195[%get3A_2196, %get3A_2197] : memref<8x16384xf32, #tpu.memory_space<vmem>>, vector<8x256xf32>
      %get3A_2199 = arith.constant 0 : i32
      %get3A_2200 = arith.constant 0 : i32
      %get3A_2201 = tpu.memref_slice %arg0[%scan3A_36, %get3A_2199, %get3A_2200] : memref<3x8x16384xf32, #tpu.memory_space<vmem>> -> memref<1x8x16384xf32, #tpu.memory_space<vmem>>
      %get3A_2202 = tpu.memref_squeeze %get3A_2201 : memref<1x8x16384xf32, #tpu.memory_space<vmem>> -> memref<8x16384xf32, #tpu.memory_space<vmem>>
      %get3A_2203 = arith.constant 0 : index
      %get3A_2204 = arith.constant 11264 : index
      %get3A_2205 = vector.load %get3A_2202[%get3A_2203, %get3A_2204] : memref<8x16384xf32, #tpu.memory_space<vmem>>, vector<8x256xf32>
      %get3A_2206 = arith.constant 0 : i32
      %get3A_2207 = arith.constant 0 : i32
      %get3A_2208 = tpu.memref_slice %arg0[%scan3A_37, %get3A_2206, %get3A_2207] : memref<3x8x16384xf32, #tpu.memory_space<vmem>> -> memref<1x8x16384xf32, #tpu.memory_space<vmem>>
      %get3A_2209 = tpu.memref_squeeze %get3A_2208 : memref<1x8x16384xf32, #tpu.memory_space<vmem>> -> memref<8x16384xf32, #tpu.memory_space<vmem>>
      %get3A_2210 = arith.constant 0 : index
      %get3A_2211 = arith.constant 11264 : index
      %get3A_2212 = vector.load %get3A_2209[%get3A_2210, %get3A_2211] : memref<8x16384xf32, #tpu.memory_space<vmem>>, vector<8x256xf32>
      %sub3A_2213 = vector.broadcast %scan3A_46 : vector<8x1xf32> to vector<8x256xf32>
      %sub3A_2214 = arith.subf %get3A_2198, %sub3A_2213 : vector<8x256xf32>
      %sub3A_2215 = vector.broadcast %scan3A_47 : vector<8x1xf32> to vector<8x256xf32>
      %sub3A_2216 = arith.subf %get3A_2205, %sub3A_2215 : vector<8x256xf32>
      %sub3A_2217 = vector.broadcast %scan3A_48 : vector<8x1xf32> to vector<8x256xf32>
      %sub3A_2218 = arith.subf %get3A_2212, %sub3A_2217 : vector<8x256xf32>
      %mul3A_2219 = arith.mulf %sub3A_2214, %sub3A_2214 : vector<8x256xf32>
      %mul3A_2220 = arith.mulf %sub3A_2216, %sub3A_2216 : vector<8x256xf32>
      %add3A_2221 = arith.addf %mul3A_2219, %mul3A_2220 : vector<8x256xf32>
      %mul3A_2222 = arith.mulf %sub3A_2218, %sub3A_2218 : vector<8x256xf32>
      %add3A_2223 = arith.addf %add3A_2221, %mul3A_2222 : vector<8x256xf32>
      %get3A_2224 = arith.constant 0 : index
      %get3A_2225 = arith.constant 11264 : index
      %get3A_2226 = vector.load %arg5[%get3A_2224, %get3A_2225] : memref<8x16384xf32, #tpu.memory_space<vmem>>, vector<8x256xf32>
      %min3A_2227 = arith.minimumf %get3A_2226, %add3A_2223 : vector<8x256xf32>
      %swap3A_2228 = arith.constant 0 : index
      %swap3A_2229 = arith.constant 11264 : index
      %swap3A_2230 = vector.load %arg5[%swap3A_2228, %swap3A_2229] : memref<8x16384xf32, #tpu.memory_space<vmem>>, vector<8x256xf32>
      tpu.vector_store %arg5[%swap3A_2228, %swap3A_2229], %min3A_2227 {strides = array<i32>} : memref<8x16384xf32, #tpu.memory_space<vmem>>, vector<8x256xf32>,
      %gt3A_2231 = arith.cmpf ogt, %min3A_2227, %select_n3A_2184 : vector<8x256xf32>
      %select_n3A_2232 = arith.select %gt3A_2231, %min3A_2227, %select_n3A_2184 : vector<8x256xi1>, vector<8x256xf32>
      %get3A_2233 = arith.constant 0 : index
      %get3A_2234 = arith.constant 11264 : index
      %get3A_2235 = vector.load %arg6[%get3A_2233, %get3A_2234] : memref<8x16384xf32, #tpu.memory_space<vmem>>, vector<8x256xf32>
      %select_n3A_2236 = arith.select %gt3A_2231, %get3A_2235, %select_n3A_2188 : vector<8x256xi1>, vector<8x256xf32>
      %select_n3A_2237 = arith.select %gt3A_2231, %get3A_2198, %select_n3A_2189 : vector<8x256xi1>, vector<8x256xf32>
      %select_n3A_2238 = arith.select %gt3A_2231, %get3A_2205, %select_n3A_2190 : vector<8x256xi1>, vector<8x256xf32>
      %select_n3A_2239 = arith.select %gt3A_2231, %get3A_2212, %select_n3A_2191 : vector<8x256xi1>, vector<8x256xf32>
      %get3A_2240 = arith.constant 0 : i32
      %get3A_2241 = arith.constant 0 : i32
      %get3A_2242 = tpu.memref_slice %arg0[%scan3A, %get3A_2240, %get3A_2241] : memref<3x8x16384xf32, #tpu.memory_space<vmem>> -> memref<1x8x16384xf32, #tpu.memory_space<vmem>>
      %get3A_2243 = tpu.memref_squeeze %get3A_2242 : memref<1x8x16384xf32, #tpu.memory_space<vmem>> -> memref<8x16384xf32, #tpu.memory_space<vmem>>
      %get3A_2244 = arith.constant 0 : index
      %get3A_2245 = arith.constant 11520 : index
      %get3A_2246 = vector.load %get3A_2243[%get3A_2244, %get3A_2245] : memref<8x16384xf32, #tpu.memory_space<vmem>>, vector<8x256xf32>
      %get3A_2247 = arith.constant 0 : i32
      %get3A_2248 = arith.constant 0 : i32
      %get3A_2249 = tpu.memref_slice %arg0[%scan3A_36, %get3A_2247, %get3A_2248] : memref<3x8x16384xf32, #tpu.memory_space<vmem>> -> memref<1x8x16384xf32, #tpu.memory_space<vmem>>
      %get3A_2250 = tpu.memref_squeeze %get3A_2249 : memref<1x8x16384xf32, #tpu.memory_space<vmem>> -> memref<8x16384xf32, #tpu.memory_space<vmem>>
      %get3A_2251 = arith.constant 0 : index
      %get3A_2252 = arith.constant 11520 : index
      %get3A_2253 = vector.load %get3A_2250[%get3A_2251, %get3A_2252] : memref<8x16384xf32, #tpu.memory_space<vmem>>, vector<8x256xf32>
      %get3A_2254 = arith.constant 0 : i32
      %get3A_2255 = arith.constant 0 : i32
      %get3A_2256 = tpu.memref_slice %arg0[%scan3A_37, %get3A_2254, %get3A_2255] : memref<3x8x16384xf32, #tpu.memory_space<vmem>> -> memref<1x8x16384xf32, #tpu.memory_space<vmem>>
      %get3A_2257 = tpu.memref_squeeze %get3A_2256 : memref<1x8x16384xf32, #tpu.memory_space<vmem>> -> memref<8x16384xf32, #tpu.memory_space<vmem>>
      %get3A_2258 = arith.constant 0 : index
      %get3A_2259 = arith.constant 11520 : index
      %get3A_2260 = vector.load %get3A_2257[%get3A_2258, %get3A_2259] : memref<8x16384xf32, #tpu.memory_space<vmem>>, vector<8x256xf32>
      %sub3A_2261 = vector.broadcast %scan3A_46 : vector<8x1xf32> to vector<8x256xf32>
      %sub3A_2262 = arith.subf %get3A_2246, %sub3A_2261 : vector<8x256xf32>
      %sub3A_2263 = vector.broadcast %scan3A_47 : vector<8x1xf32> to vector<8x256xf32>
      %sub3A_2264 = arith.subf %get3A_2253, %sub3A_2263 : vector<8x256xf32>
      %sub3A_2265 = vector.broadcast %scan3A_48 : vector<8x1xf32> to vector<8x256xf32>
      %sub3A_2266 = arith.subf %get3A_2260, %sub3A_2265 : vector<8x256xf32>
      %mul3A_2267 = arith.mulf %sub3A_2262, %sub3A_2262 : vector<8x256xf32>
      %mul3A_2268 = arith.mulf %sub3A_2264, %sub3A_2264 : vector<8x256xf32>
      %add3A_2269 = arith.addf %mul3A_2267, %mul3A_2268 : vector<8x256xf32>
      %mul3A_2270 = arith.mulf %sub3A_2266, %sub3A_2266 : vector<8x256xf32>
      %add3A_2271 = arith.addf %add3A_2269, %mul3A_2270 : vector<8x256xf32>
      %get3A_2272 = arith.constant 0 : index
      %get3A_2273 = arith.constant 11520 : index
      %get3A_2274 = vector.load %arg5[%get3A_2272, %get3A_2273] : memref<8x16384xf32, #tpu.memory_space<vmem>>, vector<8x256xf32>
      %min3A_2275 = arith.minimumf %get3A_2274, %add3A_2271 : vector<8x256xf32>
      %swap3A_2276 = arith.constant 0 : index
      %swap3A_2277 = arith.constant 11520 : index
      %swap3A_2278 = vector.load %arg5[%swap3A_2276, %swap3A_2277] : memref<8x16384xf32, #tpu.memory_space<vmem>>, vector<8x256xf32>
      tpu.vector_store %arg5[%swap3A_2276, %swap3A_2277], %min3A_2275 {strides = array<i32>} : memref<8x16384xf32, #tpu.memory_space<vmem>>, vector<8x256xf32>,
      %gt3A_2279 = arith.cmpf ogt, %min3A_2275, %select_n3A_2232 : vector<8x256xf32>
      %select_n3A_2280 = arith.select %gt3A_2279, %min3A_2275, %select_n3A_2232 : vector<8x256xi1>, vector<8x256xf32>
      %get3A_2281 = arith.constant 0 : index
      %get3A_2282 = arith.constant 11520 : index
      %get3A_2283 = vector.load %arg6[%get3A_2281, %get3A_2282] : memref<8x16384xf32, #tpu.memory_space<vmem>>, vector<8x256xf32>
      %select_n3A_2284 = arith.select %gt3A_2279, %get3A_2283, %select_n3A_2236 : vector<8x256xi1>, vector<8x256xf32>
      %select_n3A_2285 = arith.select %gt3A_2279, %get3A_2246, %select_n3A_2237 : vector<8x256xi1>, vector<8x256xf32>
      %select_n3A_2286 = arith.select %gt3A_2279, %get3A_2253, %select_n3A_2238 : vector<8x256xi1>, vector<8x256xf32>
      %select_n3A_2287 = arith.select %gt3A_2279, %get3A_2260, %select_n3A_2239 : vector<8x256xi1>, vector<8x256xf32>
      %get3A_2288 = arith.constant 0 : i32
      %get3A_2289 = arith.constant 0 : i32
      %get3A_2290 = tpu.memref_slice %arg0[%scan3A, %get3A_2288, %get3A_2289] : memref<3x8x16384xf32, #tpu.memory_space<vmem>> -> memref<1x8x16384xf32, #tpu.memory_space<vmem>>
      %get3A_2291 = tpu.memref_squeeze %get3A_2290 : memref<1x8x16384xf32, #tpu.memory_space<vmem>> -> memref<8x16384xf32, #tpu.memory_space<vmem>>
      %get3A_2292 = arith.constant 0 : index
      %get3A_2293 = arith.constant 11776 : index
      %get3A_2294 = vector.load %get3A_2291[%get3A_2292, %get3A_2293] : memref<8x16384xf32, #tpu.memory_space<vmem>>, vector<8x256xf32>
      %get3A_2295 = arith.constant 0 : i32
      %get3A_2296 = arith.constant 0 : i32
      %get3A_2297 = tpu.memref_slice %arg0[%scan3A_36, %get3A_2295, %get3A_2296] : memref<3x8x16384xf32, #tpu.memory_space<vmem>> -> memref<1x8x16384xf32, #tpu.memory_space<vmem>>
      %get3A_2298 = tpu.memref_squeeze %get3A_2297 : memref<1x8x16384xf32, #tpu.memory_space<vmem>> -> memref<8x16384xf32, #tpu.memory_space<vmem>>
      %get3A_2299 = arith.constant 0 : index
      %get3A_2300 = arith.constant 11776 : index
      %get3A_2301 = vector.load %get3A_2298[%get3A_2299, %get3A_2300] : memref<8x16384xf32, #tpu.memory_space<vmem>>, vector<8x256xf32>
      %get3A_2302 = arith.constant 0 : i32
      %get3A_2303 = arith.constant 0 : i32
      %get3A_2304 = tpu.memref_slice %arg0[%scan3A_37, %get3A_2302, %get3A_2303] : memref<3x8x16384xf32, #tpu.memory_space<vmem>> -> memref<1x8x16384xf32, #tpu.memory_space<vmem>>
      %get3A_2305 = tpu.memref_squeeze %get3A_2304 : memref<1x8x16384xf32, #tpu.memory_space<vmem>> -> memref<8x16384xf32, #tpu.memory_space<vmem>>
      %get3A_2306 = arith.constant 0 : index
      %get3A_2307 = arith.constant 11776 : index
      %get3A_2308 = vector.load %get3A_2305[%get3A_2306, %get3A_2307] : memref<8x16384xf32, #tpu.memory_space<vmem>>, vector<8x256xf32>
      %sub3A_2309 = vector.broadcast %scan3A_46 : vector<8x1xf32> to vector<8x256xf32>
      %sub3A_2310 = arith.subf %get3A_2294, %sub3A_2309 : vector<8x256xf32>
      %sub3A_2311 = vector.broadcast %scan3A_47 : vector<8x1xf32> to vector<8x256xf32>
      %sub3A_2312 = arith.subf %get3A_2301, %sub3A_2311 : vector<8x256xf32>
      %sub3A_2313 = vector.broadcast %scan3A_48 : vector<8x1xf32> to vector<8x256xf32>
      %sub3A_2314 = arith.subf %get3A_2308, %sub3A_2313 : vector<8x256xf32>
      %mul3A_2315 = arith.mulf %sub3A_2310, %sub3A_2310 : vector<8x256xf32>
      %mul3A_2316 = arith.mulf %sub3A_2312, %sub3A_2312 : vector<8x256xf32>
      %add3A_2317 = arith.addf %mul3A_2315, %mul3A_2316 : vector<8x256xf32>
      %mul3A_2318 = arith.mulf %sub3A_2314, %sub3A_2314 : vector<8x256xf32>
      %add3A_2319 = arith.addf %add3A_2317, %mul3A_2318 : vector<8x256xf32>
      %get3A_2320 = arith.constant 0 : index
      %get3A_2321 = arith.constant 11776 : index
      %get3A_2322 = vector.load %arg5[%get3A_2320, %get3A_2321] : memref<8x16384xf32, #tpu.memory_space<vmem>>, vector<8x256xf32>
      %min3A_2323 = arith.minimumf %get3A_2322, %add3A_2319 : vector<8x256xf32>
      %swap3A_2324 = arith.constant 0 : index
      %swap3A_2325 = arith.constant 11776 : index
      %swap3A_2326 = vector.load %arg5[%swap3A_2324, %swap3A_2325] : memref<8x16384xf32, #tpu.memory_space<vmem>>, vector<8x256xf32>
      tpu.vector_store %arg5[%swap3A_2324, %swap3A_2325], %min3A_2323 {strides = array<i32>} : memref<8x16384xf32, #tpu.memory_space<vmem>>, vector<8x256xf32>,
      %gt3A_2327 = arith.cmpf ogt, %min3A_2323, %select_n3A_2280 : vector<8x256xf32>
      %select_n3A_2328 = arith.select %gt3A_2327, %min3A_2323, %select_n3A_2280 : vector<8x256xi1>, vector<8x256xf32>
      %get3A_2329 = arith.constant 0 : index
      %get3A_2330 = arith.constant 11776 : index
      %get3A_2331 = vector.load %arg6[%get3A_2329, %get3A_2330] : memref<8x16384xf32, #tpu.memory_space<vmem>>, vector<8x256xf32>
      %select_n3A_2332 = arith.select %gt3A_2327, %get3A_2331, %select_n3A_2284 : vector<8x256xi1>, vector<8x256xf32>
      %select_n3A_2333 = arith.select %gt3A_2327, %get3A_2294, %select_n3A_2285 : vector<8x256xi1>, vector<8x256xf32>
      %select_n3A_2334 = arith.select %gt3A_2327, %get3A_2301, %select_n3A_2286 : vector<8x256xi1>, vector<8x256xf32>
      %select_n3A_2335 = arith.select %gt3A_2327, %get3A_2308, %select_n3A_2287 : vector<8x256xi1>, vector<8x256xf32>
      %get3A_2336 = arith.constant 0 : i32
      %get3A_2337 = arith.constant 0 : i32
      %get3A_2338 = tpu.memref_slice %arg0[%scan3A, %get3A_2336, %get3A_2337] : memref<3x8x16384xf32, #tpu.memory_space<vmem>> -> memref<1x8x16384xf32, #tpu.memory_space<vmem>>
      %get3A_2339 = tpu.memref_squeeze %get3A_2338 : memref<1x8x16384xf32, #tpu.memory_space<vmem>> -> memref<8x16384xf32, #tpu.memory_space<vmem>>
      %get3A_2340 = arith.constant 0 : index
      %get3A_2341 = arith.constant 12032 : index
      %get3A_2342 = vector.load %get3A_2339[%get3A_2340, %get3A_2341] : memref<8x16384xf32, #tpu.memory_space<vmem>>, vector<8x256xf32>
      %get3A_2343 = arith.constant 0 : i32
      %get3A_2344 = arith.constant 0 : i32
      %get3A_2345 = tpu.memref_slice %arg0[%scan3A_36, %get3A_2343, %get3A_2344] : memref<3x8x16384xf32, #tpu.memory_space<vmem>> -> memref<1x8x16384xf32, #tpu.memory_space<vmem>>
      %get3A_2346 = tpu.memref_squeeze %get3A_2345 : memref<1x8x16384xf32, #tpu.memory_space<vmem>> -> memref<8x16384xf32, #tpu.memory_space<vmem>>
      %get3A_2347 = arith.constant 0 : index
      %get3A_2348 = arith.constant 12032 : index
      %get3A_2349 = vector.load %get3A_2346[%get3A_2347, %get3A_2348] : memref<8x16384xf32, #tpu.memory_space<vmem>>, vector<8x256xf32>
      %get3A_2350 = arith.constant 0 : i32
      %get3A_2351 = arith.constant 0 : i32
      %get3A_2352 = tpu.memref_slice %arg0[%scan3A_37, %get3A_2350, %get3A_2351] : memref<3x8x16384xf32, #tpu.memory_space<vmem>> -> memref<1x8x16384xf32, #tpu.memory_space<vmem>>
      %get3A_2353 = tpu.memref_squeeze %get3A_2352 : memref<1x8x16384xf32, #tpu.memory_space<vmem>> -> memref<8x16384xf32, #tpu.memory_space<vmem>>
      %get3A_2354 = arith.constant 0 : index
      %get3A_2355 = arith.constant 12032 : index
      %get3A_2356 = vector.load %get3A_2353[%get3A_2354, %get3A_2355] : memref<8x16384xf32, #tpu.memory_space<vmem>>, vector<8x256xf32>
      %sub3A_2357 = vector.broadcast %scan3A_46 : vector<8x1xf32> to vector<8x256xf32>
      %sub3A_2358 = arith.subf %get3A_2342, %sub3A_2357 : vector<8x256xf32>
      %sub3A_2359 = vector.broadcast %scan3A_47 : vector<8x1xf32> to vector<8x256xf32>
      %sub3A_2360 = arith.subf %get3A_2349, %sub3A_2359 : vector<8x256xf32>
      %sub3A_2361 = vector.broadcast %scan3A_48 : vector<8x1xf32> to vector<8x256xf32>
      %sub3A_2362 = arith.subf %get3A_2356, %sub3A_2361 : vector<8x256xf32>
      %mul3A_2363 = arith.mulf %sub3A_2358, %sub3A_2358 : vector<8x256xf32>
      %mul3A_2364 = arith.mulf %sub3A_2360, %sub3A_2360 : vector<8x256xf32>
      %add3A_2365 = arith.addf %mul3A_2363, %mul3A_2364 : vector<8x256xf32>
      %mul3A_2366 = arith.mulf %sub3A_2362, %sub3A_2362 : vector<8x256xf32>
      %add3A_2367 = arith.addf %add3A_2365, %mul3A_2366 : vector<8x256xf32>
      %get3A_2368 = arith.constant 0 : index
      %get3A_2369 = arith.constant 12032 : index
      %get3A_2370 = vector.load %arg5[%get3A_2368, %get3A_2369] : memref<8x16384xf32, #tpu.memory_space<vmem>>, vector<8x256xf32>
      %min3A_2371 = arith.minimumf %get3A_2370, %add3A_2367 : vector<8x256xf32>
      %swap3A_2372 = arith.constant 0 : index
      %swap3A_2373 = arith.constant 12032 : index
      %swap3A_2374 = vector.load %arg5[%swap3A_2372, %swap3A_2373] : memref<8x16384xf32, #tpu.memory_space<vmem>>, vector<8x256xf32>
      tpu.vector_store %arg5[%swap3A_2372, %swap3A_2373], %min3A_2371 {strides = array<i32>} : memref<8x16384xf32, #tpu.memory_space<vmem>>, vector<8x256xf32>,
      %gt3A_2375 = arith.cmpf ogt, %min3A_2371, %select_n3A_2328 : vector<8x256xf32>
      %select_n3A_2376 = arith.select %gt3A_2375, %min3A_2371, %select_n3A_2328 : vector<8x256xi1>, vector<8x256xf32>
      %get3A_2377 = arith.constant 0 : index
      %get3A_2378 = arith.constant 12032 : index
      %get3A_2379 = vector.load %arg6[%get3A_2377, %get3A_2378] : memref<8x16384xf32, #tpu.memory_space<vmem>>, vector<8x256xf32>
      %select_n3A_2380 = arith.select %gt3A_2375, %get3A_2379, %select_n3A_2332 : vector<8x256xi1>, vector<8x256xf32>
      %select_n3A_2381 = arith.select %gt3A_2375, %get3A_2342, %select_n3A_2333 : vector<8x256xi1>, vector<8x256xf32>
      %select_n3A_2382 = arith.select %gt3A_2375, %get3A_2349, %select_n3A_2334 : vector<8x256xi1>, vector<8x256xf32>
      %select_n3A_2383 = arith.select %gt3A_2375, %get3A_2356, %select_n3A_2335 : vector<8x256xi1>, vector<8x256xf32>
      %get3A_2384 = arith.constant 0 : i32
      %get3A_2385 = arith.constant 0 : i32
      %get3A_2386 = tpu.memref_slice %arg0[%scan3A, %get3A_2384, %get3A_2385] : memref<3x8x16384xf32, #tpu.memory_space<vmem>> -> memref<1x8x16384xf32, #tpu.memory_space<vmem>>
      %get3A_2387 = tpu.memref_squeeze %get3A_2386 : memref<1x8x16384xf32, #tpu.memory_space<vmem>> -> memref<8x16384xf32, #tpu.memory_space<vmem>>
      %get3A_2388 = arith.constant 0 : index
      %get3A_2389 = arith.constant 12288 : index
      %get3A_2390 = vector.load %get3A_2387[%get3A_2388, %get3A_2389] : memref<8x16384xf32, #tpu.memory_space<vmem>>, vector<8x256xf32>
      %get3A_2391 = arith.constant 0 : i32
      %get3A_2392 = arith.constant 0 : i32
      %get3A_2393 = tpu.memref_slice %arg0[%scan3A_36, %get3A_2391, %get3A_2392] : memref<3x8x16384xf32, #tpu.memory_space<vmem>> -> memref<1x8x16384xf32, #tpu.memory_space<vmem>>
      %get3A_2394 = tpu.memref_squeeze %get3A_2393 : memref<1x8x16384xf32, #tpu.memory_space<vmem>> -> memref<8x16384xf32, #tpu.memory_space<vmem>>
      %get3A_2395 = arith.constant 0 : index
      %get3A_2396 = arith.constant 12288 : index
      %get3A_2397 = vector.load %get3A_2394[%get3A_2395, %get3A_2396] : memref<8x16384xf32, #tpu.memory_space<vmem>>, vector<8x256xf32>
      %get3A_2398 = arith.constant 0 : i32
      %get3A_2399 = arith.constant 0 : i32
      %get3A_2400 = tpu.memref_slice %arg0[%scan3A_37, %get3A_2398, %get3A_2399] : memref<3x8x16384xf32, #tpu.memory_space<vmem>> -> memref<1x8x16384xf32, #tpu.memory_space<vmem>>
      %get3A_2401 = tpu.memref_squeeze %get3A_2400 : memref<1x8x16384xf32, #tpu.memory_space<vmem>> -> memref<8x16384xf32, #tpu.memory_space<vmem>>
      %get3A_2402 = arith.constant 0 : index
      %get3A_2403 = arith.constant 12288 : index
      %get3A_2404 = vector.load %get3A_2401[%get3A_2402, %get3A_2403] : memref<8x16384xf32, #tpu.memory_space<vmem>>, vector<8x256xf32>
      %sub3A_2405 = vector.broadcast %scan3A_46 : vector<8x1xf32> to vector<8x256xf32>
      %sub3A_2406 = arith.subf %get3A_2390, %sub3A_2405 : vector<8x256xf32>
      %sub3A_2407 = vector.broadcast %scan3A_47 : vector<8x1xf32> to vector<8x256xf32>
      %sub3A_2408 = arith.subf %get3A_2397, %sub3A_2407 : vector<8x256xf32>
      %sub3A_2409 = vector.broadcast %scan3A_48 : vector<8x1xf32> to vector<8x256xf32>
      %sub3A_2410 = arith.subf %get3A_2404, %sub3A_2409 : vector<8x256xf32>
      %mul3A_2411 = arith.mulf %sub3A_2406, %sub3A_2406 : vector<8x256xf32>
      %mul3A_2412 = arith.mulf %sub3A_2408, %sub3A_2408 : vector<8x256xf32>
      %add3A_2413 = arith.addf %mul3A_2411, %mul3A_2412 : vector<8x256xf32>
      %mul3A_2414 = arith.mulf %sub3A_2410, %sub3A_2410 : vector<8x256xf32>
      %add3A_2415 = arith.addf %add3A_2413, %mul3A_2414 : vector<8x256xf32>
      %get3A_2416 = arith.constant 0 : index
      %get3A_2417 = arith.constant 12288 : index
      %get3A_2418 = vector.load %arg5[%get3A_2416, %get3A_2417] : memref<8x16384xf32, #tpu.memory_space<vmem>>, vector<8x256xf32>
      %min3A_2419 = arith.minimumf %get3A_2418, %add3A_2415 : vector<8x256xf32>
      %swap3A_2420 = arith.constant 0 : index
      %swap3A_2421 = arith.constant 12288 : index
      %swap3A_2422 = vector.load %arg5[%swap3A_2420, %swap3A_2421] : memref<8x16384xf32, #tpu.memory_space<vmem>>, vector<8x256xf32>
      tpu.vector_store %arg5[%swap3A_2420, %swap3A_2421], %min3A_2419 {strides = array<i32>} : memref<8x16384xf32, #tpu.memory_space<vmem>>, vector<8x256xf32>,
      %gt3A_2423 = arith.cmpf ogt, %min3A_2419, %select_n3A_2376 : vector<8x256xf32>
      %select_n3A_2424 = arith.select %gt3A_2423, %min3A_2419, %select_n3A_2376 : vector<8x256xi1>, vector<8x256xf32>
      %get3A_2425 = arith.constant 0 : index
      %get3A_2426 = arith.constant 12288 : index
      %get3A_2427 = vector.load %arg6[%get3A_2425, %get3A_2426] : memref<8x16384xf32, #tpu.memory_space<vmem>>, vector<8x256xf32>
      %select_n3A_2428 = arith.select %gt3A_2423, %get3A_2427, %select_n3A_2380 : vector<8x256xi1>, vector<8x256xf32>
      %select_n3A_2429 = arith.select %gt3A_2423, %get3A_2390, %select_n3A_2381 : vector<8x256xi1>, vector<8x256xf32>
      %select_n3A_2430 = arith.select %gt3A_2423, %get3A_2397, %select_n3A_2382 : vector<8x256xi1>, vector<8x256xf32>
      %select_n3A_2431 = arith.select %gt3A_2423, %get3A_2404, %select_n3A_2383 : vector<8x256xi1>, vector<8x256xf32>
      %get3A_2432 = arith.constant 0 : i32
      %get3A_2433 = arith.constant 0 : i32
      %get3A_2434 = tpu.memref_slice %arg0[%scan3A, %get3A_2432, %get3A_2433] : memref<3x8x16384xf32, #tpu.memory_space<vmem>> -> memref<1x8x16384xf32, #tpu.memory_space<vmem>>
      %get3A_2435 = tpu.memref_squeeze %get3A_2434 : memref<1x8x16384xf32, #tpu.memory_space<vmem>> -> memref<8x16384xf32, #tpu.memory_space<vmem>>
      %get3A_2436 = arith.constant 0 : index
      %get3A_2437 = arith.constant 12544 : index
      %get3A_2438 = vector.load %get3A_2435[%get3A_2436, %get3A_2437] : memref<8x16384xf32, #tpu.memory_space<vmem>>, vector<8x256xf32>
      %get3A_2439 = arith.constant 0 : i32
      %get3A_2440 = arith.constant 0 : i32
      %get3A_2441 = tpu.memref_slice %arg0[%scan3A_36, %get3A_2439, %get3A_2440] : memref<3x8x16384xf32, #tpu.memory_space<vmem>> -> memref<1x8x16384xf32, #tpu.memory_space<vmem>>
      %get3A_2442 = tpu.memref_squeeze %get3A_2441 : memref<1x8x16384xf32, #tpu.memory_space<vmem>> -> memref<8x16384xf32, #tpu.memory_space<vmem>>
      %get3A_2443 = arith.constant 0 : index
      %get3A_2444 = arith.constant 12544 : index
      %get3A_2445 = vector.load %get3A_2442[%get3A_2443, %get3A_2444] : memref<8x16384xf32, #tpu.memory_space<vmem>>, vector<8x256xf32>
      %get3A_2446 = arith.constant 0 : i32
      %get3A_2447 = arith.constant 0 : i32
      %get3A_2448 = tpu.memref_slice %arg0[%scan3A_37, %get3A_2446, %get3A_2447] : memref<3x8x16384xf32, #tpu.memory_space<vmem>> -> memref<1x8x16384xf32, #tpu.memory_space<vmem>>
      %get3A_2449 = tpu.memref_squeeze %get3A_2448 : memref<1x8x16384xf32, #tpu.memory_space<vmem>> -> memref<8x16384xf32, #tpu.memory_space<vmem>>
      %get3A_2450 = arith.constant 0 : index
      %get3A_2451 = arith.constant 12544 : index
      %get3A_2452 = vector.load %get3A_2449[%get3A_2450, %get3A_2451] : memref<8x16384xf32, #tpu.memory_space<vmem>>, vector<8x256xf32>
      %sub3A_2453 = vector.broadcast %scan3A_46 : vector<8x1xf32> to vector<8x256xf32>
      %sub3A_2454 = arith.subf %get3A_2438, %sub3A_2453 : vector<8x256xf32>
      %sub3A_2455 = vector.broadcast %scan3A_47 : vector<8x1xf32> to vector<8x256xf32>
      %sub3A_2456 = arith.subf %get3A_2445, %sub3A_2455 : vector<8x256xf32>
      %sub3A_2457 = vector.broadcast %scan3A_48 : vector<8x1xf32> to vector<8x256xf32>
      %sub3A_2458 = arith.subf %get3A_2452, %sub3A_2457 : vector<8x256xf32>
      %mul3A_2459 = arith.mulf %sub3A_2454, %sub3A_2454 : vector<8x256xf32>
      %mul3A_2460 = arith.mulf %sub3A_2456, %sub3A_2456 : vector<8x256xf32>
      %add3A_2461 = arith.addf %mul3A_2459, %mul3A_2460 : vector<8x256xf32>
      %mul3A_2462 = arith.mulf %sub3A_2458, %sub3A_2458 : vector<8x256xf32>
      %add3A_2463 = arith.addf %add3A_2461, %mul3A_2462 : vector<8x256xf32>
      %get3A_2464 = arith.constant 0 : index
      %get3A_2465 = arith.constant 12544 : index
      %get3A_2466 = vector.load %arg5[%get3A_2464, %get3A_2465] : memref<8x16384xf32, #tpu.memory_space<vmem>>, vector<8x256xf32>
      %min3A_2467 = arith.minimumf %get3A_2466, %add3A_2463 : vector<8x256xf32>
      %swap3A_2468 = arith.constant 0 : index
      %swap3A_2469 = arith.constant 12544 : index
      %swap3A_2470 = vector.load %arg5[%swap3A_2468, %swap3A_2469] : memref<8x16384xf32, #tpu.memory_space<vmem>>, vector<8x256xf32>
      tpu.vector_store %arg5[%swap3A_2468, %swap3A_2469], %min3A_2467 {strides = array<i32>} : memref<8x16384xf32, #tpu.memory_space<vmem>>, vector<8x256xf32>,
      %gt3A_2471 = arith.cmpf ogt, %min3A_2467, %select_n3A_2424 : vector<8x256xf32>
      %select_n3A_2472 = arith.select %gt3A_2471, %min3A_2467, %select_n3A_2424 : vector<8x256xi1>, vector<8x256xf32>
      %get3A_2473 = arith.constant 0 : index
      %get3A_2474 = arith.constant 12544 : index
      %get3A_2475 = vector.load %arg6[%get3A_2473, %get3A_2474] : memref<8x16384xf32, #tpu.memory_space<vmem>>, vector<8x256xf32>
      %select_n3A_2476 = arith.select %gt3A_2471, %get3A_2475, %select_n3A_2428 : vector<8x256xi1>, vector<8x256xf32>
      %select_n3A_2477 = arith.select %gt3A_2471, %get3A_2438, %select_n3A_2429 : vector<8x256xi1>, vector<8x256xf32>
      %select_n3A_2478 = arith.select %gt3A_2471, %get3A_2445, %select_n3A_2430 : vector<8x256xi1>, vector<8x256xf32>
      %select_n3A_2479 = arith.select %gt3A_2471, %get3A_2452, %select_n3A_2431 : vector<8x256xi1>, vector<8x256xf32>
      %get3A_2480 = arith.constant 0 : i32
      %get3A_2481 = arith.constant 0 : i32
      %get3A_2482 = tpu.memref_slice %arg0[%scan3A, %get3A_2480, %get3A_2481] : memref<3x8x16384xf32, #tpu.memory_space<vmem>> -> memref<1x8x16384xf32, #tpu.memory_space<vmem>>
      %get3A_2483 = tpu.memref_squeeze %get3A_2482 : memref<1x8x16384xf32, #tpu.memory_space<vmem>> -> memref<8x16384xf32, #tpu.memory_space<vmem>>
      %get3A_2484 = arith.constant 0 : index
      %get3A_2485 = arith.constant 12800 : index
      %get3A_2486 = vector.load %get3A_2483[%get3A_2484, %get3A_2485] : memref<8x16384xf32, #tpu.memory_space<vmem>>, vector<8x256xf32>
      %get3A_2487 = arith.constant 0 : i32
      %get3A_2488 = arith.constant 0 : i32
      %get3A_2489 = tpu.memref_slice %arg0[%scan3A_36, %get3A_2487, %get3A_2488] : memref<3x8x16384xf32, #tpu.memory_space<vmem>> -> memref<1x8x16384xf32, #tpu.memory_space<vmem>>
      %get3A_2490 = tpu.memref_squeeze %get3A_2489 : memref<1x8x16384xf32, #tpu.memory_space<vmem>> -> memref<8x16384xf32, #tpu.memory_space<vmem>>
      %get3A_2491 = arith.constant 0 : index
      %get3A_2492 = arith.constant 12800 : index
      %get3A_2493 = vector.load %get3A_2490[%get3A_2491, %get3A_2492] : memref<8x16384xf32, #tpu.memory_space<vmem>>, vector<8x256xf32>
      %get3A_2494 = arith.constant 0 : i32
      %get3A_2495 = arith.constant 0 : i32
      %get3A_2496 = tpu.memref_slice %arg0[%scan3A_37, %get3A_2494, %get3A_2495] : memref<3x8x16384xf32, #tpu.memory_space<vmem>> -> memref<1x8x16384xf32, #tpu.memory_space<vmem>>
      %get3A_2497 = tpu.memref_squeeze %get3A_2496 : memref<1x8x16384xf32, #tpu.memory_space<vmem>> -> memref<8x16384xf32, #tpu.memory_space<vmem>>
      %get3A_2498 = arith.constant 0 : index
      %get3A_2499 = arith.constant 12800 : index
      %get3A_2500 = vector.load %get3A_2497[%get3A_2498, %get3A_2499] : memref<8x16384xf32, #tpu.memory_space<vmem>>, vector<8x256xf32>
      %sub3A_2501 = vector.broadcast %scan3A_46 : vector<8x1xf32> to vector<8x256xf32>
      %sub3A_2502 = arith.subf %get3A_2486, %sub3A_2501 : vector<8x256xf32>
      %sub3A_2503 = vector.broadcast %scan3A_47 : vector<8x1xf32> to vector<8x256xf32>
      %sub3A_2504 = arith.subf %get3A_2493, %sub3A_2503 : vector<8x256xf32>
      %sub3A_2505 = vector.broadcast %scan3A_48 : vector<8x1xf32> to vector<8x256xf32>
      %sub3A_2506 = arith.subf %get3A_2500, %sub3A_2505 : vector<8x256xf32>
      %mul3A_2507 = arith.mulf %sub3A_2502, %sub3A_2502 : vector<8x256xf32>
      %mul3A_2508 = arith.mulf %sub3A_2504, %sub3A_2504 : vector<8x256xf32>
      %add3A_2509 = arith.addf %mul3A_2507, %mul3A_2508 : vector<8x256xf32>
      %mul3A_2510 = arith.mulf %sub3A_2506, %sub3A_2506 : vector<8x256xf32>
      %add3A_2511 = arith.addf %add3A_2509, %mul3A_2510 : vector<8x256xf32>
      %get3A_2512 = arith.constant 0 : index
      %get3A_2513 = arith.constant 12800 : index
      %get3A_2514 = vector.load %arg5[%get3A_2512, %get3A_2513] : memref<8x16384xf32, #tpu.memory_space<vmem>>, vector<8x256xf32>
      %min3A_2515 = arith.minimumf %get3A_2514, %add3A_2511 : vector<8x256xf32>
      %swap3A_2516 = arith.constant 0 : index
      %swap3A_2517 = arith.constant 12800 : index
      %swap3A_2518 = vector.load %arg5[%swap3A_2516, %swap3A_2517] : memref<8x16384xf32, #tpu.memory_space<vmem>>, vector<8x256xf32>
      tpu.vector_store %arg5[%swap3A_2516, %swap3A_2517], %min3A_2515 {strides = array<i32>} : memref<8x16384xf32, #tpu.memory_space<vmem>>, vector<8x256xf32>,
      %gt3A_2519 = arith.cmpf ogt, %min3A_2515, %select_n3A_2472 : vector<8x256xf32>
      %select_n3A_2520 = arith.select %gt3A_2519, %min3A_2515, %select_n3A_2472 : vector<8x256xi1>, vector<8x256xf32>
      %get3A_2521 = arith.constant 0 : index
      %get3A_2522 = arith.constant 12800 : index
      %get3A_2523 = vector.load %arg6[%get3A_2521, %get3A_2522] : memref<8x16384xf32, #tpu.memory_space<vmem>>, vector<8x256xf32>
      %select_n3A_2524 = arith.select %gt3A_2519, %get3A_2523, %select_n3A_2476 : vector<8x256xi1>, vector<8x256xf32>
      %select_n3A_2525 = arith.select %gt3A_2519, %get3A_2486, %select_n3A_2477 : vector<8x256xi1>, vector<8x256xf32>
      %select_n3A_2526 = arith.select %gt3A_2519, %get3A_2493, %select_n3A_2478 : vector<8x256xi1>, vector<8x256xf32>
      %select_n3A_2527 = arith.select %gt3A_2519, %get3A_2500, %select_n3A_2479 : vector<8x256xi1>, vector<8x256xf32>
      %get3A_2528 = arith.constant 0 : i32
      %get3A_2529 = arith.constant 0 : i32
      %get3A_2530 = tpu.memref_slice %arg0[%scan3A, %get3A_2528, %get3A_2529] : memref<3x8x16384xf32, #tpu.memory_space<vmem>> -> memref<1x8x16384xf32, #tpu.memory_space<vmem>>
      %get3A_2531 = tpu.memref_squeeze %get3A_2530 : memref<1x8x16384xf32, #tpu.memory_space<vmem>> -> memref<8x16384xf32, #tpu.memory_space<vmem>>
      %get3A_2532 = arith.constant 0 : index
      %get3A_2533 = arith.constant 13056 : index
      %get3A_2534 = vector.load %get3A_2531[%get3A_2532, %get3A_2533] : memref<8x16384xf32, #tpu.memory_space<vmem>>, vector<8x256xf32>
      %get3A_2535 = arith.constant 0 : i32
      %get3A_2536 = arith.constant 0 : i32
      %get3A_2537 = tpu.memref_slice %arg0[%scan3A_36, %get3A_2535, %get3A_2536] : memref<3x8x16384xf32, #tpu.memory_space<vmem>> -> memref<1x8x16384xf32, #tpu.memory_space<vmem>>
      %get3A_2538 = tpu.memref_squeeze %get3A_2537 : memref<1x8x16384xf32, #tpu.memory_space<vmem>> -> memref<8x16384xf32, #tpu.memory_space<vmem>>
      %get3A_2539 = arith.constant 0 : index
      %get3A_2540 = arith.constant 13056 : index
      %get3A_2541 = vector.load %get3A_2538[%get3A_2539, %get3A_2540] : memref<8x16384xf32, #tpu.memory_space<vmem>>, vector<8x256xf32>
      %get3A_2542 = arith.constant 0 : i32
      %get3A_2543 = arith.constant 0 : i32
      %get3A_2544 = tpu.memref_slice %arg0[%scan3A_37, %get3A_2542, %get3A_2543] : memref<3x8x16384xf32, #tpu.memory_space<vmem>> -> memref<1x8x16384xf32, #tpu.memory_space<vmem>>
      %get3A_2545 = tpu.memref_squeeze %get3A_2544 : memref<1x8x16384xf32, #tpu.memory_space<vmem>> -> memref<8x16384xf32, #tpu.memory_space<vmem>>
      %get3A_2546 = arith.constant 0 : index
      %get3A_2547 = arith.constant 13056 : index
      %get3A_2548 = vector.load %get3A_2545[%get3A_2546, %get3A_2547] : memref<8x16384xf32, #tpu.memory_space<vmem>>, vector<8x256xf32>
      %sub3A_2549 = vector.broadcast %scan3A_46 : vector<8x1xf32> to vector<8x256xf32>
      %sub3A_2550 = arith.subf %get3A_2534, %sub3A_2549 : vector<8x256xf32>
      %sub3A_2551 = vector.broadcast %scan3A_47 : vector<8x1xf32> to vector<8x256xf32>
      %sub3A_2552 = arith.subf %get3A_2541, %sub3A_2551 : vector<8x256xf32>
      %sub3A_2553 = vector.broadcast %scan3A_48 : vector<8x1xf32> to vector<8x256xf32>
      %sub3A_2554 = arith.subf %get3A_2548, %sub3A_2553 : vector<8x256xf32>
      %mul3A_2555 = arith.mulf %sub3A_2550, %sub3A_2550 : vector<8x256xf32>
      %mul3A_2556 = arith.mulf %sub3A_2552, %sub3A_2552 : vector<8x256xf32>
      %add3A_2557 = arith.addf %mul3A_2555, %mul3A_2556 : vector<8x256xf32>
      %mul3A_2558 = arith.mulf %sub3A_2554, %sub3A_2554 : vector<8x256xf32>
      %add3A_2559 = arith.addf %add3A_2557, %mul3A_2558 : vector<8x256xf32>
      %get3A_2560 = arith.constant 0 : index
      %get3A_2561 = arith.constant 13056 : index
      %get3A_2562 = vector.load %arg5[%get3A_2560, %get3A_2561] : memref<8x16384xf32, #tpu.memory_space<vmem>>, vector<8x256xf32>
      %min3A_2563 = arith.minimumf %get3A_2562, %add3A_2559 : vector<8x256xf32>
      %swap3A_2564 = arith.constant 0 : index
      %swap3A_2565 = arith.constant 13056 : index
      %swap3A_2566 = vector.load %arg5[%swap3A_2564, %swap3A_2565] : memref<8x16384xf32, #tpu.memory_space<vmem>>, vector<8x256xf32>
      tpu.vector_store %arg5[%swap3A_2564, %swap3A_2565], %min3A_2563 {strides = array<i32>} : memref<8x16384xf32, #tpu.memory_space<vmem>>, vector<8x256xf32>,
      %gt3A_2567 = arith.cmpf ogt, %min3A_2563, %select_n3A_2520 : vector<8x256xf32>
      %select_n3A_2568 = arith.select %gt3A_2567, %min3A_2563, %select_n3A_2520 : vector<8x256xi1>, vector<8x256xf32>
      %get3A_2569 = arith.constant 0 : index
      %get3A_2570 = arith.constant 13056 : index
      %get3A_2571 = vector.load %arg6[%get3A_2569, %get3A_2570] : memref<8x16384xf32, #tpu.memory_space<vmem>>, vector<8x256xf32>
      %select_n3A_2572 = arith.select %gt3A_2567, %get3A_2571, %select_n3A_2524 : vector<8x256xi1>, vector<8x256xf32>
      %select_n3A_2573 = arith.select %gt3A_2567, %get3A_2534, %select_n3A_2525 : vector<8x256xi1>, vector<8x256xf32>
      %select_n3A_2574 = arith.select %gt3A_2567, %get3A_2541, %select_n3A_2526 : vector<8x256xi1>, vector<8x256xf32>
      %select_n3A_2575 = arith.select %gt3A_2567, %get3A_2548, %select_n3A_2527 : vector<8x256xi1>, vector<8x256xf32>
      %get3A_2576 = arith.constant 0 : i32
      %get3A_2577 = arith.constant 0 : i32
      %get3A_2578 = tpu.memref_slice %arg0[%scan3A, %get3A_2576, %get3A_2577] : memref<3x8x16384xf32, #tpu.memory_space<vmem>> -> memref<1x8x16384xf32, #tpu.memory_space<vmem>>
      %get3A_2579 = tpu.memref_squeeze %get3A_2578 : memref<1x8x16384xf32, #tpu.memory_space<vmem>> -> memref<8x16384xf32, #tpu.memory_space<vmem>>
      %get3A_2580 = arith.constant 0 : index
      %get3A_2581 = arith.constant 13312 : index
      %get3A_2582 = vector.load %get3A_2579[%get3A_2580, %get3A_2581] : memref<8x16384xf32, #tpu.memory_space<vmem>>, vector<8x256xf32>
      %get3A_2583 = arith.constant 0 : i32
      %get3A_2584 = arith.constant 0 : i32
      %get3A_2585 = tpu.memref_slice %arg0[%scan3A_36, %get3A_2583, %get3A_2584] : memref<3x8x16384xf32, #tpu.memory_space<vmem>> -> memref<1x8x16384xf32, #tpu.memory_space<vmem>>
      %get3A_2586 = tpu.memref_squeeze %get3A_2585 : memref<1x8x16384xf32, #tpu.memory_space<vmem>> -> memref<8x16384xf32, #tpu.memory_space<vmem>>
      %get3A_2587 = arith.constant 0 : index
      %get3A_2588 = arith.constant 13312 : index
      %get3A_2589 = vector.load %get3A_2586[%get3A_2587, %get3A_2588] : memref<8x16384xf32, #tpu.memory_space<vmem>>, vector<8x256xf32>
      %get3A_2590 = arith.constant 0 : i32
      %get3A_2591 = arith.constant 0 : i32
      %get3A_2592 = tpu.memref_slice %arg0[%scan3A_37, %get3A_2590, %get3A_2591] : memref<3x8x16384xf32, #tpu.memory_space<vmem>> -> memref<1x8x16384xf32, #tpu.memory_space<vmem>>
      %get3A_2593 = tpu.memref_squeeze %get3A_2592 : memref<1x8x16384xf32, #tpu.memory_space<vmem>> -> memref<8x16384xf32, #tpu.memory_space<vmem>>
      %get3A_2594 = arith.constant 0 : index
      %get3A_2595 = arith.constant 13312 : index
      %get3A_2596 = vector.load %get3A_2593[%get3A_2594, %get3A_2595] : memref<8x16384xf32, #tpu.memory_space<vmem>>, vector<8x256xf32>
      %sub3A_2597 = vector.broadcast %scan3A_46 : vector<8x1xf32> to vector<8x256xf32>
      %sub3A_2598 = arith.subf %get3A_2582, %sub3A_2597 : vector<8x256xf32>
      %sub3A_2599 = vector.broadcast %scan3A_47 : vector<8x1xf32> to vector<8x256xf32>
      %sub3A_2600 = arith.subf %get3A_2589, %sub3A_2599 : vector<8x256xf32>
      %sub3A_2601 = vector.broadcast %scan3A_48 : vector<8x1xf32> to vector<8x256xf32>
      %sub3A_2602 = arith.subf %get3A_2596, %sub3A_2601 : vector<8x256xf32>
      %mul3A_2603 = arith.mulf %sub3A_2598, %sub3A_2598 : vector<8x256xf32>
      %mul3A_2604 = arith.mulf %sub3A_2600, %sub3A_2600 : vector<8x256xf32>
      %add3A_2605 = arith.addf %mul3A_2603, %mul3A_2604 : vector<8x256xf32>
      %mul3A_2606 = arith.mulf %sub3A_2602, %sub3A_2602 : vector<8x256xf32>
      %add3A_2607 = arith.addf %add3A_2605, %mul3A_2606 : vector<8x256xf32>
      %get3A_2608 = arith.constant 0 : index
      %get3A_2609 = arith.constant 13312 : index
      %get3A_2610 = vector.load %arg5[%get3A_2608, %get3A_2609] : memref<8x16384xf32, #tpu.memory_space<vmem>>, vector<8x256xf32>
      %min3A_2611 = arith.minimumf %get3A_2610, %add3A_2607 : vector<8x256xf32>
      %swap3A_2612 = arith.constant 0 : index
      %swap3A_2613 = arith.constant 13312 : index
      %swap3A_2614 = vector.load %arg5[%swap3A_2612, %swap3A_2613] : memref<8x16384xf32, #tpu.memory_space<vmem>>, vector<8x256xf32>
      tpu.vector_store %arg5[%swap3A_2612, %swap3A_2613], %min3A_2611 {strides = array<i32>} : memref<8x16384xf32, #tpu.memory_space<vmem>>, vector<8x256xf32>,
      %gt3A_2615 = arith.cmpf ogt, %min3A_2611, %select_n3A_2568 : vector<8x256xf32>
      %select_n3A_2616 = arith.select %gt3A_2615, %min3A_2611, %select_n3A_2568 : vector<8x256xi1>, vector<8x256xf32>
      %get3A_2617 = arith.constant 0 : index
      %get3A_2618 = arith.constant 13312 : index
      %get3A_2619 = vector.load %arg6[%get3A_2617, %get3A_2618] : memref<8x16384xf32, #tpu.memory_space<vmem>>, vector<8x256xf32>
      %select_n3A_2620 = arith.select %gt3A_2615, %get3A_2619, %select_n3A_2572 : vector<8x256xi1>, vector<8x256xf32>
      %select_n3A_2621 = arith.select %gt3A_2615, %get3A_2582, %select_n3A_2573 : vector<8x256xi1>, vector<8x256xf32>
      %select_n3A_2622 = arith.select %gt3A_2615, %get3A_2589, %select_n3A_2574 : vector<8x256xi1>, vector<8x256xf32>
      %select_n3A_2623 = arith.select %gt3A_2615, %get3A_2596, %select_n3A_2575 : vector<8x256xi1>, vector<8x256xf32>
      %get3A_2624 = arith.constant 0 : i32
      %get3A_2625 = arith.constant 0 : i32
      %get3A_2626 = tpu.memref_slice %arg0[%scan3A, %get3A_2624, %get3A_2625] : memref<3x8x16384xf32, #tpu.memory_space<vmem>> -> memref<1x8x16384xf32, #tpu.memory_space<vmem>>
      %get3A_2627 = tpu.memref_squeeze %get3A_2626 : memref<1x8x16384xf32, #tpu.memory_space<vmem>> -> memref<8x16384xf32, #tpu.memory_space<vmem>>
      %get3A_2628 = arith.constant 0 : index
      %get3A_2629 = arith.constant 13568 : index
      %get3A_2630 = vector.load %get3A_2627[%get3A_2628, %get3A_2629] : memref<8x16384xf32, #tpu.memory_space<vmem>>, vector<8x256xf32>
      %get3A_2631 = arith.constant 0 : i32
      %get3A_2632 = arith.constant 0 : i32
      %get3A_2633 = tpu.memref_slice %arg0[%scan3A_36, %get3A_2631, %get3A_2632] : memref<3x8x16384xf32, #tpu.memory_space<vmem>> -> memref<1x8x16384xf32, #tpu.memory_space<vmem>>
      %get3A_2634 = tpu.memref_squeeze %get3A_2633 : memref<1x8x16384xf32, #tpu.memory_space<vmem>> -> memref<8x16384xf32, #tpu.memory_space<vmem>>
      %get3A_2635 = arith.constant 0 : index
      %get3A_2636 = arith.constant 13568 : index
      %get3A_2637 = vector.load %get3A_2634[%get3A_2635, %get3A_2636] : memref<8x16384xf32, #tpu.memory_space<vmem>>, vector<8x256xf32>
      %get3A_2638 = arith.constant 0 : i32
      %get3A_2639 = arith.constant 0 : i32
      %get3A_2640 = tpu.memref_slice %arg0[%scan3A_37, %get3A_2638, %get3A_2639] : memref<3x8x16384xf32, #tpu.memory_space<vmem>> -> memref<1x8x16384xf32, #tpu.memory_space<vmem>>
      %get3A_2641 = tpu.memref_squeeze %get3A_2640 : memref<1x8x16384xf32, #tpu.memory_space<vmem>> -> memref<8x16384xf32, #tpu.memory_space<vmem>>
      %get3A_2642 = arith.constant 0 : index
      %get3A_2643 = arith.constant 13568 : index
      %get3A_2644 = vector.load %get3A_2641[%get3A_2642, %get3A_2643] : memref<8x16384xf32, #tpu.memory_space<vmem>>, vector<8x256xf32>
      %sub3A_2645 = vector.broadcast %scan3A_46 : vector<8x1xf32> to vector<8x256xf32>
      %sub3A_2646 = arith.subf %get3A_2630, %sub3A_2645 : vector<8x256xf32>
      %sub3A_2647 = vector.broadcast %scan3A_47 : vector<8x1xf32> to vector<8x256xf32>
      %sub3A_2648 = arith.subf %get3A_2637, %sub3A_2647 : vector<8x256xf32>
      %sub3A_2649 = vector.broadcast %scan3A_48 : vector<8x1xf32> to vector<8x256xf32>
      %sub3A_2650 = arith.subf %get3A_2644, %sub3A_2649 : vector<8x256xf32>
      %mul3A_2651 = arith.mulf %sub3A_2646, %sub3A_2646 : vector<8x256xf32>
      %mul3A_2652 = arith.mulf %sub3A_2648, %sub3A_2648 : vector<8x256xf32>
      %add3A_2653 = arith.addf %mul3A_2651, %mul3A_2652 : vector<8x256xf32>
      %mul3A_2654 = arith.mulf %sub3A_2650, %sub3A_2650 : vector<8x256xf32>
      %add3A_2655 = arith.addf %add3A_2653, %mul3A_2654 : vector<8x256xf32>
      %get3A_2656 = arith.constant 0 : index
      %get3A_2657 = arith.constant 13568 : index
      %get3A_2658 = vector.load %arg5[%get3A_2656, %get3A_2657] : memref<8x16384xf32, #tpu.memory_space<vmem>>, vector<8x256xf32>
      %min3A_2659 = arith.minimumf %get3A_2658, %add3A_2655 : vector<8x256xf32>
      %swap3A_2660 = arith.constant 0 : index
      %swap3A_2661 = arith.constant 13568 : index
      %swap3A_2662 = vector.load %arg5[%swap3A_2660, %swap3A_2661] : memref<8x16384xf32, #tpu.memory_space<vmem>>, vector<8x256xf32>
      tpu.vector_store %arg5[%swap3A_2660, %swap3A_2661], %min3A_2659 {strides = array<i32>} : memref<8x16384xf32, #tpu.memory_space<vmem>>, vector<8x256xf32>,
      %gt3A_2663 = arith.cmpf ogt, %min3A_2659, %select_n3A_2616 : vector<8x256xf32>
      %select_n3A_2664 = arith.select %gt3A_2663, %min3A_2659, %select_n3A_2616 : vector<8x256xi1>, vector<8x256xf32>
      %get3A_2665 = arith.constant 0 : index
      %get3A_2666 = arith.constant 13568 : index
      %get3A_2667 = vector.load %arg6[%get3A_2665, %get3A_2666] : memref<8x16384xf32, #tpu.memory_space<vmem>>, vector<8x256xf32>
      %select_n3A_2668 = arith.select %gt3A_2663, %get3A_2667, %select_n3A_2620 : vector<8x256xi1>, vector<8x256xf32>
      %select_n3A_2669 = arith.select %gt3A_2663, %get3A_2630, %select_n3A_2621 : vector<8x256xi1>, vector<8x256xf32>
      %select_n3A_2670 = arith.select %gt3A_2663, %get3A_2637, %select_n3A_2622 : vector<8x256xi1>, vector<8x256xf32>
      %select_n3A_2671 = arith.select %gt3A_2663, %get3A_2644, %select_n3A_2623 : vector<8x256xi1>, vector<8x256xf32>
      %get3A_2672 = arith.constant 0 : i32
      %get3A_2673 = arith.constant 0 : i32
      %get3A_2674 = tpu.memref_slice %arg0[%scan3A, %get3A_2672, %get3A_2673] : memref<3x8x16384xf32, #tpu.memory_space<vmem>> -> memref<1x8x16384xf32, #tpu.memory_space<vmem>>
      %get3A_2675 = tpu.memref_squeeze %get3A_2674 : memref<1x8x16384xf32, #tpu.memory_space<vmem>> -> memref<8x16384xf32, #tpu.memory_space<vmem>>
      %get3A_2676 = arith.constant 0 : index
      %get3A_2677 = arith.constant 13824 : index
      %get3A_2678 = vector.load %get3A_2675[%get3A_2676, %get3A_2677] : memref<8x16384xf32, #tpu.memory_space<vmem>>, vector<8x256xf32>
      %get3A_2679 = arith.constant 0 : i32
      %get3A_2680 = arith.constant 0 : i32
      %get3A_2681 = tpu.memref_slice %arg0[%scan3A_36, %get3A_2679, %get3A_2680] : memref<3x8x16384xf32, #tpu.memory_space<vmem>> -> memref<1x8x16384xf32, #tpu.memory_space<vmem>>
      %get3A_2682 = tpu.memref_squeeze %get3A_2681 : memref<1x8x16384xf32, #tpu.memory_space<vmem>> -> memref<8x16384xf32, #tpu.memory_space<vmem>>
      %get3A_2683 = arith.constant 0 : index
      %get3A_2684 = arith.constant 13824 : index
      %get3A_2685 = vector.load %get3A_2682[%get3A_2683, %get3A_2684] : memref<8x16384xf32, #tpu.memory_space<vmem>>, vector<8x256xf32>
      %get3A_2686 = arith.constant 0 : i32
      %get3A_2687 = arith.constant 0 : i32
      %get3A_2688 = tpu.memref_slice %arg0[%scan3A_37, %get3A_2686, %get3A_2687] : memref<3x8x16384xf32, #tpu.memory_space<vmem>> -> memref<1x8x16384xf32, #tpu.memory_space<vmem>>
      %get3A_2689 = tpu.memref_squeeze %get3A_2688 : memref<1x8x16384xf32, #tpu.memory_space<vmem>> -> memref<8x16384xf32, #tpu.memory_space<vmem>>
      %get3A_2690 = arith.constant 0 : index
      %get3A_2691 = arith.constant 13824 : index
      %get3A_2692 = vector.load %get3A_2689[%get3A_2690, %get3A_2691] : memref<8x16384xf32, #tpu.memory_space<vmem>>, vector<8x256xf32>
      %sub3A_2693 = vector.broadcast %scan3A_46 : vector<8x1xf32> to vector<8x256xf32>
      %sub3A_2694 = arith.subf %get3A_2678, %sub3A_2693 : vector<8x256xf32>
      %sub3A_2695 = vector.broadcast %scan3A_47 : vector<8x1xf32> to vector<8x256xf32>
      %sub3A_2696 = arith.subf %get3A_2685, %sub3A_2695 : vector<8x256xf32>
      %sub3A_2697 = vector.broadcast %scan3A_48 : vector<8x1xf32> to vector<8x256xf32>
      %sub3A_2698 = arith.subf %get3A_2692, %sub3A_2697 : vector<8x256xf32>
      %mul3A_2699 = arith.mulf %sub3A_2694, %sub3A_2694 : vector<8x256xf32>
      %mul3A_2700 = arith.mulf %sub3A_2696, %sub3A_2696 : vector<8x256xf32>
      %add3A_2701 = arith.addf %mul3A_2699, %mul3A_2700 : vector<8x256xf32>
      %mul3A_2702 = arith.mulf %sub3A_2698, %sub3A_2698 : vector<8x256xf32>
      %add3A_2703 = arith.addf %add3A_2701, %mul3A_2702 : vector<8x256xf32>
      %get3A_2704 = arith.constant 0 : index
      %get3A_2705 = arith.constant 13824 : index
      %get3A_2706 = vector.load %arg5[%get3A_2704, %get3A_2705] : memref<8x16384xf32, #tpu.memory_space<vmem>>, vector<8x256xf32>
      %min3A_2707 = arith.minimumf %get3A_2706, %add3A_2703 : vector<8x256xf32>
      %swap3A_2708 = arith.constant 0 : index
      %swap3A_2709 = arith.constant 13824 : index
      %swap3A_2710 = vector.load %arg5[%swap3A_2708, %swap3A_2709] : memref<8x16384xf32, #tpu.memory_space<vmem>>, vector<8x256xf32>
      tpu.vector_store %arg5[%swap3A_2708, %swap3A_2709], %min3A_2707 {strides = array<i32>} : memref<8x16384xf32, #tpu.memory_space<vmem>>, vector<8x256xf32>,
      %gt3A_2711 = arith.cmpf ogt, %min3A_2707, %select_n3A_2664 : vector<8x256xf32>
      %select_n3A_2712 = arith.select %gt3A_2711, %min3A_2707, %select_n3A_2664 : vector<8x256xi1>, vector<8x256xf32>
      %get3A_2713 = arith.constant 0 : index
      %get3A_2714 = arith.constant 13824 : index
      %get3A_2715 = vector.load %arg6[%get3A_2713, %get3A_2714] : memref<8x16384xf32, #tpu.memory_space<vmem>>, vector<8x256xf32>
      %select_n3A_2716 = arith.select %gt3A_2711, %get3A_2715, %select_n3A_2668 : vector<8x256xi1>, vector<8x256xf32>
      %select_n3A_2717 = arith.select %gt3A_2711, %get3A_2678, %select_n3A_2669 : vector<8x256xi1>, vector<8x256xf32>
      %select_n3A_2718 = arith.select %gt3A_2711, %get3A_2685, %select_n3A_2670 : vector<8x256xi1>, vector<8x256xf32>
      %select_n3A_2719 = arith.select %gt3A_2711, %get3A_2692, %select_n3A_2671 : vector<8x256xi1>, vector<8x256xf32>
      %get3A_2720 = arith.constant 0 : i32
      %get3A_2721 = arith.constant 0 : i32
      %get3A_2722 = tpu.memref_slice %arg0[%scan3A, %get3A_2720, %get3A_2721] : memref<3x8x16384xf32, #tpu.memory_space<vmem>> -> memref<1x8x16384xf32, #tpu.memory_space<vmem>>
      %get3A_2723 = tpu.memref_squeeze %get3A_2722 : memref<1x8x16384xf32, #tpu.memory_space<vmem>> -> memref<8x16384xf32, #tpu.memory_space<vmem>>
      %get3A_2724 = arith.constant 0 : index
      %get3A_2725 = arith.constant 14080 : index
      %get3A_2726 = vector.load %get3A_2723[%get3A_2724, %get3A_2725] : memref<8x16384xf32, #tpu.memory_space<vmem>>, vector<8x256xf32>
      %get3A_2727 = arith.constant 0 : i32
      %get3A_2728 = arith.constant 0 : i32
      %get3A_2729 = tpu.memref_slice %arg0[%scan3A_36, %get3A_2727, %get3A_2728] : memref<3x8x16384xf32, #tpu.memory_space<vmem>> -> memref<1x8x16384xf32, #tpu.memory_space<vmem>>
      %get3A_2730 = tpu.memref_squeeze %get3A_2729 : memref<1x8x16384xf32, #tpu.memory_space<vmem>> -> memref<8x16384xf32, #tpu.memory_space<vmem>>
      %get3A_2731 = arith.constant 0 : index
      %get3A_2732 = arith.constant 14080 : index
      %get3A_2733 = vector.load %get3A_2730[%get3A_2731, %get3A_2732] : memref<8x16384xf32, #tpu.memory_space<vmem>>, vector<8x256xf32>
      %get3A_2734 = arith.constant 0 : i32
      %get3A_2735 = arith.constant 0 : i32
      %get3A_2736 = tpu.memref_slice %arg0[%scan3A_37, %get3A_2734, %get3A_2735] : memref<3x8x16384xf32, #tpu.memory_space<vmem>> -> memref<1x8x16384xf32, #tpu.memory_space<vmem>>
      %get3A_2737 = tpu.memref_squeeze %get3A_2736 : memref<1x8x16384xf32, #tpu.memory_space<vmem>> -> memref<8x16384xf32, #tpu.memory_space<vmem>>
      %get3A_2738 = arith.constant 0 : index
      %get3A_2739 = arith.constant 14080 : index
      %get3A_2740 = vector.load %get3A_2737[%get3A_2738, %get3A_2739] : memref<8x16384xf32, #tpu.memory_space<vmem>>, vector<8x256xf32>
      %sub3A_2741 = vector.broadcast %scan3A_46 : vector<8x1xf32> to vector<8x256xf32>
      %sub3A_2742 = arith.subf %get3A_2726, %sub3A_2741 : vector<8x256xf32>
      %sub3A_2743 = vector.broadcast %scan3A_47 : vector<8x1xf32> to vector<8x256xf32>
      %sub3A_2744 = arith.subf %get3A_2733, %sub3A_2743 : vector<8x256xf32>
      %sub3A_2745 = vector.broadcast %scan3A_48 : vector<8x1xf32> to vector<8x256xf32>
      %sub3A_2746 = arith.subf %get3A_2740, %sub3A_2745 : vector<8x256xf32>
      %mul3A_2747 = arith.mulf %sub3A_2742, %sub3A_2742 : vector<8x256xf32>
      %mul3A_2748 = arith.mulf %sub3A_2744, %sub3A_2744 : vector<8x256xf32>
      %add3A_2749 = arith.addf %mul3A_2747, %mul3A_2748 : vector<8x256xf32>
      %mul3A_2750 = arith.mulf %sub3A_2746, %sub3A_2746 : vector<8x256xf32>
      %add3A_2751 = arith.addf %add3A_2749, %mul3A_2750 : vector<8x256xf32>
      %get3A_2752 = arith.constant 0 : index
      %get3A_2753 = arith.constant 14080 : index
      %get3A_2754 = vector.load %arg5[%get3A_2752, %get3A_2753] : memref<8x16384xf32, #tpu.memory_space<vmem>>, vector<8x256xf32>
      %min3A_2755 = arith.minimumf %get3A_2754, %add3A_2751 : vector<8x256xf32>
      %swap3A_2756 = arith.constant 0 : index
      %swap3A_2757 = arith.constant 14080 : index
      %swap3A_2758 = vector.load %arg5[%swap3A_2756, %swap3A_2757] : memref<8x16384xf32, #tpu.memory_space<vmem>>, vector<8x256xf32>
      tpu.vector_store %arg5[%swap3A_2756, %swap3A_2757], %min3A_2755 {strides = array<i32>} : memref<8x16384xf32, #tpu.memory_space<vmem>>, vector<8x256xf32>,
      %gt3A_2759 = arith.cmpf ogt, %min3A_2755, %select_n3A_2712 : vector<8x256xf32>
      %select_n3A_2760 = arith.select %gt3A_2759, %min3A_2755, %select_n3A_2712 : vector<8x256xi1>, vector<8x256xf32>
      %get3A_2761 = arith.constant 0 : index
      %get3A_2762 = arith.constant 14080 : index
      %get3A_2763 = vector.load %arg6[%get3A_2761, %get3A_2762] : memref<8x16384xf32, #tpu.memory_space<vmem>>, vector<8x256xf32>
      %select_n3A_2764 = arith.select %gt3A_2759, %get3A_2763, %select_n3A_2716 : vector<8x256xi1>, vector<8x256xf32>
      %select_n3A_2765 = arith.select %gt3A_2759, %get3A_2726, %select_n3A_2717 : vector<8x256xi1>, vector<8x256xf32>
      %select_n3A_2766 = arith.select %gt3A_2759, %get3A_2733, %select_n3A_2718 : vector<8x256xi1>, vector<8x256xf32>
      %select_n3A_2767 = arith.select %gt3A_2759, %get3A_2740, %select_n3A_2719 : vector<8x256xi1>, vector<8x256xf32>
      %get3A_2768 = arith.constant 0 : i32
      %get3A_2769 = arith.constant 0 : i32
      %get3A_2770 = tpu.memref_slice %arg0[%scan3A, %get3A_2768, %get3A_2769] : memref<3x8x16384xf32, #tpu.memory_space<vmem>> -> memref<1x8x16384xf32, #tpu.memory_space<vmem>>
      %get3A_2771 = tpu.memref_squeeze %get3A_2770 : memref<1x8x16384xf32, #tpu.memory_space<vmem>> -> memref<8x16384xf32, #tpu.memory_space<vmem>>
      %get3A_2772 = arith.constant 0 : index
      %get3A_2773 = arith.constant 14336 : index
      %get3A_2774 = vector.load %get3A_2771[%get3A_2772, %get3A_2773] : memref<8x16384xf32, #tpu.memory_space<vmem>>, vector<8x256xf32>
      %get3A_2775 = arith.constant 0 : i32
      %get3A_2776 = arith.constant 0 : i32
      %get3A_2777 = tpu.memref_slice %arg0[%scan3A_36, %get3A_2775, %get3A_2776] : memref<3x8x16384xf32, #tpu.memory_space<vmem>> -> memref<1x8x16384xf32, #tpu.memory_space<vmem>>
      %get3A_2778 = tpu.memref_squeeze %get3A_2777 : memref<1x8x16384xf32, #tpu.memory_space<vmem>> -> memref<8x16384xf32, #tpu.memory_space<vmem>>
      %get3A_2779 = arith.constant 0 : index
      %get3A_2780 = arith.constant 14336 : index
      %get3A_2781 = vector.load %get3A_2778[%get3A_2779, %get3A_2780] : memref<8x16384xf32, #tpu.memory_space<vmem>>, vector<8x256xf32>
      %get3A_2782 = arith.constant 0 : i32
      %get3A_2783 = arith.constant 0 : i32
      %get3A_2784 = tpu.memref_slice %arg0[%scan3A_37, %get3A_2782, %get3A_2783] : memref<3x8x16384xf32, #tpu.memory_space<vmem>> -> memref<1x8x16384xf32, #tpu.memory_space<vmem>>
      %get3A_2785 = tpu.memref_squeeze %get3A_2784 : memref<1x8x16384xf32, #tpu.memory_space<vmem>> -> memref<8x16384xf32, #tpu.memory_space<vmem>>
      %get3A_2786 = arith.constant 0 : index
      %get3A_2787 = arith.constant 14336 : index
      %get3A_2788 = vector.load %get3A_2785[%get3A_2786, %get3A_2787] : memref<8x16384xf32, #tpu.memory_space<vmem>>, vector<8x256xf32>
      %sub3A_2789 = vector.broadcast %scan3A_46 : vector<8x1xf32> to vector<8x256xf32>
      %sub3A_2790 = arith.subf %get3A_2774, %sub3A_2789 : vector<8x256xf32>
      %sub3A_2791 = vector.broadcast %scan3A_47 : vector<8x1xf32> to vector<8x256xf32>
      %sub3A_2792 = arith.subf %get3A_2781, %sub3A_2791 : vector<8x256xf32>
      %sub3A_2793 = vector.broadcast %scan3A_48 : vector<8x1xf32> to vector<8x256xf32>
      %sub3A_2794 = arith.subf %get3A_2788, %sub3A_2793 : vector<8x256xf32>
      %mul3A_2795 = arith.mulf %sub3A_2790, %sub3A_2790 : vector<8x256xf32>
      %mul3A_2796 = arith.mulf %sub3A_2792, %sub3A_2792 : vector<8x256xf32>
      %add3A_2797 = arith.addf %mul3A_2795, %mul3A_2796 : vector<8x256xf32>
      %mul3A_2798 = arith.mulf %sub3A_2794, %sub3A_2794 : vector<8x256xf32>
      %add3A_2799 = arith.addf %add3A_2797, %mul3A_2798 : vector<8x256xf32>
      %get3A_2800 = arith.constant 0 : index
      %get3A_2801 = arith.constant 14336 : index
      %get3A_2802 = vector.load %arg5[%get3A_2800, %get3A_2801] : memref<8x16384xf32, #tpu.memory_space<vmem>>, vector<8x256xf32>
      %min3A_2803 = arith.minimumf %get3A_2802, %add3A_2799 : vector<8x256xf32>
      %swap3A_2804 = arith.constant 0 : index
      %swap3A_2805 = arith.constant 14336 : index
      %swap3A_2806 = vector.load %arg5[%swap3A_2804, %swap3A_2805] : memref<8x16384xf32, #tpu.memory_space<vmem>>, vector<8x256xf32>
      tpu.vector_store %arg5[%swap3A_2804, %swap3A_2805], %min3A_2803 {strides = array<i32>} : memref<8x16384xf32, #tpu.memory_space<vmem>>, vector<8x256xf32>,
      %gt3A_2807 = arith.cmpf ogt, %min3A_2803, %select_n3A_2760 : vector<8x256xf32>
      %select_n3A_2808 = arith.select %gt3A_2807, %min3A_2803, %select_n3A_2760 : vector<8x256xi1>, vector<8x256xf32>
      %get3A_2809 = arith.constant 0 : index
      %get3A_2810 = arith.constant 14336 : index
      %get3A_2811 = vector.load %arg6[%get3A_2809, %get3A_2810] : memref<8x16384xf32, #tpu.memory_space<vmem>>, vector<8x256xf32>
      %select_n3A_2812 = arith.select %gt3A_2807, %get3A_2811, %select_n3A_2764 : vector<8x256xi1>, vector<8x256xf32>
      %select_n3A_2813 = arith.select %gt3A_2807, %get3A_2774, %select_n3A_2765 : vector<8x256xi1>, vector<8x256xf32>
      %select_n3A_2814 = arith.select %gt3A_2807, %get3A_2781, %select_n3A_2766 : vector<8x256xi1>, vector<8x256xf32>
      %select_n3A_2815 = arith.select %gt3A_2807, %get3A_2788, %select_n3A_2767 : vector<8x256xi1>, vector<8x256xf32>
      %get3A_2816 = arith.constant 0 : i32
      %get3A_2817 = arith.constant 0 : i32
      %get3A_2818 = tpu.memref_slice %arg0[%scan3A, %get3A_2816, %get3A_2817] : memref<3x8x16384xf32, #tpu.memory_space<vmem>> -> memref<1x8x16384xf32, #tpu.memory_space<vmem>>
      %get3A_2819 = tpu.memref_squeeze %get3A_2818 : memref<1x8x16384xf32, #tpu.memory_space<vmem>> -> memref<8x16384xf32, #tpu.memory_space<vmem>>
      %get3A_2820 = arith.constant 0 : index
      %get3A_2821 = arith.constant 14592 : index
      %get3A_2822 = vector.load %get3A_2819[%get3A_2820, %get3A_2821] : memref<8x16384xf32, #tpu.memory_space<vmem>>, vector<8x256xf32>
      %get3A_2823 = arith.constant 0 : i32
      %get3A_2824 = arith.constant 0 : i32
      %get3A_2825 = tpu.memref_slice %arg0[%scan3A_36, %get3A_2823, %get3A_2824] : memref<3x8x16384xf32, #tpu.memory_space<vmem>> -> memref<1x8x16384xf32, #tpu.memory_space<vmem>>
      %get3A_2826 = tpu.memref_squeeze %get3A_2825 : memref<1x8x16384xf32, #tpu.memory_space<vmem>> -> memref<8x16384xf32, #tpu.memory_space<vmem>>
      %get3A_2827 = arith.constant 0 : index
      %get3A_2828 = arith.constant 14592 : index
      %get3A_2829 = vector.load %get3A_2826[%get3A_2827, %get3A_2828] : memref<8x16384xf32, #tpu.memory_space<vmem>>, vector<8x256xf32>
      %get3A_2830 = arith.constant 0 : i32
      %get3A_2831 = arith.constant 0 : i32
      %get3A_2832 = tpu.memref_slice %arg0[%scan3A_37, %get3A_2830, %get3A_2831] : memref<3x8x16384xf32, #tpu.memory_space<vmem>> -> memref<1x8x16384xf32, #tpu.memory_space<vmem>>
      %get3A_2833 = tpu.memref_squeeze %get3A_2832 : memref<1x8x16384xf32, #tpu.memory_space<vmem>> -> memref<8x16384xf32, #tpu.memory_space<vmem>>
      %get3A_2834 = arith.constant 0 : index
      %get3A_2835 = arith.constant 14592 : index
      %get3A_2836 = vector.load %get3A_2833[%get3A_2834, %get3A_2835] : memref<8x16384xf32, #tpu.memory_space<vmem>>, vector<8x256xf32>
      %sub3A_2837 = vector.broadcast %scan3A_46 : vector<8x1xf32> to vector<8x256xf32>
      %sub3A_2838 = arith.subf %get3A_2822, %sub3A_2837 : vector<8x256xf32>
      %sub3A_2839 = vector.broadcast %scan3A_47 : vector<8x1xf32> to vector<8x256xf32>
      %sub3A_2840 = arith.subf %get3A_2829, %sub3A_2839 : vector<8x256xf32>
      %sub3A_2841 = vector.broadcast %scan3A_48 : vector<8x1xf32> to vector<8x256xf32>
      %sub3A_2842 = arith.subf %get3A_2836, %sub3A_2841 : vector<8x256xf32>
      %mul3A_2843 = arith.mulf %sub3A_2838, %sub3A_2838 : vector<8x256xf32>
      %mul3A_2844 = arith.mulf %sub3A_2840, %sub3A_2840 : vector<8x256xf32>
      %add3A_2845 = arith.addf %mul3A_2843, %mul3A_2844 : vector<8x256xf32>
      %mul3A_2846 = arith.mulf %sub3A_2842, %sub3A_2842 : vector<8x256xf32>
      %add3A_2847 = arith.addf %add3A_2845, %mul3A_2846 : vector<8x256xf32>
      %get3A_2848 = arith.constant 0 : index
      %get3A_2849 = arith.constant 14592 : index
      %get3A_2850 = vector.load %arg5[%get3A_2848, %get3A_2849] : memref<8x16384xf32, #tpu.memory_space<vmem>>, vector<8x256xf32>
      %min3A_2851 = arith.minimumf %get3A_2850, %add3A_2847 : vector<8x256xf32>
      %swap3A_2852 = arith.constant 0 : index
      %swap3A_2853 = arith.constant 14592 : index
      %swap3A_2854 = vector.load %arg5[%swap3A_2852, %swap3A_2853] : memref<8x16384xf32, #tpu.memory_space<vmem>>, vector<8x256xf32>
      tpu.vector_store %arg5[%swap3A_2852, %swap3A_2853], %min3A_2851 {strides = array<i32>} : memref<8x16384xf32, #tpu.memory_space<vmem>>, vector<8x256xf32>,
      %gt3A_2855 = arith.cmpf ogt, %min3A_2851, %select_n3A_2808 : vector<8x256xf32>
      %select_n3A_2856 = arith.select %gt3A_2855, %min3A_2851, %select_n3A_2808 : vector<8x256xi1>, vector<8x256xf32>
      %get3A_2857 = arith.constant 0 : index
      %get3A_2858 = arith.constant 14592 : index
      %get3A_2859 = vector.load %arg6[%get3A_2857, %get3A_2858] : memref<8x16384xf32, #tpu.memory_space<vmem>>, vector<8x256xf32>
      %select_n3A_2860 = arith.select %gt3A_2855, %get3A_2859, %select_n3A_2812 : vector<8x256xi1>, vector<8x256xf32>
      %select_n3A_2861 = arith.select %gt3A_2855, %get3A_2822, %select_n3A_2813 : vector<8x256xi1>, vector<8x256xf32>
      %select_n3A_2862 = arith.select %gt3A_2855, %get3A_2829, %select_n3A_2814 : vector<8x256xi1>, vector<8x256xf32>
      %select_n3A_2863 = arith.select %gt3A_2855, %get3A_2836, %select_n3A_2815 : vector<8x256xi1>, vector<8x256xf32>
      %get3A_2864 = arith.constant 0 : i32
      %get3A_2865 = arith.constant 0 : i32
      %get3A_2866 = tpu.memref_slice %arg0[%scan3A, %get3A_2864, %get3A_2865] : memref<3x8x16384xf32, #tpu.memory_space<vmem>> -> memref<1x8x16384xf32, #tpu.memory_space<vmem>>
      %get3A_2867 = tpu.memref_squeeze %get3A_2866 : memref<1x8x16384xf32, #tpu.memory_space<vmem>> -> memref<8x16384xf32, #tpu.memory_space<vmem>>
      %get3A_2868 = arith.constant 0 : index
      %get3A_2869 = arith.constant 14848 : index
      %get3A_2870 = vector.load %get3A_2867[%get3A_2868, %get3A_2869] : memref<8x16384xf32, #tpu.memory_space<vmem>>, vector<8x256xf32>
      %get3A_2871 = arith.constant 0 : i32
      %get3A_2872 = arith.constant 0 : i32
      %get3A_2873 = tpu.memref_slice %arg0[%scan3A_36, %get3A_2871, %get3A_2872] : memref<3x8x16384xf32, #tpu.memory_space<vmem>> -> memref<1x8x16384xf32, #tpu.memory_space<vmem>>
      %get3A_2874 = tpu.memref_squeeze %get3A_2873 : memref<1x8x16384xf32, #tpu.memory_space<vmem>> -> memref<8x16384xf32, #tpu.memory_space<vmem>>
      %get3A_2875 = arith.constant 0 : index
      %get3A_2876 = arith.constant 14848 : index
      %get3A_2877 = vector.load %get3A_2874[%get3A_2875, %get3A_2876] : memref<8x16384xf32, #tpu.memory_space<vmem>>, vector<8x256xf32>
      %get3A_2878 = arith.constant 0 : i32
      %get3A_2879 = arith.constant 0 : i32
      %get3A_2880 = tpu.memref_slice %arg0[%scan3A_37, %get3A_2878, %get3A_2879] : memref<3x8x16384xf32, #tpu.memory_space<vmem>> -> memref<1x8x16384xf32, #tpu.memory_space<vmem>>
      %get3A_2881 = tpu.memref_squeeze %get3A_2880 : memref<1x8x16384xf32, #tpu.memory_space<vmem>> -> memref<8x16384xf32, #tpu.memory_space<vmem>>
      %get3A_2882 = arith.constant 0 : index
      %get3A_2883 = arith.constant 14848 : index
      %get3A_2884 = vector.load %get3A_2881[%get3A_2882, %get3A_2883] : memref<8x16384xf32, #tpu.memory_space<vmem>>, vector<8x256xf32>
      %sub3A_2885 = vector.broadcast %scan3A_46 : vector<8x1xf32> to vector<8x256xf32>
      %sub3A_2886 = arith.subf %get3A_2870, %sub3A_2885 : vector<8x256xf32>
      %sub3A_2887 = vector.broadcast %scan3A_47 : vector<8x1xf32> to vector<8x256xf32>
      %sub3A_2888 = arith.subf %get3A_2877, %sub3A_2887 : vector<8x256xf32>
      %sub3A_2889 = vector.broadcast %scan3A_48 : vector<8x1xf32> to vector<8x256xf32>
      %sub3A_2890 = arith.subf %get3A_2884, %sub3A_2889 : vector<8x256xf32>
      %mul3A_2891 = arith.mulf %sub3A_2886, %sub3A_2886 : vector<8x256xf32>
      %mul3A_2892 = arith.mulf %sub3A_2888, %sub3A_2888 : vector<8x256xf32>
      %add3A_2893 = arith.addf %mul3A_2891, %mul3A_2892 : vector<8x256xf32>
      %mul3A_2894 = arith.mulf %sub3A_2890, %sub3A_2890 : vector<8x256xf32>
      %add3A_2895 = arith.addf %add3A_2893, %mul3A_2894 : vector<8x256xf32>
      %get3A_2896 = arith.constant 0 : index
      %get3A_2897 = arith.constant 14848 : index
      %get3A_2898 = vector.load %arg5[%get3A_2896, %get3A_2897] : memref<8x16384xf32, #tpu.memory_space<vmem>>, vector<8x256xf32>
      %min3A_2899 = arith.minimumf %get3A_2898, %add3A_2895 : vector<8x256xf32>
      %swap3A_2900 = arith.constant 0 : index
      %swap3A_2901 = arith.constant 14848 : index
      %swap3A_2902 = vector.load %arg5[%swap3A_2900, %swap3A_2901] : memref<8x16384xf32, #tpu.memory_space<vmem>>, vector<8x256xf32>
      tpu.vector_store %arg5[%swap3A_2900, %swap3A_2901], %min3A_2899 {strides = array<i32>} : memref<8x16384xf32, #tpu.memory_space<vmem>>, vector<8x256xf32>,
      %gt3A_2903 = arith.cmpf ogt, %min3A_2899, %select_n3A_2856 : vector<8x256xf32>
      %select_n3A_2904 = arith.select %gt3A_2903, %min3A_2899, %select_n3A_2856 : vector<8x256xi1>, vector<8x256xf32>
      %get3A_2905 = arith.constant 0 : index
      %get3A_2906 = arith.constant 14848 : index
      %get3A_2907 = vector.load %arg6[%get3A_2905, %get3A_2906] : memref<8x16384xf32, #tpu.memory_space<vmem>>, vector<8x256xf32>
      %select_n3A_2908 = arith.select %gt3A_2903, %get3A_2907, %select_n3A_2860 : vector<8x256xi1>, vector<8x256xf32>
      %select_n3A_2909 = arith.select %gt3A_2903, %get3A_2870, %select_n3A_2861 : vector<8x256xi1>, vector<8x256xf32>
      %select_n3A_2910 = arith.select %gt3A_2903, %get3A_2877, %select_n3A_2862 : vector<8x256xi1>, vector<8x256xf32>
      %select_n3A_2911 = arith.select %gt3A_2903, %get3A_2884, %select_n3A_2863 : vector<8x256xi1>, vector<8x256xf32>
      %get3A_2912 = arith.constant 0 : i32
      %get3A_2913 = arith.constant 0 : i32
      %get3A_2914 = tpu.memref_slice %arg0[%scan3A, %get3A_2912, %get3A_2913] : memref<3x8x16384xf32, #tpu.memory_space<vmem>> -> memref<1x8x16384xf32, #tpu.memory_space<vmem>>
      %get3A_2915 = tpu.memref_squeeze %get3A_2914 : memref<1x8x16384xf32, #tpu.memory_space<vmem>> -> memref<8x16384xf32, #tpu.memory_space<vmem>>
      %get3A_2916 = arith.constant 0 : index
      %get3A_2917 = arith.constant 15104 : index
      %get3A_2918 = vector.load %get3A_2915[%get3A_2916, %get3A_2917] : memref<8x16384xf32, #tpu.memory_space<vmem>>, vector<8x256xf32>
      %get3A_2919 = arith.constant 0 : i32
      %get3A_2920 = arith.constant 0 : i32
      %get3A_2921 = tpu.memref_slice %arg0[%scan3A_36, %get3A_2919, %get3A_2920] : memref<3x8x16384xf32, #tpu.memory_space<vmem>> -> memref<1x8x16384xf32, #tpu.memory_space<vmem>>
      %get3A_2922 = tpu.memref_squeeze %get3A_2921 : memref<1x8x16384xf32, #tpu.memory_space<vmem>> -> memref<8x16384xf32, #tpu.memory_space<vmem>>
      %get3A_2923 = arith.constant 0 : index
      %get3A_2924 = arith.constant 15104 : index
      %get3A_2925 = vector.load %get3A_2922[%get3A_2923, %get3A_2924] : memref<8x16384xf32, #tpu.memory_space<vmem>>, vector<8x256xf32>
      %get3A_2926 = arith.constant 0 : i32
      %get3A_2927 = arith.constant 0 : i32
      %get3A_2928 = tpu.memref_slice %arg0[%scan3A_37, %get3A_2926, %get3A_2927] : memref<3x8x16384xf32, #tpu.memory_space<vmem>> -> memref<1x8x16384xf32, #tpu.memory_space<vmem>>
      %get3A_2929 = tpu.memref_squeeze %get3A_2928 : memref<1x8x16384xf32, #tpu.memory_space<vmem>> -> memref<8x16384xf32, #tpu.memory_space<vmem>>
      %get3A_2930 = arith.constant 0 : index
      %get3A_2931 = arith.constant 15104 : index
      %get3A_2932 = vector.load %get3A_2929[%get3A_2930, %get3A_2931] : memref<8x16384xf32, #tpu.memory_space<vmem>>, vector<8x256xf32>
      %sub3A_2933 = vector.broadcast %scan3A_46 : vector<8x1xf32> to vector<8x256xf32>
      %sub3A_2934 = arith.subf %get3A_2918, %sub3A_2933 : vector<8x256xf32>
      %sub3A_2935 = vector.broadcast %scan3A_47 : vector<8x1xf32> to vector<8x256xf32>
      %sub3A_2936 = arith.subf %get3A_2925, %sub3A_2935 : vector<8x256xf32>
      %sub3A_2937 = vector.broadcast %scan3A_48 : vector<8x1xf32> to vector<8x256xf32>
      %sub3A_2938 = arith.subf %get3A_2932, %sub3A_2937 : vector<8x256xf32>
      %mul3A_2939 = arith.mulf %sub3A_2934, %sub3A_2934 : vector<8x256xf32>
      %mul3A_2940 = arith.mulf %sub3A_2936, %sub3A_2936 : vector<8x256xf32>
      %add3A_2941 = arith.addf %mul3A_2939, %mul3A_2940 : vector<8x256xf32>
      %mul3A_2942 = arith.mulf %sub3A_2938, %sub3A_2938 : vector<8x256xf32>
      %add3A_2943 = arith.addf %add3A_2941, %mul3A_2942 : vector<8x256xf32>
      %get3A_2944 = arith.constant 0 : index
      %get3A_2945 = arith.constant 15104 : index
      %get3A_2946 = vector.load %arg5[%get3A_2944, %get3A_2945] : memref<8x16384xf32, #tpu.memory_space<vmem>>, vector<8x256xf32>
      %min3A_2947 = arith.minimumf %get3A_2946, %add3A_2943 : vector<8x256xf32>
      %swap3A_2948 = arith.constant 0 : index
      %swap3A_2949 = arith.constant 15104 : index
      %swap3A_2950 = vector.load %arg5[%swap3A_2948, %swap3A_2949] : memref<8x16384xf32, #tpu.memory_space<vmem>>, vector<8x256xf32>
      tpu.vector_store %arg5[%swap3A_2948, %swap3A_2949], %min3A_2947 {strides = array<i32>} : memref<8x16384xf32, #tpu.memory_space<vmem>>, vector<8x256xf32>,
      %gt3A_2951 = arith.cmpf ogt, %min3A_2947, %select_n3A_2904 : vector<8x256xf32>
      %select_n3A_2952 = arith.select %gt3A_2951, %min3A_2947, %select_n3A_2904 : vector<8x256xi1>, vector<8x256xf32>
      %get3A_2953 = arith.constant 0 : index
      %get3A_2954 = arith.constant 15104 : index
      %get3A_2955 = vector.load %arg6[%get3A_2953, %get3A_2954] : memref<8x16384xf32, #tpu.memory_space<vmem>>, vector<8x256xf32>
      %select_n3A_2956 = arith.select %gt3A_2951, %get3A_2955, %select_n3A_2908 : vector<8x256xi1>, vector<8x256xf32>
      %select_n3A_2957 = arith.select %gt3A_2951, %get3A_2918, %select_n3A_2909 : vector<8x256xi1>, vector<8x256xf32>
      %select_n3A_2958 = arith.select %gt3A_2951, %get3A_2925, %select_n3A_2910 : vector<8x256xi1>, vector<8x256xf32>
      %select_n3A_2959 = arith.select %gt3A_2951, %get3A_2932, %select_n3A_2911 : vector<8x256xi1>, vector<8x256xf32>
      %get3A_2960 = arith.constant 0 : i32
      %get3A_2961 = arith.constant 0 : i32
      %get3A_2962 = tpu.memref_slice %arg0[%scan3A, %get3A_2960, %get3A_2961] : memref<3x8x16384xf32, #tpu.memory_space<vmem>> -> memref<1x8x16384xf32, #tpu.memory_space<vmem>>
      %get3A_2963 = tpu.memref_squeeze %get3A_2962 : memref<1x8x16384xf32, #tpu.memory_space<vmem>> -> memref<8x16384xf32, #tpu.memory_space<vmem>>
      %get3A_2964 = arith.constant 0 : index
      %get3A_2965 = arith.constant 15360 : index
      %get3A_2966 = vector.load %get3A_2963[%get3A_2964, %get3A_2965] : memref<8x16384xf32, #tpu.memory_space<vmem>>, vector<8x256xf32>
      %get3A_2967 = arith.constant 0 : i32
      %get3A_2968 = arith.constant 0 : i32
      %get3A_2969 = tpu.memref_slice %arg0[%scan3A_36, %get3A_2967, %get3A_2968] : memref<3x8x16384xf32, #tpu.memory_space<vmem>> -> memref<1x8x16384xf32, #tpu.memory_space<vmem>>
      %get3A_2970 = tpu.memref_squeeze %get3A_2969 : memref<1x8x16384xf32, #tpu.memory_space<vmem>> -> memref<8x16384xf32, #tpu.memory_space<vmem>>
      %get3A_2971 = arith.constant 0 : index
      %get3A_2972 = arith.constant 15360 : index
      %get3A_2973 = vector.load %get3A_2970[%get3A_2971, %get3A_2972] : memref<8x16384xf32, #tpu.memory_space<vmem>>, vector<8x256xf32>
      %get3A_2974 = arith.constant 0 : i32
      %get3A_2975 = arith.constant 0 : i32
      %get3A_2976 = tpu.memref_slice %arg0[%scan3A_37, %get3A_2974, %get3A_2975] : memref<3x8x16384xf32, #tpu.memory_space<vmem>> -> memref<1x8x16384xf32, #tpu.memory_space<vmem>>
      %get3A_2977 = tpu.memref_squeeze %get3A_2976 : memref<1x8x16384xf32, #tpu.memory_space<vmem>> -> memref<8x16384xf32, #tpu.memory_space<vmem>>
      %get3A_2978 = arith.constant 0 : index
      %get3A_2979 = arith.constant 15360 : index
      %get3A_2980 = vector.load %get3A_2977[%get3A_2978, %get3A_2979] : memref<8x16384xf32, #tpu.memory_space<vmem>>, vector<8x256xf32>
      %sub3A_2981 = vector.broadcast %scan3A_46 : vector<8x1xf32> to vector<8x256xf32>
      %sub3A_2982 = arith.subf %get3A_2966, %sub3A_2981 : vector<8x256xf32>
      %sub3A_2983 = vector.broadcast %scan3A_47 : vector<8x1xf32> to vector<8x256xf32>
      %sub3A_2984 = arith.subf %get3A_2973, %sub3A_2983 : vector<8x256xf32>
      %sub3A_2985 = vector.broadcast %scan3A_48 : vector<8x1xf32> to vector<8x256xf32>
      %sub3A_2986 = arith.subf %get3A_2980, %sub3A_2985 : vector<8x256xf32>
      %mul3A_2987 = arith.mulf %sub3A_2982, %sub3A_2982 : vector<8x256xf32>
      %mul3A_2988 = arith.mulf %sub3A_2984, %sub3A_2984 : vector<8x256xf32>
      %add3A_2989 = arith.addf %mul3A_2987, %mul3A_2988 : vector<8x256xf32>
      %mul3A_2990 = arith.mulf %sub3A_2986, %sub3A_2986 : vector<8x256xf32>
      %add3A_2991 = arith.addf %add3A_2989, %mul3A_2990 : vector<8x256xf32>
      %get3A_2992 = arith.constant 0 : index
      %get3A_2993 = arith.constant 15360 : index
      %get3A_2994 = vector.load %arg5[%get3A_2992, %get3A_2993] : memref<8x16384xf32, #tpu.memory_space<vmem>>, vector<8x256xf32>
      %min3A_2995 = arith.minimumf %get3A_2994, %add3A_2991 : vector<8x256xf32>
      %swap3A_2996 = arith.constant 0 : index
      %swap3A_2997 = arith.constant 15360 : index
      %swap3A_2998 = vector.load %arg5[%swap3A_2996, %swap3A_2997] : memref<8x16384xf32, #tpu.memory_space<vmem>>, vector<8x256xf32>
      tpu.vector_store %arg5[%swap3A_2996, %swap3A_2997], %min3A_2995 {strides = array<i32>} : memref<8x16384xf32, #tpu.memory_space<vmem>>, vector<8x256xf32>,
      %gt3A_2999 = arith.cmpf ogt, %min3A_2995, %select_n3A_2952 : vector<8x256xf32>
      %select_n3A_3000 = arith.select %gt3A_2999, %min3A_2995, %select_n3A_2952 : vector<8x256xi1>, vector<8x256xf32>
      %get3A_3001 = arith.constant 0 : index
      %get3A_3002 = arith.constant 15360 : index
      %get3A_3003 = vector.load %arg6[%get3A_3001, %get3A_3002] : memref<8x16384xf32, #tpu.memory_space<vmem>>, vector<8x256xf32>
      %select_n3A_3004 = arith.select %gt3A_2999, %get3A_3003, %select_n3A_2956 : vector<8x256xi1>, vector<8x256xf32>
      %select_n3A_3005 = arith.select %gt3A_2999, %get3A_2966, %select_n3A_2957 : vector<8x256xi1>, vector<8x256xf32>
      %select_n3A_3006 = arith.select %gt3A_2999, %get3A_2973, %select_n3A_2958 : vector<8x256xi1>, vector<8x256xf32>
      %select_n3A_3007 = arith.select %gt3A_2999, %get3A_2980, %select_n3A_2959 : vector<8x256xi1>, vector<8x256xf32>
      %get3A_3008 = arith.constant 0 : i32
      %get3A_3009 = arith.constant 0 : i32
      %get3A_3010 = tpu.memref_slice %arg0[%scan3A, %get3A_3008, %get3A_3009] : memref<3x8x16384xf32, #tpu.memory_space<vmem>> -> memref<1x8x16384xf32, #tpu.memory_space<vmem>>
      %get3A_3011 = tpu.memref_squeeze %get3A_3010 : memref<1x8x16384xf32, #tpu.memory_space<vmem>> -> memref<8x16384xf32, #tpu.memory_space<vmem>>
      %get3A_3012 = arith.constant 0 : index
      %get3A_3013 = arith.constant 15616 : index
      %get3A_3014 = vector.load %get3A_3011[%get3A_3012, %get3A_3013] : memref<8x16384xf32, #tpu.memory_space<vmem>>, vector<8x256xf32>
      %get3A_3015 = arith.constant 0 : i32
      %get3A_3016 = arith.constant 0 : i32
      %get3A_3017 = tpu.memref_slice %arg0[%scan3A_36, %get3A_3015, %get3A_3016] : memref<3x8x16384xf32, #tpu.memory_space<vmem>> -> memref<1x8x16384xf32, #tpu.memory_space<vmem>>
      %get3A_3018 = tpu.memref_squeeze %get3A_3017 : memref<1x8x16384xf32, #tpu.memory_space<vmem>> -> memref<8x16384xf32, #tpu.memory_space<vmem>>
      %get3A_3019 = arith.constant 0 : index
      %get3A_3020 = arith.constant 15616 : index
      %get3A_3021 = vector.load %get3A_3018[%get3A_3019, %get3A_3020] : memref<8x16384xf32, #tpu.memory_space<vmem>>, vector<8x256xf32>
      %get3A_3022 = arith.constant 0 : i32
      %get3A_3023 = arith.constant 0 : i32
      %get3A_3024 = tpu.memref_slice %arg0[%scan3A_37, %get3A_3022, %get3A_3023] : memref<3x8x16384xf32, #tpu.memory_space<vmem>> -> memref<1x8x16384xf32, #tpu.memory_space<vmem>>
      %get3A_3025 = tpu.memref_squeeze %get3A_3024 : memref<1x8x16384xf32, #tpu.memory_space<vmem>> -> memref<8x16384xf32, #tpu.memory_space<vmem>>
      %get3A_3026 = arith.constant 0 : index
      %get3A_3027 = arith.constant 15616 : index
      %get3A_3028 = vector.load %get3A_3025[%get3A_3026, %get3A_3027] : memref<8x16384xf32, #tpu.memory_space<vmem>>, vector<8x256xf32>
      %sub3A_3029 = vector.broadcast %scan3A_46 : vector<8x1xf32> to vector<8x256xf32>
      %sub3A_3030 = arith.subf %get3A_3014, %sub3A_3029 : vector<8x256xf32>
      %sub3A_3031 = vector.broadcast %scan3A_47 : vector<8x1xf32> to vector<8x256xf32>
      %sub3A_3032 = arith.subf %get3A_3021, %sub3A_3031 : vector<8x256xf32>
      %sub3A_3033 = vector.broadcast %scan3A_48 : vector<8x1xf32> to vector<8x256xf32>
      %sub3A_3034 = arith.subf %get3A_3028, %sub3A_3033 : vector<8x256xf32>
      %mul3A_3035 = arith.mulf %sub3A_3030, %sub3A_3030 : vector<8x256xf32>
      %mul3A_3036 = arith.mulf %sub3A_3032, %sub3A_3032 : vector<8x256xf32>
      %add3A_3037 = arith.addf %mul3A_3035, %mul3A_3036 : vector<8x256xf32>
      %mul3A_3038 = arith.mulf %sub3A_3034, %sub3A_3034 : vector<8x256xf32>
      %add3A_3039 = arith.addf %add3A_3037, %mul3A_3038 : vector<8x256xf32>
      %get3A_3040 = arith.constant 0 : index
      %get3A_3041 = arith.constant 15616 : index
      %get3A_3042 = vector.load %arg5[%get3A_3040, %get3A_3041] : memref<8x16384xf32, #tpu.memory_space<vmem>>, vector<8x256xf32>
      %min3A_3043 = arith.minimumf %get3A_3042, %add3A_3039 : vector<8x256xf32>
      %swap3A_3044 = arith.constant 0 : index
      %swap3A_3045 = arith.constant 15616 : index
      %swap3A_3046 = vector.load %arg5[%swap3A_3044, %swap3A_3045] : memref<8x16384xf32, #tpu.memory_space<vmem>>, vector<8x256xf32>
      tpu.vector_store %arg5[%swap3A_3044, %swap3A_3045], %min3A_3043 {strides = array<i32>} : memref<8x16384xf32, #tpu.memory_space<vmem>>, vector<8x256xf32>,
      %gt3A_3047 = arith.cmpf ogt, %min3A_3043, %select_n3A_3000 : vector<8x256xf32>
      %select_n3A_3048 = arith.select %gt3A_3047, %min3A_3043, %select_n3A_3000 : vector<8x256xi1>, vector<8x256xf32>
      %get3A_3049 = arith.constant 0 : index
      %get3A_3050 = arith.constant 15616 : index
      %get3A_3051 = vector.load %arg6[%get3A_3049, %get3A_3050] : memref<8x16384xf32, #tpu.memory_space<vmem>>, vector<8x256xf32>
      %select_n3A_3052 = arith.select %gt3A_3047, %get3A_3051, %select_n3A_3004 : vector<8x256xi1>, vector<8x256xf32>
      %select_n3A_3053 = arith.select %gt3A_3047, %get3A_3014, %select_n3A_3005 : vector<8x256xi1>, vector<8x256xf32>
      %select_n3A_3054 = arith.select %gt3A_3047, %get3A_3021, %select_n3A_3006 : vector<8x256xi1>, vector<8x256xf32>
      %select_n3A_3055 = arith.select %gt3A_3047, %get3A_3028, %select_n3A_3007 : vector<8x256xi1>, vector<8x256xf32>
      %get3A_3056 = arith.constant 0 : i32
      %get3A_3057 = arith.constant 0 : i32
      %get3A_3058 = tpu.memref_slice %arg0[%scan3A, %get3A_3056, %get3A_3057] : memref<3x8x16384xf32, #tpu.memory_space<vmem>> -> memref<1x8x16384xf32, #tpu.memory_space<vmem>>
      %get3A_3059 = tpu.memref_squeeze %get3A_3058 : memref<1x8x16384xf32, #tpu.memory_space<vmem>> -> memref<8x16384xf32, #tpu.memory_space<vmem>>
      %get3A_3060 = arith.constant 0 : index
      %get3A_3061 = arith.constant 15872 : index
      %get3A_3062 = vector.load %get3A_3059[%get3A_3060, %get3A_3061] : memref<8x16384xf32, #tpu.memory_space<vmem>>, vector<8x256xf32>
      %get3A_3063 = arith.constant 0 : i32
      %get3A_3064 = arith.constant 0 : i32
      %get3A_3065 = tpu.memref_slice %arg0[%scan3A_36, %get3A_3063, %get3A_3064] : memref<3x8x16384xf32, #tpu.memory_space<vmem>> -> memref<1x8x16384xf32, #tpu.memory_space<vmem>>
      %get3A_3066 = tpu.memref_squeeze %get3A_3065 : memref<1x8x16384xf32, #tpu.memory_space<vmem>> -> memref<8x16384xf32, #tpu.memory_space<vmem>>
      %get3A_3067 = arith.constant 0 : index
      %get3A_3068 = arith.constant 15872 : index
      %get3A_3069 = vector.load %get3A_3066[%get3A_3067, %get3A_3068] : memref<8x16384xf32, #tpu.memory_space<vmem>>, vector<8x256xf32>
      %get3A_3070 = arith.constant 0 : i32
      %get3A_3071 = arith.constant 0 : i32
      %get3A_3072 = tpu.memref_slice %arg0[%scan3A_37, %get3A_3070, %get3A_3071] : memref<3x8x16384xf32, #tpu.memory_space<vmem>> -> memref<1x8x16384xf32, #tpu.memory_space<vmem>>
      %get3A_3073 = tpu.memref_squeeze %get3A_3072 : memref<1x8x16384xf32, #tpu.memory_space<vmem>> -> memref<8x16384xf32, #tpu.memory_space<vmem>>
      %get3A_3074 = arith.constant 0 : index
      %get3A_3075 = arith.constant 15872 : index
      %get3A_3076 = vector.load %get3A_3073[%get3A_3074, %get3A_3075] : memref<8x16384xf32, #tpu.memory_space<vmem>>, vector<8x256xf32>
      %sub3A_3077 = vector.broadcast %scan3A_46 : vector<8x1xf32> to vector<8x256xf32>
      %sub3A_3078 = arith.subf %get3A_3062, %sub3A_3077 : vector<8x256xf32>
      %sub3A_3079 = vector.broadcast %scan3A_47 : vector<8x1xf32> to vector<8x256xf32>
      %sub3A_3080 = arith.subf %get3A_3069, %sub3A_3079 : vector<8x256xf32>
      %sub3A_3081 = vector.broadcast %scan3A_48 : vector<8x1xf32> to vector<8x256xf32>
      %sub3A_3082 = arith.subf %get3A_3076, %sub3A_3081 : vector<8x256xf32>
      %mul3A_3083 = arith.mulf %sub3A_3078, %sub3A_3078 : vector<8x256xf32>
      %mul3A_3084 = arith.mulf %sub3A_3080, %sub3A_3080 : vector<8x256xf32>
      %add3A_3085 = arith.addf %mul3A_3083, %mul3A_3084 : vector<8x256xf32>
      %mul3A_3086 = arith.mulf %sub3A_3082, %sub3A_3082 : vector<8x256xf32>
      %add3A_3087 = arith.addf %add3A_3085, %mul3A_3086 : vector<8x256xf32>
      %get3A_3088 = arith.constant 0 : index
      %get3A_3089 = arith.constant 15872 : index
      %get3A_3090 = vector.load %arg5[%get3A_3088, %get3A_3089] : memref<8x16384xf32, #tpu.memory_space<vmem>>, vector<8x256xf32>
      %min3A_3091 = arith.minimumf %get3A_3090, %add3A_3087 : vector<8x256xf32>
      %swap3A_3092 = arith.constant 0 : index
      %swap3A_3093 = arith.constant 15872 : index
      %swap3A_3094 = vector.load %arg5[%swap3A_3092, %swap3A_3093] : memref<8x16384xf32, #tpu.memory_space<vmem>>, vector<8x256xf32>
      tpu.vector_store %arg5[%swap3A_3092, %swap3A_3093], %min3A_3091 {strides = array<i32>} : memref<8x16384xf32, #tpu.memory_space<vmem>>, vector<8x256xf32>,
      %gt3A_3095 = arith.cmpf ogt, %min3A_3091, %select_n3A_3048 : vector<8x256xf32>
      %select_n3A_3096 = arith.select %gt3A_3095, %min3A_3091, %select_n3A_3048 : vector<8x256xi1>, vector<8x256xf32>
      %get3A_3097 = arith.constant 0 : index
      %get3A_3098 = arith.constant 15872 : index
      %get3A_3099 = vector.load %arg6[%get3A_3097, %get3A_3098] : memref<8x16384xf32, #tpu.memory_space<vmem>>, vector<8x256xf32>
      %select_n3A_3100 = arith.select %gt3A_3095, %get3A_3099, %select_n3A_3052 : vector<8x256xi1>, vector<8x256xf32>
      %select_n3A_3101 = arith.select %gt3A_3095, %get3A_3062, %select_n3A_3053 : vector<8x256xi1>, vector<8x256xf32>
      %select_n3A_3102 = arith.select %gt3A_3095, %get3A_3069, %select_n3A_3054 : vector<8x256xi1>, vector<8x256xf32>
      %select_n3A_3103 = arith.select %gt3A_3095, %get3A_3076, %select_n3A_3055 : vector<8x256xi1>, vector<8x256xf32>
      %get3A_3104 = arith.constant 0 : i32
      %get3A_3105 = arith.constant 0 : i32
      %get3A_3106 = tpu.memref_slice %arg0[%scan3A, %get3A_3104, %get3A_3105] : memref<3x8x16384xf32, #tpu.memory_space<vmem>> -> memref<1x8x16384xf32, #tpu.memory_space<vmem>>
      %get3A_3107 = tpu.memref_squeeze %get3A_3106 : memref<1x8x16384xf32, #tpu.memory_space<vmem>> -> memref<8x16384xf32, #tpu.memory_space<vmem>>
      %get3A_3108 = arith.constant 0 : index
      %get3A_3109 = arith.constant 16128 : index
      %get3A_3110 = vector.load %get3A_3107[%get3A_3108, %get3A_3109] : memref<8x16384xf32, #tpu.memory_space<vmem>>, vector<8x256xf32>
      %get3A_3111 = arith.constant 0 : i32
      %get3A_3112 = arith.constant 0 : i32
      %get3A_3113 = tpu.memref_slice %arg0[%scan3A_36, %get3A_3111, %get3A_3112] : memref<3x8x16384xf32, #tpu.memory_space<vmem>> -> memref<1x8x16384xf32, #tpu.memory_space<vmem>>
      %get3A_3114 = tpu.memref_squeeze %get3A_3113 : memref<1x8x16384xf32, #tpu.memory_space<vmem>> -> memref<8x16384xf32, #tpu.memory_space<vmem>>
      %get3A_3115 = arith.constant 0 : index
      %get3A_3116 = arith.constant 16128 : index
      %get3A_3117 = vector.load %get3A_3114[%get3A_3115, %get3A_3116] : memref<8x16384xf32, #tpu.memory_space<vmem>>, vector<8x256xf32>
      %get3A_3118 = arith.constant 0 : i32
      %get3A_3119 = arith.constant 0 : i32
      %get3A_3120 = tpu.memref_slice %arg0[%scan3A_37, %get3A_3118, %get3A_3119] : memref<3x8x16384xf32, #tpu.memory_space<vmem>> -> memref<1x8x16384xf32, #tpu.memory_space<vmem>>
      %get3A_3121 = tpu.memref_squeeze %get3A_3120 : memref<1x8x16384xf32, #tpu.memory_space<vmem>> -> memref<8x16384xf32, #tpu.memory_space<vmem>>
      %get3A_3122 = arith.constant 0 : index
      %get3A_3123 = arith.constant 16128 : index
      %get3A_3124 = vector.load %get3A_3121[%get3A_3122, %get3A_3123] : memref<8x16384xf32, #tpu.memory_space<vmem>>, vector<8x256xf32>
      %sub3A_3125 = vector.broadcast %scan3A_46 : vector<8x1xf32> to vector<8x256xf32>
      %sub3A_3126 = arith.subf %get3A_3110, %sub3A_3125 : vector<8x256xf32>
      %sub3A_3127 = vector.broadcast %scan3A_47 : vector<8x1xf32> to vector<8x256xf32>
      %sub3A_3128 = arith.subf %get3A_3117, %sub3A_3127 : vector<8x256xf32>
      %sub3A_3129 = vector.broadcast %scan3A_48 : vector<8x1xf32> to vector<8x256xf32>
      %sub3A_3130 = arith.subf %get3A_3124, %sub3A_3129 : vector<8x256xf32>
      %mul3A_3131 = arith.mulf %sub3A_3126, %sub3A_3126 : vector<8x256xf32>
      %mul3A_3132 = arith.mulf %sub3A_3128, %sub3A_3128 : vector<8x256xf32>
      %add3A_3133 = arith.addf %mul3A_3131, %mul3A_3132 : vector<8x256xf32>
      %mul3A_3134 = arith.mulf %sub3A_3130, %sub3A_3130 : vector<8x256xf32>
      %add3A_3135 = arith.addf %add3A_3133, %mul3A_3134 : vector<8x256xf32>
      %get3A_3136 = arith.constant 0 : index
      %get3A_3137 = arith.constant 16128 : index
      %get3A_3138 = vector.load %arg5[%get3A_3136, %get3A_3137] : memref<8x16384xf32, #tpu.memory_space<vmem>>, vector<8x256xf32>
      %min3A_3139 = arith.minimumf %get3A_3138, %add3A_3135 : vector<8x256xf32>
      %swap3A_3140 = arith.constant 0 : index
      %swap3A_3141 = arith.constant 16128 : index
      %swap3A_3142 = vector.load %arg5[%swap3A_3140, %swap3A_3141] : memref<8x16384xf32, #tpu.memory_space<vmem>>, vector<8x256xf32>
      tpu.vector_store %arg5[%swap3A_3140, %swap3A_3141], %min3A_3139 {strides = array<i32>} : memref<8x16384xf32, #tpu.memory_space<vmem>>, vector<8x256xf32>,
      %gt3A_3143 = arith.cmpf ogt, %min3A_3139, %select_n3A_3096 : vector<8x256xf32>
      %select_n3A_3144 = arith.select %gt3A_3143, %min3A_3139, %select_n3A_3096 : vector<8x256xi1>, vector<8x256xf32>
      %get3A_3145 = arith.constant 0 : index
      %get3A_3146 = arith.constant 16128 : index
      %get3A_3147 = vector.load %arg6[%get3A_3145, %get3A_3146] : memref<8x16384xf32, #tpu.memory_space<vmem>>, vector<8x256xf32>
      %select_n3A_3148 = arith.select %gt3A_3143, %get3A_3147, %select_n3A_3100 : vector<8x256xi1>, vector<8x256xf32>
      %select_n3A_3149 = arith.select %gt3A_3143, %get3A_3110, %select_n3A_3101 : vector<8x256xi1>, vector<8x256xf32>
      %select_n3A_3150 = arith.select %gt3A_3143, %get3A_3117, %select_n3A_3102 : vector<8x256xi1>, vector<8x256xf32>
      %select_n3A_3151 = arith.select %gt3A_3143, %get3A_3124, %select_n3A_3103 : vector<8x256xi1>, vector<8x256xf32>
      %reduce_max3A = arith.constant dense<0xFF800000> : vector<8xf32>
      %reduce_max3A_3152 = vector.multi_reduction <maximumf>, %select_n3A_3144, %reduce_max3A [1] : vector<8x256xf32> to vector<8xf32>
      %broadcast_in_dim3A_3153 = vector.shape_cast %reduce_max3A_3152 : vector<8xf32> to vector<8x1xf32>
      %eq3A_3154 = vector.broadcast %broadcast_in_dim3A_3153 : vector<8x1xf32> to vector<8x256xf32>
      %eq3A_3155 = arith.cmpf oeq, %select_n3A_3144, %eq3A_3154 : vector<8x256xf32>
      %jit3A = arith.constant 1.638400e+04 : f32
      %broadcast_in_dim3A_3156 = vector.broadcast %jit3A : f32 to vector<8x256xf32>
      %select_n3A_3157 = arith.select %eq3A_3155, %select_n3A_3148, %broadcast_in_dim3A_3156 : vector<8x256xi1>, vector<8x256xf32>
      %reduce_min3A = arith.constant dense<0x7F800000> : vector<8xf32>
      %reduce_min3A_3158 = vector.multi_reduction <minimumf>, %select_n3A_3157, %reduce_min3A [1] : vector<8x256xf32> to vector<8xf32>
      %broadcast_in_dim3A_3159 = vector.shape_cast %reduce_min3A_3158 : vector<8xf32> to vector<8x1xf32>
      %eq3A_3160 = vector.broadcast %broadcast_in_dim3A_3159 : vector<8x1xf32> to vector<8x256xf32>
      %eq3A_3161 = arith.cmpf oeq, %select_n3A_3157, %eq3A_3160 : vector<8x256xf32>
      %jit3A_3162 = arith.constant 0.000000e+00 : f32
      %broadcast_in_dim3A_3163 = vector.broadcast %jit3A_3162 : f32 to vector<8x256xf32>
      %select_n3A_3164 = arith.select %eq3A_3161, %select_n3A_3149, %broadcast_in_dim3A_3163 : vector<8x256xi1>, vector<8x256xf32>
      %reduce_sum3A = arith.constant dense<0.000000e+00> : vector<8xf32>
      %reduce_sum3A_3165 = vector.multi_reduction <add>, %select_n3A_3164, %reduce_sum3A [1] : vector<8x256xf32> to vector<8xf32>
      %broadcast_in_dim3A_3166 = vector.shape_cast %reduce_sum3A_3165 : vector<8xf32> to vector<8x1xf32>
      %jit3A_3167 = arith.constant 0.000000e+00 : f32
      %broadcast_in_dim3A_3168 = vector.broadcast %jit3A_3167 : f32 to vector<8x256xf32>
      %select_n3A_3169 = arith.select %eq3A_3161, %select_n3A_3150, %broadcast_in_dim3A_3168 : vector<8x256xi1>, vector<8x256xf32>
      %reduce_sum3A_3170 = arith.constant dense<0.000000e+00> : vector<8xf32>
      %reduce_sum3A_3171 = vector.multi_reduction <add>, %select_n3A_3169, %reduce_sum3A_3170 [1] : vector<8x256xf32> to vector<8xf32>
      %broadcast_in_dim3A_3172 = vector.shape_cast %reduce_sum3A_3171 : vector<8xf32> to vector<8x1xf32>
      %jit3A_3173 = arith.constant 0.000000e+00 : f32
      %broadcast_in_dim3A_3174 = vector.broadcast %jit3A_3173 : f32 to vector<8x256xf32>
      %select_n3A_3175 = arith.select %eq3A_3161, %select_n3A_3151, %broadcast_in_dim3A_3174 : vector<8x256xi1>, vector<8x256xf32>
      %reduce_sum3A_3176 = arith.constant dense<0.000000e+00> : vector<8xf32>
      %reduce_sum3A_3177 = vector.multi_reduction <add>, %select_n3A_3175, %reduce_sum3A_3176 [1] : vector<8x256xf32> to vector<8xf32>
      %broadcast_in_dim3A_3178 = vector.shape_cast %reduce_sum3A_3177 : vector<8xf32> to vector<8x1xf32>
      %convert_element_type3A_3179 = arith.fptosi %broadcast_in_dim3A_3159 : vector<8x1xf32> to vector<8x1xi32>
      scf.yield %convert_element_type3A_3179, %broadcast_in_dim3A_3166, %broadcast_in_dim3A_3172, %broadcast_in_dim3A_3178 : vector<8x1xi32>, vector<8x1xf32>, vector<8x1xf32>, vector<8x1xf32>
    }
    %scan3A_43 = arith.constant 512 : i32
    return
  }
}

</mosaic_0001>

<sc_bundles>
// kernel: kernel.4.cloned.1.call-start
scs
__scs_entry_jumppad:
0x0: {  	(pc) =	sbr.rel $0x88, $3  }
0x1: {  	(tag) =	ssettag $0x0;
	lr =	simm.s32 $0x1  }
0x2: {  	[smem:$0x3F9F] =	sst lr;
	_ =	strace $0xD0000000  }
0x3: {  	_ = 	snop  }
0x4: {  	_ = 	snop  }
0x5: {  	_ = 	snop  }
0x6: {  	_ = 	snop  }
0x7: {  	_ = 	snop  }
__scs_overlays_trampoline_lowered:
0x8: {  	[smem:$0x3FAE] =	sst s0  }
0x9: {  	[smem:$0x3FAF] =	sst s1  }
0xa: {  	[smem:$0x3FB0] =	sst s2  }
0xb: {  	[smem:$0x3FB1] =	sst s3  }
0xc: {  	[smem:$0x3FB2] =	sst s4  }
0xd: {  	[smem:$0x3FB3] =	sst s5  }
0xe: {  	[smem:$0x3FB4] =	sst s6  }
0xf: {  	[smem:$0x3FB5] =	sst s7  }
0x10: {  	[smem:$0x3FB6] =	sst s8  }
0x11: {  	[smem:$0x3FB7] =	sst s9;
	s0 =	simm.s32 @!p0 $0x0  }
0x12: {  	s1 =	sld [smem:$0x3F9D];
	s0 =	simm.s32 @p0 $0x1  }
0x13: {  	[smem:$0x3FB8] =	sst s0;
	s0 =	simm.s32 @!p1 $0x0  }
0x14: {  	s2 =	sld [smem:$0x3F9C];
	s0 =	simm.s32 @p1 $0x1  }
0x15: {  	[smem:$0x3FB9] =	sst s0;
	s0 =	simm.s32 @!p2 $0x0  }
0x16: {  	s3 =	sld [smem:$0x3FDB];
	s0 =	simm.s32 @p2 $0x1  }
0x17: {  	s4 =	simm.s32 $0x1BF5;
	[smem:$0x3FBB] =	sst s0  }
0x18: {  	s0 =	sld [smem:$0x3F9E];
	_ =	swait.ge [sflag:s4], $0x0  }
0x19: {  	s7 =	sld [smem:$0x3F9F]  }
0x1a: {  	s8 =	sadd.s32 $0xFFFFE003, lr  }
0x1b: {  	s9 =	sadd.s32 $0xFFFFFEF7, lr;
	s5 =	simm.s32 $0xFFFFFFFF;
	p2 =	slt.u32 s8, $0xFFFFF086  }
0x1c: {  	p1 =	slt.u32 s9, $0xF7A;
	s5 =	simm.s32 @!p2 $0x0  }
0x1d: {  	s5 =	simm.s32 @p1 $0x1;
	p0 =	seq.s32 s7, s2  }
0x1e: {  	s7 =	smul.u32 @!p0 $0xF7A, s2;
	p2 =	seq.s32 @!p0 s5, $0x0  }
0x1f: {  	s9 =	smul.u32 $0xF7A, s1;
	s8 =	simm.s32 @!p0 $0x1BF5;
	p2 =	por !p2, p0  }
0x20: {  	[sflag:s8] =	ssyncset.s32 @!p0 $0xFFFFF086;
	s6 =	sadd.s32 @!p0 s3, s7;
	s7 =	simm.s32 @!p0 $0x108  }
0x21: {  	s3 =	sadd.s32 s3, s9;
	s6 =	sadd.s32 @!p0 $0x88, s6;
	s7 =	simm.s32 @p2 $0x1082  }
0x22: {  	[simem:s7], [sflag:s8] =	dma.local @!p0 [hbm:s6], $0xF7A  }
0x23: {  	s9 =	sor.u32 $0xD0000000, s2;
	s6 =	simm.s32 $0x108;
	_ =	swait.ge @!p0 [sflag:s8], $0x0  }
0x24: {  	s3 =	sadd.s32 $0x88, s3;
	s6 =	simm.s32 @!p1 $0x1082;
	[sflag:s4] =	ssyncset.s32 $0xFFFFF086  }
0x25: {  	[simem:s6], [sflag:s4] =	dma.local [hbm:s3], $0xF7A  }
0x26: {  	[smem:$0x3F9F] =	sst s1;
	(tag) =	ssettag s2;
	_ =	strace s9  }
0x27: {  	s1 =	sld [smem:$0x3FAF]  }
0x28: {  	s2 =	sld [smem:$0x3FB0]  }
0x29: {  	s4 =	sld [smem:$0x3FB2]  }
0x2a: {  	p0 =	seq.s32 s5, $0x0;
	s5 =	sld [smem:$0x3FB3]  }
0x2b: {  	s6 =	sld [smem:$0x3FB4]  }
0x2c: {  	s7 =	sld [smem:$0x3FB5]  }
0x2d: {  	s3 =	simm.s32 $0x108;
	s8 =	sld [smem:$0x3FB6]  }
0x2e: {  	s3 =	simm.s32 @!p0 $0x1082;
	s9 =	sld [smem:$0x3FB7]  }
0x2f: {  	lr =	sadd.s32 s0, s3;
	s0 =	sld [smem:$0x3FAE]  }
0x30: {  	s3 =	sld [smem:$0x3FB1]  }
0x31: {  	[smem:$0x3FBA] =	sst s10  }
0x32: {  	s10 =	sld [smem:$0x3FB8];
	_ =	sdelay $0x3  }
0x33: {  	p0 =	seq.s32 s10, $0x1;
	s10 =	sld [smem:$0x3FBA];
	_ =	sdelay $0x3  }
0x34: {  	[smem:$0x3FBA] =	sst s10  }
0x35: {  	s10 =	sld [smem:$0x3FB9];
	_ =	sdelay $0x3  }
0x36: {  	p1 =	seq.s32 s10, $0x1;
	s10 =	sld [smem:$0x3FBA];
	_ =	sdelay $0x3  }
0x37: {  	[smem:$0x3FBA] =	sst s10  }
0x38: {  	s10 =	sld [smem:$0x3FBB]  }
0x39: {  	_ = 	snop;
	(pc) =	sbr.ind lr, $3  }
0x3a: {  	_ = 	snop  }
0x3b: {  	_ = 	snop  }
0x3c: {  	p2 =	seq.s32 s10, $0x1;
	s10 =	sld [smem:$0x3FBA]  }
0x3d: {  	_ =	shalt  }
0x3e: {  	_ =	shalt  }
0x3f: {  	_ =	shalt  }
0x40: {  	_ =	shalt  }
0x41: {  	_ =	shalt  }
0x42: {  	_ =	shalt  }
0x43: {  	_ =	shalt  }
0x44: {  	_ =	shalt  }
0x45: {  	_ =	shalt  }
0x46: {  	_ =	shalt  }
0x47: {  	_ =	shalt  }
0x48: {  	_ =	shalt  }
0x49: {  	_ =	shalt  }
0x4a: {  	_ =	shalt  }
0x4b: {  	_ =	shalt  }
0x4c: {  	_ =	shalt  }
0x4d: {  	_ =	shalt  }
0x4e: {  	_ =	shalt  }
0x4f: {  	_ =	shalt  }
0x50: {  	_ =	shalt  }
0x51: {  	_ =	shalt  }
0x52: {  	_ =	shalt  }
0x53: {  	_ =	shalt  }
0x54: {  	_ =	shalt  }
0x55: {  	_ =	shalt  }
0x56: {  	_ =	shalt  }
0x57: {  	_ =	shalt  }
0x58: {  	_ =	shalt  }
0x59: {  	_ =	shalt  }
0x5a: {  	_ =	shalt  }
0x5b: {  	_ =	shalt  }
0x5c: {  	_ =	shalt  }
0x5d: {  	_ =	shalt  }
0x5e: {  	_ =	shalt  }
0x5f: {  	_ =	shalt  }
0x60: {  	_ =	shalt  }
0x61: {  	_ =	shalt  }
0x62: {  	_ =	shalt  }
0x63: {  	_ =	shalt  }
0x64: {  	_ =	shalt  }
0x65: {  	_ =	shalt  }
0x66: {  	_ =	shalt  }
0x67: {  	_ =	shalt  }
0x68: {  	_ =	shalt  }
0x69: {  	_ =	shalt  }
0x6a: {  	_ =	shalt  }
0x6b: {  	_ =	shalt  }
0x6c: {  	_ =	shalt  }
0x6d: {  	_ =	shalt  }
0x6e: {  	_ =	shalt  }
0x6f: {  	_ =	shalt  }
0x70: {  	_ =	shalt  }
0x71: {  	_ =	shalt  }
0x72: {  	_ =	shalt  }
0x73: {  	_ =	shalt  }
0x74: {  	_ =	shalt  }
0x75: {  	_ =	shalt  }
0x76: {  	_ =	shalt  }
0x77: {  	_ =	shalt  }
0x78: {  	_ =	shalt  }
0x79: {  	_ =	shalt  }
0x7a: {  	_ =	shalt  }
0x7b: {  	_ =	shalt  }
0x7c: {  	_ =	shalt  }
0x7d: {  	_ =	shalt  }
0x7e: {  	_ =	shalt  }
0x7f: {  	_ =	shalt  }
0x80: {  	_ =	shalt  }
0x81: {  	_ =	shalt  }
0x82: {  	_ =	shalt  }
0x83: {  	_ =	shalt  }
0x84: {  	_ =	shalt  }
0x85: {  	_ =	shalt  }
0x86: {  	_ =	shalt  }
0x87: {  	_ =	shalt  }
.Lfunc_end0:
.L_simem_size_0:
called_computation_lowered:
.L_overlay_start_0:
0x88: {  	s2 =	sld [smem:$0x3FD9]  }
0x89: {  	s3 =	sld [smem:$0x3FFE];
	_ =	sdelay $0x1  }
0x8a: {  	s1 =	srdreg.scid  }
0x8b: {  	s0 =	sand.u32 $0x1, s1  }
0x8c: {  	s14 =	sshll.u32 s0, $0xA;
	s2 =	sadd.s32 s3, s2  }
0x8d: {  	s2 =	sadd.s32 s2, s14  }
0x8e: {  	[smem:$0x3FC6] =	sst s2  }
0x8f: {  	_ = 	snop  }
0x90: {  	s2 =	sld [smem:$0x3FD0];
	_ =	sdelay $0x2  }
0x91: {  	s15 =	simm.s32 $0xA;
	s4 =	simm.s32 $0x10  }
0x92: {  	[smem:s4], [sflag:s15] =	dma.local [hbm:s2], $0x1  }
0x93: {  	_ =	swait.eq [sflag:s15], $0x1  }
0x94: {  	[sflag:s15] =	ssyncset.done $0x0  }
0x95: {  	[sflag:s15] =	ssyncadd.s32 $0xFFFFFFFF  }
0x96: {  	s16 =	sld [smem:$0x11];
	(tm) =	ssettm $0x1  }
0x97: {  	s17 =	sld [smem:$0x3FFB];
	_ =	sdelay $0x3  }
0x98: {  	_ =	strace s17  }
0x99: {  	s3 =	sld [smem:$0x3FFC];
	_ =	sdelay $0x3  }
0x9a: {  	_ =	strace s3  }
0x9b: {  	s3 =	sld [smem:$0x3FFD];
	_ =	sdelay $0x3  }
0x9c: {  	_ =	strace s3  }
0x9d: {  	_ =	strace $0x8FFFFFFF  }
0x9e: {  	s18 =	sld [smem:$0x3FDB];
	_ =	sdelay $0x1  }
0x9f: {  	s19 =	simm.s32 $_scs_section_size  }
0xa0: {  	s5 =	simm.s32 $_size__tile_overlayer_lowered;
	s6 =	simm.s32 $_tile_overlayer_lowered  }
0xa1: {  	s22 =	simm.s32 $0x1BFF;
	s21 =	sshll.u32 s6, $0x1;
	s3 =	sadd.s32 s19, s18  }
0xa2: {  	s7 =	simm.s32 $0x0;
	s20 =	sshll.u32 s5, $0x1;
	s5 =	sadd.s32 s21, s3  }
0xa3: {  	[timem:s7], [sflag:s22] =	dma.local [hbm:s5], s20  }
0xa4: {  	_ =	swait.ge [sflag:s22], s20  }
0xa5: {  	s4 =	ssub.s32 $0x0, s20;
	[sflag:s22] =	ssyncset.done $0x0  }
0xa6: {  	[sflag:s22] =	ssyncadd.s32 s4;
	_ =	sdelay $0x1  }
0xa7: {  	s23 =	simm.s32 $0x1B8B  }
0xa8: {  	_ =	swait.ge [sflag:s23], $0x1  }
0xa9: {  	[sflag:s23] =	ssyncset.done $0x0  }
0xaa: {  	s25 =	simm.s32 $0x1B8E;
	s24 =	sld [smem:$0x3FFE];
	[sflag:s23] =	ssyncadd.s32 $0xFFFFFFFF  }
0xab: {  	s26 =	simm.s32 $execute0_lowered;
	[smem:$0x3FD2] =	sst s25  }
0xac: {  	s5 =	sshll.u32 s26, $0x1;
	_ =	strace $0x80000046;
	[dreg:$0x1] =	wrdreg $0xFFFFFFFF  }
0xad: {  	s28 =	simm.s32 $_size_execute0_lowered;
	s3 =	sadd.s32 s3, s5;
	[dreg:$0x0] =	wrdreg $0x0  }
0xae: {  	s5 =	sshll.u32 s28, $0x1;
	[dreg:$0x2] =	wrdreg s3  }
0xaf: {  	[dreg:$0x3] =	wrdreg s5  }
0xb0: {  	[dreg:$0x4] =	wrdreg $0xC0  }
0xb1: {  	_ =	task [dreg:s7], $0x5FFFF  }
0xb2: {  	[dreg:$0x1] =	wrdreg $0xFFFFFFFF  }
0xb3: {  	[dreg:$0x0] =	wrdreg $0x60  }
0xb4: {  	[dreg:$0x2] =	wrdreg s24  }
0xb5: {  	[dreg:$0x3] =	wrdreg s16  }
0xb6: {  	[dreg:$0x4] =	wrdreg $0x9  }
0xb7: {  	_ =	task.clear_ibuf [dreg:s7], $0x5FFFF;
	_ =	strace $0x90000046  }
0xb8: {  	s29 =	simm.s32 $0x9;
	_ =	strace $0x80000048  }
0xb9: {  	_ =	swait.ge [sflag:s29], $0x1  }
0xba: {  	[sflag:s29] =	ssyncadd.s32 $0xFFFFFFFF  }
0xbb: {  	_ =	strace $0x90000048  }
0xbc: {  	_ =	sfence  }
0xbd: {  	s30 =	sld [smem:$0x0];
	_ =	sdelay $0x2  }
0xbe: {  	s31 =	sshll.u32 s1, $0xD;
	s1 =	sshrl.u32 s1, $0x2  }
0xbf: {  	s3 =	sand.u32 $0x4000, s31;
	s1 =	sadd.s32 s1, s30  }
0xc0: {  	s0 =	sor.u32 s3, s0;
	s1 =	sshll.u32 s1, $0x11  }
0xc1: {  	s0 =	sor.u32 s1, s0  }
0xc2: {  	s0 =	sadd.s32 $0x8F2B, s0  }
0xc3: {  	[sflag:s0] =	ssyncadd.remote.s32 $0x1  }
0xc4: {  	_ =	sfence.sel $0xFFFF  }
0xc5: {  	[dreg:$0x0] =	wrdreg $0xFFFFFFFF;
	(pc) =	sbr.abs _section_cstart, $3  }
0xc6: {  	[dreg:$0x1] =	wrdreg $0xFFFFFFFF  }
0xc7: {  	_ =	task.clear_ibuf [dreg:s7], $0x2FFFF;
	_ =	strace $0x9FFFFFFF  }
0xc8: {  	(tm) =	ssettm $0x7FFFFFFF  }
0xc9: {  	_ =	shalt  }
tec
execute0_lowered:
.L_overlay_start_1:
0x0: {  	(tag) =	ssettag $0x1  }
0x1: {  	s1 =	srdreg.scid  }
0x2: {  	s0 =	stileid.u32;
	s5 =	sand.u32 $0x1, s1  }
0x3: {  	s6 =	rddreg [dreg:$0x0];
	s30 =	sshll.u32 s0, $0x8;
	s2 =	sshll.u32 s5, $0x7  }
0x4: {  	s7 =	rddreg [dreg:$0x1];
	s8 =	sor.u32 s2, s30  }
0x5: {  	s1 =	rddreg [dreg:$0x2];
	s2 =	simm.s32 $0x0;
	s3 =	sshrl.u32 s8, $0x3  }
0x6: {  	[smem:$0x7FF] =	sst s2;
	s3 =	sadd.s32 s3, s6  }
0x7: {  	_ =	strace $0x80000047;
	s4 =	sadd.s32 $0x800, s3;
	s3 =	simm.s32 $0x2  }
0x8: {  	[tilespmem:s2], [sflag:$0x2] =	stream.linear.gather [hbm4b:s4+s2], $0x80, $0x38;
	[tilespmem:$0x2080] =	vst v63  }
0x9: {  	_ =	swait.ge [sflag:s3], $0x80  }
0xa: {  	[sflag:s3] =	ssyncset.done $0x0  }
0xb: {  	[sflag:s3] =	ssyncadd.s32 $0xFFFFFF80  }
0xc: {  	v1 =	vld [tilespmem:$0x70]  }
0xd: {  	v2 =	vld [tilespmem:$0x30]  }
0xe: {  	s9 =	sshll.u32 s0, $0xD;
	v3 =	vld [tilespmem:$0x50]  }
0xf: {  	s9 =	sand.u32 $0x1C000, s9;
	v4 =	vld [tilespmem:$0x40]  }
0x10: {  	s5 =	ssub.s32 $0x2, s5;
	v0 =	vmov s9;
	v5 =	vld [tilespmem:$0x60]  }
0x11: {  	s31 =	sshrl.u32 s5, $0x1;
	v6 =	vld [tilespmem:$0x20];
	v1 =	vadd.s32 v0, v1  }
0x12: {  	s5 =	ssub.s32 s5, s31;
	v7 =	vld [tilespmem:$0x10];
	v2 =	vadd.s32 v0, v2;
	[tilespmem:$0x70] =	vst v1  }
0x13: {  	s9 =	smax.u32 s5, $0x1;
	v1 =	vld [tilespmem:$0x0];
	[tilespmem:$0x30] =	vst v2;
	v2 =	vadd.s32 v0, v3  }
0x14: {  	p0 =	sne.s32 s9, $0x1;
	v3 =	vadd.s32 v0, v4;
	[tilespmem:$0x50] =	vst v2  }
.Ltmp0:
0x15: {  	[tilespmem:$0x40] =	vst v3;
	v2 =	vadd.s32 v0, v5;
	(pc) =	sbr.rel @!p0 .LBB2_2-.Ltmp0, $4  }
0x16: {  	v3 =	vadd.s32 v0, v6;
	[tilespmem:$0x60] =	vst v2  }
0x17: {  	s8 =	sshll.u32 s8, $0x3;
	v2 =	vadd.s32 v0, v7;
	[tilespmem:$0x20] =	vst v3  }
0x18: {  	s6 =	sadd.s32 $0x200A00, s6;
	s5 =	sadd.s32 s7, s8;
	[tilespmem:$0x10] =	vst v2;
	v1 =	vadd.s32 v0, v1  }
0x19: {  	s7 =	simm.s32 $0x80;
	s8 =	simm.s32 $0x1;
	s9 =	sadd.s32 $0xFFFFFFFF, s9;
	[tilespmem:$0x0] =	vst v1  }
.LBB2_1:
0x1a: {  	[tilespmem:s7], [sflag:$0x1] =	stream.indirect.gather [hbm4b:s6+s7], $0x40, s2, s7, $0xb8;
	[tilespmem:$0x2080] =	vst v63  }
0x1b: {  	p0 =	sne.s32 s9, $0x1;
	s9 =	sadd.s32 $0xFFFFFFFF, s9;
	_ =	swait.ge [sflag:s8], $0x2000  }
0x1c: {  	[sflag:s8] =	ssyncset.done $0x0  }
0x1d: {  	[sflag:s8] =	ssyncadd.s32 $0xFFFFE000  }
0x1e: {  	[hbm4b:s5+s2] =	stream.linear.scatter [tilespmem:s7], [sflag:$0x2], $0x2000, $0x38;
	[tilespmem:$0x2080] =	vst v63  }
0x1f: {  	_ =	swait.ge [sflag:s3], $0x2000  }
0x20: {  	[sflag:s3] =	ssyncset.done $0x0  }
0x21: {  	[sflag:s3] =	ssyncadd.s32 $0xFFFFE000  }
0x22: {  	[tilespmem:s2], [sflag:$0x2] =	stream.linear.gather [hbm4b:s4+s2], $0x80, $0x38;
	[tilespmem:$0x2080] =	vst v63  }
0x23: {  	_ =	swait.ge [sflag:s3], $0x80  }
0x24: {  	[sflag:s3] =	ssyncset.done $0x0  }
0x25: {  	[sflag:s3] =	ssyncadd.s32 $0xFFFFFF80  }
0x26: {  	v1 =	vld [tilespmem:$0x70]  }
0x27: {  	v2 =	vld [tilespmem:$0x30]  }
0x28: {  	v3 =	vld [tilespmem:$0x50]  }
0x29: {  	v4 =	vld [tilespmem:$0x40]  }
0x2a: {  	v5 =	vld [tilespmem:$0x60]  }
0x2b: {  	v6 =	vld [tilespmem:$0x20];
	v1 =	vadd.s32 v0, v1  }
0x2c: {  	v7 =	vld [tilespmem:$0x10];
	v2 =	vadd.s32 v0, v2;
	[tilespmem:$0x70] =	vst v1  }
0x2d: {  	v1 =	vld [tilespmem:$0x0];
	[tilespmem:$0x30] =	vst v2;
	v2 =	vadd.s32 v0, v3  }
0x2e: {  	v3 =	vadd.s32 v0, v4;
	[tilespmem:$0x50] =	vst v2  }
.Ltmp1:
0x2f: {  	[tilespmem:$0x40] =	vst v3;
	v2 =	vadd.s32 v0, v5;
	(pc) =	sbr.rel @p0 .LBB2_1-.Ltmp1, $4  }
0x30: {  	v3 =	vadd.s32 v0, v6;
	[tilespmem:$0x60] =	vst v2  }
0x31: {  	v2 =	vadd.s32 v0, v7;
	[tilespmem:$0x20] =	vst v3  }
0x32: {  	v1 =	vadd.s32 v0, v1;
	[tilespmem:$0x10] =	vst v2  }
0x33: {  	[tilespmem:$0x0] =	vst v1  }
.LBB2_2:
0x34: {  	[tilespmem:s7], [sflag:$0x1] =	stream.indirect.gather [hbm4b:s6+s7], $0x40, s2, s7, $0xb8;
	[tilespmem:$0x2080] =	vst v63  }
0x35: {  	_ =	swait.ge [sflag:s8], $0x2000  }
0x36: {  	[sflag:s8] =	ssyncset.done $0x0  }
0x37: {  	[sflag:s8] =	ssyncadd.s32 $0xFFFFE000  }
0x38: {  	[hbm4b:s5+s2] =	stream.linear.scatter [tilespmem:s7], [sflag:$0x2], $0x2000, $0x38;
	[tilespmem:$0x2080] =	vst v63  }
0x39: {  	_ =	swait.ge [sflag:s3], $0x2000  }
0x3a: {  	[sflag:s3] =	ssyncset.done $0x0  }
0x3b: {  	[sflag:s3] =	ssyncadd.s32 $0xFFFFE000  }
0x3c: {  	_ =	sfence.sel $0x180000  }
0x3d: {  	[bflag:$0x0] =	sbarrier.arrive $0xFFFF  }
0x3e: {  	p0 =	sne.s32 s0, $0x0;
	_ =	strace $0x90000047  }
0x3f: {  	s0 =	sadd.s32 @!p0 $0x100000, s1;
	[bflag:$0x2] =	sbarrier.arrive $0xFFFF  }
0x40: {  	[sflag:s0] =	ssyncadd.tile.s32 @!p0 $0x1;
	_ =	shalt  }
.Lfunc_end2:
_tile_overlayer_lowered:
.L_overlay_start_2:
0x41: {  	(tag) =	ssettag $0x2  }
0x42: {  	s0 =	rddreg [dreg:$0x0];
	s2 =	stileid.u32  }
0x43: {  	s1 =	rddreg [dreg:$0x1];
	p0 =	sne.s32 s2, $0x0  }
0x44: {  	s3 =	rddreg [dreg:$0x2];
	[bflag:$0x3] =	sbarrier.arrive $0xFFFF;
	s2 =	simm.s32 @!p0 $0x1C02  }
0x45: {  	[timem:s3], [sflag:s2] =	dma.local @!p0 [hbm:s0], s1  }
0x46: {  	s0 =	simm.s32 @!p0 $0x2  }
0x47: {  	_ =	swait.ge @!p0 [sflag:s0], s1  }
0x48: {  	s1 =	ssub.s32 @!p0 $0x0, s1;
	[sflag:s0] =	ssyncset.done @!p0 $0x0  }
0x49: {  	[sflag:s0] =	ssyncadd.s32 @!p0 s1  }
0x4a: {  	[bflag:$0x3] =	sbarrier.arrive $0xFFFF  }
0x4b: {  	_ =	shalt  }

</sc_bundles>
